<compile_context>
chip_gen: v7x
topology: tpu7x:2x2x1
jax: 0.10.2.dev20260603
libtpu: 0.0.44.dev20260713+nightly
codegen_flags: <defaults>
</compile_context>

<pallas_src>
import jax
import jax.numpy as jnp
from jax import lax
from jax.experimental import pallas as pl
from jax.experimental.pallas import tpu as pltpu
from jax.experimental.pallas import tpu_sc as plsc

N = 10000
E = 320000
NEG = 0.2

NC = 2
NS = 16
NW = NC * NS
EPW = E // NW
CH = 80
NCHUNK = EPW // CH
NPAIR = (NCHUNK + 1) // 2
NZC = N // CH
NZI = (NZC + NS - 1) // NS

D0 = 136
D1 = 80


def _leaky_exp(e):
    e = jnp.where(e > 0.0, e, NEG * e)
    return jnp.exp(e)


_GD = lax.GatherDimensionNumbers(
    offset_dims=(), collapsed_slice_dims=(0,), start_index_map=(0,))


def _splat(v, idx):
    return lax.gather(v, idx[:, None], _GD, slice_sizes=(1,),
                      mode=lax.GatherScatterMode.PROMISE_IN_BOUNDS)



def _tc_proj0(feat, W0, al0f, ar0f, seg, F0, er0p):
    ft = jnp.dot(feat[...], W0[...], preferred_element_type=jnp.float32)
    el = jnp.dot(ft * al0f[...], seg[...], preferred_element_type=jnp.float32)
    er = jnp.dot(ft * ar0f[...], seg[...], preferred_element_type=jnp.float32)
    F0[:, 0:128] = ft
    F0[:, 128:136] = el
    er0p[:, 0:8] = jnp.zeros((N, 8), jnp.float32)
    er0p[:, 8:16] = er


def _tc_mid(acc, W1, al1c, ar1c, resW1, segt, F1, er1p, res):
    a = acc[0] + acc[1]
    num = a[:, 0:128]
    den = a[:, 128:136]
    denw = jnp.dot(den, segt[...], preferred_element_type=jnp.float32)
    h0 = num / (denw + 1e-9)
    h0 = jnp.where(h0 > 0.0, h0, jnp.exp(h0) - 1.0)
    ft1 = jnp.dot(h0, W1[...], preferred_element_type=jnp.float32)
    el1 = jnp.dot(ft1, al1c[...], preferred_element_type=jnp.float32)
    er1 = jnp.dot(ft1, ar1c[...], preferred_element_type=jnp.float32)
    F1[:, 0:64] = ft1
    F1[:, 64:65] = el1
    F1[:, 65:80] = jnp.zeros((N, 15), jnp.float32)
    er1p[:, 0:1] = er1
    er1p[:, 1:16] = jnp.zeros((N, 15), jnp.float32)
    res[...] = jnp.dot(h0, resW1[...], preferred_element_type=jnp.float32)


def _tc_final(acc, res, out):
    a = acc[0] + acc[1]
    out[...] = a[:, 0:64] / (a[:, 64:65] + 1e-9) + res[...]



def _zero_buf(G, d):
    @plsc.parallel_loop(0, CH)
    def zrow(i):
        for j in range(d // 16):
            G[i, pl.ds(j * 16, 16)] = jnp.zeros((16,), jnp.float32)
        if d % 16:
            G[i, pl.ds(d - 16, 16)] = jnp.zeros((16,), jnp.float32)


def _zero_acc(G, acc, s):
    def zacc(i, _):
        j = s + i * NS

        @pl.when(j < NZC)
        def _():
            pltpu.sync_copy(G, acc.at[pl.ds(j * CH, CH)])
        return 0
    lax.fori_loop(0, NZI, zacc, 0)


def _acc_out(acc, out, c, s):
    def outp(i, _):
        j = s + i * NS

        @pl.when(j < NZC)
        def _():
            pltpu.sync_copy(acc.at[pl.ds(j * CH, CH)],
                            out.at[c, pl.ds(j * CH, CH)])
        return 0
    lax.fori_loop(0, NZI, outp, 0)


def _sc_layer0(F0, erp, srcr, dstr, out, acc, ids_s, ids_d,
               Ga, Gb, Ra, Rb, s1a, s2a, s1b, s2b):
    c = lax.axis_index("c")
    s = lax.axis_index("s")
    wid = c * NS + s

    _zero_buf(Ga, D0)
    _zero_acc(Ga, acc, s)
    plsc.subcore_barrier()

    pltpu.sync_copy(srcr.at[wid], ids_s)
    pltpu.sync_copy(dstr.at[wid], ids_d)

    hvecs = [jnp.full((16,), 8 + h, jnp.int32) for h in range(8)]
    lanes = lax.iota(jnp.int32, 16)
    cw = lanes + 120
    wmask = lanes >= 8

    def start_g(i, G, R, sg, sr):
        pltpu.make_async_copy(F0.at[ids_s.at[i]], G, sg).start()
        pltpu.make_async_copy(erp.at[ids_d.at[i]], R, sr).start()

    def wait_g(i, G, R, sg, sr):
        pltpu.make_async_copy(F0.at[ids_s.at[i]], G, sg).wait()
        pltpu.make_async_copy(erp.at[ids_d.at[i]], R, sr).wait()

    def compute(G, R):
        @plsc.parallel_loop(0, CH, unroll=4)
        def edge(k):
            ev = G[k, pl.ds(120, 16)]
            rv = R[k, pl.ds(0, 16)]
            w = _leaky_exp(ev + rv)
            kvec = jnp.full((16,), k, jnp.int32)
            plsc.store_scatter(G, [kvec, cw], w, mask=wmask)
            for h in range(8):
                wh = _splat(w, hvecs[h])
                G[k, pl.ds(h * 16, 16)] = G[k, pl.ds(h * 16, 16)] * wh

    start_g(0, Ga, Ra, s1a, s2a)

    def pair(p, _):
        i = 2 * p
        wait_g(i, Ga, Ra, s1a, s2a)

        @pl.when(i + 1 < NCHUNK)
        def _():
            start_g(i + 1, Gb, Rb, s1b, s2b)
        compute(Ga, Ra)
        pltpu.sync_copy(Ga, acc.at[ids_d.at[i]], add=True)

        @pl.when(i + 1 < NCHUNK)
        def _():
            wait_g(i + 1, Gb, Rb, s1b, s2b)

            @pl.when(i + 2 < NCHUNK)
            def _():
                start_g(i + 2, Ga, Ra, s1a, s2a)
            compute(Gb, Rb)
            pltpu.sync_copy(Gb, acc.at[ids_d.at[i + 1]], add=True)
        return 0
    lax.fori_loop(0, NPAIR, pair, 0)
    plsc.subcore_barrier()

    _acc_out(acc, out, c, s)


def _sc_layer1(F1, erp, srcr, dstr, out, acc, ids_s, ids_d,
               Ga, Gb, Ra, Rb, s1a, s2a, s1b, s2b):
    c = lax.axis_index("c")
    s = lax.axis_index("s")
    wid = c * NS + s

    _zero_buf(Ga, D1)
    _zero_acc(Ga, acc, s)
    plsc.subcore_barrier()

    pltpu.sync_copy(srcr.at[wid], ids_s)
    pltpu.sync_copy(dstr.at[wid], ids_d)

    lanes = lax.iota(jnp.int32, 16)
    c64 = jnp.full((16,), 64, jnp.int32)
    c0 = jnp.full((16,), 0, jnp.int32)

    def start_g(i, G, R, sg, sr):
        pltpu.make_async_copy(F1.at[ids_s.at[i]], G, sg).start()
        pltpu.make_async_copy(erp.at[ids_d.at[i]], R, sr).start()

    def wait_g(i, G, R, sg, sr):
        pltpu.make_async_copy(F1.at[ids_s.at[i]], G, sg).wait()
        pltpu.make_async_copy(erp.at[ids_d.at[i]], R, sr).wait()

    def compute(G, R):
        @plsc.parallel_loop(0, CH // 16)
        def att(j):
            rows = lanes + j * 16
            elv = plsc.load_gather(G, [rows, c64])
            erv = plsc.load_gather(R, [rows, c0])
            w = _leaky_exp(elv + erv)
            plsc.store_scatter(G, [rows, c64], w)

        @plsc.parallel_loop(0, CH, unroll=4)
        def edge(k):
            wv = G[k, pl.ds(64, 16)]
            wh = _splat(wv, c0)
            for q in range(4):
                G[k, pl.ds(q * 16, 16)] = G[k, pl.ds(q * 16, 16)] * wh

    start_g(0, Ga, Ra, s1a, s2a)

    def pair(p, _):
        i = 2 * p
        wait_g(i, Ga, Ra, s1a, s2a)

        @pl.when(i + 1 < NCHUNK)
        def _():
            start_g(i + 1, Gb, Rb, s1b, s2b)
        compute(Ga, Ra)
        pltpu.sync_copy(Ga, acc.at[ids_d.at[i]], add=True)

        @pl.when(i + 1 < NCHUNK)
        def _():
            wait_g(i + 1, Gb, Rb, s1b, s2b)

            @pl.when(i + 2 < NCHUNK)
            def _():
                start_g(i + 2, Ga, Ra, s1a, s2a)
            compute(Gb, Rb)
            pltpu.sync_copy(Gb, acc.at[ids_d.at[i + 1]], add=True)
        return 0
    lax.fori_loop(0, NPAIR, pair, 0)
    plsc.subcore_barrier()

    _acc_out(acc, out, c, s)


_MESH = plsc.VectorSubcoreMesh(core_axis_name="c", subcore_axis_name="s")
_SC_PARAMS = pltpu.CompilerParams(
    use_tc_tiling_on_sc=False, needs_layout_passes=False)

_sc0_call = pl.kernel(
    _sc_layer0,
    out_type=jax.ShapeDtypeStruct((NC, N, D0), jnp.float32),
    mesh=_MESH,
    scratch_types=[
        pltpu.VMEM_SHARED((N, D0), jnp.float32),
        pltpu.VMEM((NCHUNK, CH), jnp.int32),
        pltpu.VMEM((NCHUNK, CH), jnp.int32),
        pltpu.VMEM((CH, D0), jnp.float32),
        pltpu.VMEM((CH, D0), jnp.float32),
        pltpu.VMEM((CH, 16), jnp.float32),
        pltpu.VMEM((CH, 16), jnp.float32),
        pltpu.SemaphoreType.DMA,
        pltpu.SemaphoreType.DMA,
        pltpu.SemaphoreType.DMA,
        pltpu.SemaphoreType.DMA,
    ],
    compiler_params=_SC_PARAMS,
)

_sc1_call = pl.kernel(
    _sc_layer1,
    out_type=jax.ShapeDtypeStruct((NC, N, D1), jnp.float32),
    mesh=_MESH,
    scratch_types=[
        pltpu.VMEM_SHARED((N, D1), jnp.float32),
        pltpu.VMEM((NCHUNK, CH), jnp.int32),
        pltpu.VMEM((NCHUNK, CH), jnp.int32),
        pltpu.VMEM((CH, D1), jnp.float32),
        pltpu.VMEM((CH, D1), jnp.float32),
        pltpu.VMEM((CH, 16), jnp.float32),
        pltpu.VMEM((CH, 16), jnp.float32),
        pltpu.SemaphoreType.DMA,
        pltpu.SemaphoreType.DMA,
        pltpu.SemaphoreType.DMA,
        pltpu.SemaphoreType.DMA,
    ],
    compiler_params=_SC_PARAMS,
)


def kernel(feat, edge_index, W0, al0, ar0, W1, al1, ar1, resW1):
    src = edge_index[0].astype(jnp.int32).reshape(NW, NCHUNK, CH)
    dst = edge_index[1].astype(jnp.int32).reshape(NW, NCHUNK, CH)

    seg = jnp.repeat(jnp.eye(8, dtype=jnp.float32), 16, axis=0)
    segt = seg.T
    al0f = al0.reshape(1, 128)
    ar0f = ar0.reshape(1, 128)
    al1c = al1.reshape(64, 1)
    ar1c = ar1.reshape(64, 1)

    F0, er0p = pl.pallas_call(
        _tc_proj0,
        out_shape=[
            jax.ShapeDtypeStruct((N, D0), jnp.float32),
            jax.ShapeDtypeStruct((N, 16), jnp.float32),
        ],
    )(feat, W0, al0f, ar0f, seg)

    acc0 = _sc0_call(F0, er0p, src, dst)

    F1, er1p, res = pl.pallas_call(
        _tc_mid,
        out_shape=[
            jax.ShapeDtypeStruct((N, D1), jnp.float32),
            jax.ShapeDtypeStruct((N, 16), jnp.float32),
            jax.ShapeDtypeStruct((N, 64), jnp.float32),
        ],
    )(acc0, W1, al1c, ar1c, resW1, segt)

    acc1 = _sc1_call(F1, er1p, src, dst)

    out = pl.pallas_call(
        _tc_final,
        out_shape=jax.ShapeDtypeStruct((N, 64), jnp.float32),
    )(acc1, res)
    return out

# --- scband reference (transcript-rebuilt; emitter-appended) ---
"""Pipeline reference for scband-gat-76081050682032 (READ-ONLY COPY).

The authoritative reference and input builder live on the scoring server;
editing this copy changes nothing except your own understanding.
"""

import jax, jax.numpy as jnp
import numpy as np

N = 10000
E = 320000
NEG_SLOPE = 0.2


def setup_inputs(seed: int = 0) -> dict:
    key = jax.random.key(seed)
    ks = jax.random.split(key, 10)
    feat = jax.random.normal(ks[0], (N, 128), dtype=jnp.float32)
    edge_index = jax.random.randint(ks[1], (2, E), 0, N)
    W0 = jax.random.normal(ks[2], (128, 8 * 16), dtype=jnp.float32) * 0.1
    al0 = jax.random.normal(ks[3], (8, 16), dtype=jnp.float32) * 0.1
    ar0 = jax.random.normal(ks[4], (8, 16), dtype=jnp.float32) * 0.1
    W1 = jax.random.normal(ks[5], (128, 1 * 64), dtype=jnp.float32) * 0.1
    al1 = jax.random.normal(ks[6], (1, 64), dtype=jnp.float32) * 0.1
    ar1 = jax.random.normal(ks[7], (1, 64), dtype=jnp.float32) * 0.1
    resW1 = jax.random.normal(ks[8], (128, 64), dtype=jnp.float32) * 0.1
    return {"feat": feat, "edge_index": edge_index, "W0": W0, "al0": al0, "ar0": ar0,
            "W1": W1, "al1": al1, "ar1": ar1, "resW1": resW1}


def _gat_layer(x, src, dst, W, al, ar, heads, out_dim, res_W=None):
    # fc projection: [N, in] @ [in, H*D] -> [N, H, D]
    ft = (x @ W).reshape(N, heads, out_dim)
    # attention logits per node (left = src contribution, right = dst contribution)
    el = jnp.sum(ft * al[None, :, :], axis=-1)  # [N, H]
    er = jnp.sum(ft * ar[None, :, :], axis=-1)  # [N, H]
    e = el[src] + er[dst]                        # [E, H]
    e = jnp.where(e > 0, e, NEG_SLOPE * e)       # leaky_relu
    # edge softmax over incoming edges of each dst node
    emax = jax.ops.segment_max(e, dst, num_segments=N)
    emax = jnp.where(jnp.isfinite(emax), emax, 0.0)
    emax = jax.lax.stop_gradient(emax)
    ee = jnp.exp(e - emax[dst])
    den = jax.ops.segment_sum(ee, dst, num_segments=N)
    alpha = ee / (den[dst] + 1e-9)               # [E, H]
    # message passing: gather src features, weight by alpha, scatter-add to dst
    msg = ft[src] * alpha[:, :, None]            # [E, H, D]
    out = jax.ops.segment_sum(msg, dst, num_segments=N)  # [N, H, D]
    if res_W is not None:
        out = out + (x @ res_W).reshape(N, heads, out_dim)
    return out


def reference(feat, edge_index, W0, al0, ar0, W1, al1, ar1, resW1):
    src = edge_index[0]
    dst = edge_index[1]
    # layer 0: in=128 -> hid=16, heads=8, no residual, elu activation, flatten heads
    h = _gat_layer(feat, src, dst, W0, al0, ar0, 8, 16)
    h = jax.nn.elu(h)
    h = h.reshape(N, 8 * 16)
    # layer 1 (last): in=128 -> classes=64, heads=1, residual, no activation, mean over heads
    h = _gat_layer(h, src, dst, W1, al1, ar1, 1, 64, res_W=resW1)
    return h.mean(axis=1)

if __name__ == "__main__":
    import jax
    _d = setup_inputs()
    print(jax.jit(kernel)(*tuple(_d.values())))

</pallas_src>

<mosaic_0001>
#map = affine_map<(d0, d1) -> (0, 0)>
#map1 = affine_map<(d0, d1) -> (0, 0, 0)>
module attributes {stable_mosaic.version = 14 : i64} {
  func.func @_sc_layer1(%arg0: i32, %arg1: i32, %arg2: memref<10000x80xf32, #tpu.memory_space<hbm>>, %arg3: memref<10000x16xf32, #tpu.memory_space<hbm>>, %arg4: memref<32x125x80xi32, #tpu.memory_space<hbm>>, %arg5: memref<32x125x80xi32, #tpu.memory_space<hbm>>, %arg6: memref<2x10000x80xf32, #tpu.memory_space<hbm>>, %arg7: memref<10000x80xf32, #tpu.memory_space<vmem_shared>>, %arg8: memref<125x80xi32, #tpu.memory_space<vmem>>, %arg9: memref<125x80xi32, #tpu.memory_space<vmem>>, %arg10: memref<80x80xf32, #tpu.memory_space<vmem>>, %arg11: memref<80x80xf32, #tpu.memory_space<vmem>>, %arg12: memref<80x16xf32, #tpu.memory_space<vmem>>, %arg13: memref<80x16xf32, #tpu.memory_space<vmem>>, %arg14: memref<!tpu.dma_semaphore, #tpu.memory_space<semaphore_mem>>, %arg15: memref<!tpu.dma_semaphore, #tpu.memory_space<semaphore_mem>>, %arg16: memref<!tpu.dma_semaphore, #tpu.memory_space<semaphore_mem>>, %arg17: memref<!tpu.dma_semaphore, #tpu.memory_space<semaphore_mem>>) attributes {dimension_semantics = [#tpu.dimension_semantics<core_parallel>, #tpu.dimension_semantics<subcore_parallel>], iteration_bounds = array<i64: 2, 16>, scalar_prefetch = 0 : i64, scratch_operands = 11 : i64, tpu.core_type = #tpu.core_type<sc_vector_subcore>, window_params = [{transform_indices = #map}, {transform_indices = #map}, {transform_indices = #map1}, {transform_indices = #map1}, {transform_indices = #map1}]} {
    %mul3A = arith.constant 16 : i32
    %mul3A_0 = arith.muli %arg0, %mul3A : i32
    %add3A = arith.addi %mul3A_0, %arg1 : i32
    %parallel_loop3A = arith.constant 0 : i32
    %parallel_loop3A_1 = arith.constant 80 : i32
    %parallel_loop3A_2 = arith.constant 1 : i32
    scf.for %parallel_loop3A_40 = %parallel_loop3A to %parallel_loop3A_1 step %parallel_loop3A_2  : i32 {
      %parallel_loop3A_41 = arith.constant 0.000000e+00 : f32
      %parallel_loop3A_42 = vector.broadcast %parallel_loop3A_41 : f32 to vector<16xf32>
      %parallel_loop3A_43 = arith.index_cast %parallel_loop3A_40 : i32 to index
      %parallel_loop3A_44 = arith.constant 0 : index
      %parallel_loop3A_45 = tpu.vector_load %arg10[%parallel_loop3A_43, %parallel_loop3A_44] {strides = array<i32>} : memref<80x80xf32, #tpu.memory_space<vmem>>, vector<16xf32>,
      tpu.vector_store %arg10[%parallel_loop3A_43, %parallel_loop3A_44], %parallel_loop3A_42 {strides = array<i32>} : memref<80x80xf32, #tpu.memory_space<vmem>>, vector<16xf32>,
      %parallel_loop3A_46 = arith.constant 0.000000e+00 : f32
      %parallel_loop3A_47 = vector.broadcast %parallel_loop3A_46 : f32 to vector<16xf32>
      %parallel_loop3A_48 = arith.index_cast %parallel_loop3A_40 : i32 to index
      %parallel_loop3A_49 = arith.constant 16 : index
      %parallel_loop3A_50 = tpu.vector_load %arg10[%parallel_loop3A_48, %parallel_loop3A_49] {strides = array<i32>} : memref<80x80xf32, #tpu.memory_space<vmem>>, vector<16xf32>,
      tpu.vector_store %arg10[%parallel_loop3A_48, %parallel_loop3A_49], %parallel_loop3A_47 {strides = array<i32>} : memref<80x80xf32, #tpu.memory_space<vmem>>, vector<16xf32>,
      %parallel_loop3A_51 = arith.constant 0.000000e+00 : f32
      %parallel_loop3A_52 = vector.broadcast %parallel_loop3A_51 : f32 to vector<16xf32>
      %parallel_loop3A_53 = arith.index_cast %parallel_loop3A_40 : i32 to index
      %parallel_loop3A_54 = arith.constant 32 : index
      %parallel_loop3A_55 = tpu.vector_load %arg10[%parallel_loop3A_53, %parallel_loop3A_54] {strides = array<i32>} : memref<80x80xf32, #tpu.memory_space<vmem>>, vector<16xf32>,
      tpu.vector_store %arg10[%parallel_loop3A_53, %parallel_loop3A_54], %parallel_loop3A_52 {strides = array<i32>} : memref<80x80xf32, #tpu.memory_space<vmem>>, vector<16xf32>,
      %parallel_loop3A_56 = arith.constant 0.000000e+00 : f32
      %parallel_loop3A_57 = vector.broadcast %parallel_loop3A_56 : f32 to vector<16xf32>
      %parallel_loop3A_58 = arith.index_cast %parallel_loop3A_40 : i32 to index
      %parallel_loop3A_59 = arith.constant 48 : index
      %parallel_loop3A_60 = tpu.vector_load %arg10[%parallel_loop3A_58, %parallel_loop3A_59] {strides = array<i32>} : memref<80x80xf32, #tpu.memory_space<vmem>>, vector<16xf32>,
      tpu.vector_store %arg10[%parallel_loop3A_58, %parallel_loop3A_59], %parallel_loop3A_57 {strides = array<i32>} : memref<80x80xf32, #tpu.memory_space<vmem>>, vector<16xf32>,
      %parallel_loop3A_61 = arith.constant 0.000000e+00 : f32
      %parallel_loop3A_62 = vector.broadcast %parallel_loop3A_61 : f32 to vector<16xf32>
      %parallel_loop3A_63 = arith.index_cast %parallel_loop3A_40 : i32 to index
      %parallel_loop3A_64 = arith.constant 64 : index
      %parallel_loop3A_65 = tpu.vector_load %arg10[%parallel_loop3A_63, %parallel_loop3A_64] {strides = array<i32>} : memref<80x80xf32, #tpu.memory_space<vmem>>, vector<16xf32>,
      tpu.vector_store %arg10[%parallel_loop3A_63, %parallel_loop3A_64], %parallel_loop3A_62 {strides = array<i32>} : memref<80x80xf32, #tpu.memory_space<vmem>>, vector<16xf32>,
    } {sc.loop_unroll_factor = 1 : i64, sc.parallel_access}
    %scan3A = arith.constant 0 : i32
    %scan3A_3 = arith.constant 0 : i32
    %scan3A_4 = arith.constant 8 : i32
    %scan3A_5 = arith.addi %scan3A_3, %scan3A_4 : i32
    %scan3A_6 = arith.constant 1 : i32
    %scan3A_7 = scf.for %scan3A_40 = %scan3A_3 to %scan3A_5 step %scan3A_6 iter_args(%scan3A_41 = %scan3A) -> (i32)  : i32 {
      %mul3A_42 = arith.constant 16 : i32
      %mul3A_43 = arith.muli %scan3A_40, %mul3A_42 : i32
      %add3A_44 = arith.addi %arg1, %mul3A_43 : i32
      %lt3A = arith.constant 125 : i32
      %lt3A_45 = arith.cmpi slt, %add3A_44, %lt3A : i32
      %convert_element_type3A = arith.extui %lt3A_45 : i1 to i32
      %cond3A = arith.constant 0 : i32
      %cond3A_46 = arith.cmpi ne, %convert_element_type3A, %cond3A : i32
      scf.if %cond3A_46 {
        %mul3A_48 = arith.constant 80 : i32
        %mul3A_49 = arith.muli %add3A_44, %mul3A_48 : i32
        "tpu.region"() ({
          %run_scoped3A = tpu.sem_alloc : memref<!tpu.dma_semaphore, #tpu.memory_space<semaphore_mem>>
          %dma_start3A_50 = arith.constant 0 : i32
          %dma_start3A_51 = tpu.memref_slice %arg7[%mul3A_49, %dma_start3A_50] : memref<10000x80xf32, #tpu.memory_space<vmem_shared>> -> memref<80x80xf32, #tpu.memory_space<vmem_shared>>
          %dma_start3A_52 = arith.constant 0 : i32
          %dma_start3A_53 = tpu.memref_slice %arg7[%mul3A_49, %dma_start3A_52] : memref<10000x80xf32, #tpu.memory_space<vmem_shared>> -> memref<80x80xf32, #tpu.memory_space<vmem_shared>>
          tpu.enqueue_dma source(%arg10 : memref<80x80xf32, #tpu.memory_space<vmem>>) target(%dma_start3A_53 : memref<80x80xf32, #tpu.memory_space<vmem_shared>>) target_semaphore(%run_scoped3A : memref<!tpu.dma_semaphore, #tpu.memory_space<semaphore_mem>>)
          %dma_wait3A = arith.constant 0 : i32
          %dma_wait3A_54 = tpu.memref_slice %arg7[%mul3A_49, %dma_wait3A] : memref<10000x80xf32, #tpu.memory_space<vmem_shared>> -> memref<80x80xf32, #tpu.memory_space<vmem_shared>>
          %dma_wait3A_55 = arith.constant 0 : i32
          %dma_wait3A_56 = tpu.memref_slice %arg7[%mul3A_49, %dma_wait3A_55] : memref<10000x80xf32, #tpu.memory_space<vmem_shared>> -> memref<80x80xf32, #tpu.memory_space<vmem_shared>>
          tpu.wait_dma2 semaphore(%run_scoped3A : memref<!tpu.dma_semaphore, #tpu.memory_space<semaphore_mem>>) src(%arg10 : memref<80x80xf32, #tpu.memory_space<vmem>>) dst(%dma_wait3A_56 : memref<80x80xf32, #tpu.memory_space<vmem_shared>>)
          tpu.yield
        }) : () -> ()
      } else {
      }
      %scan3A_47 = arith.constant 0 : i32
      scf.yield %scan3A_47 : i32
    }
    %scan3A_8 = arith.constant 8 : i32
    %barrier3A = arith.constant 0 : index
    tpu.barrier barrier_id(%barrier3A)
    "tpu.region"() ({
      %run_scoped3A = tpu.sem_alloc : memref<!tpu.dma_semaphore, #tpu.memory_space<semaphore_mem>>
      %dma_start3A_40 = arith.constant 0 : i32
      %dma_start3A_41 = arith.constant 0 : i32
      %dma_start3A_42 = tpu.memref_slice %arg4[%add3A, %dma_start3A_40, %dma_start3A_41] : memref<32x125x80xi32, #tpu.memory_space<hbm>> -> memref<1x125x80xi32, #tpu.memory_space<hbm>>
      %dma_start3A_43 = tpu.memref_squeeze %dma_start3A_42 : memref<1x125x80xi32, #tpu.memory_space<hbm>> -> memref<125x80xi32, #tpu.memory_space<hbm>>
      %dma_start3A_44 = arith.constant 0 : i32
      %dma_start3A_45 = arith.constant 0 : i32
      %dma_start3A_46 = tpu.memref_slice %arg4[%add3A, %dma_start3A_44, %dma_start3A_45] : memref<32x125x80xi32, #tpu.memory_space<hbm>> -> memref<1x125x80xi32, #tpu.memory_space<hbm>>
      %dma_start3A_47 = tpu.memref_squeeze %dma_start3A_46 : memref<1x125x80xi32, #tpu.memory_space<hbm>> -> memref<125x80xi32, #tpu.memory_space<hbm>>
      tpu.enqueue_dma source(%dma_start3A_47 : memref<125x80xi32, #tpu.memory_space<hbm>>) target(%arg8 : memref<125x80xi32, #tpu.memory_space<vmem>>) target_semaphore(%run_scoped3A : memref<!tpu.dma_semaphore, #tpu.memory_space<semaphore_mem>>)
      %dma_wait3A = arith.constant 0 : i32
      %dma_wait3A_48 = arith.constant 0 : i32
      %dma_wait3A_49 = tpu.memref_slice %arg4[%add3A, %dma_wait3A, %dma_wait3A_48] : memref<32x125x80xi32, #tpu.memory_space<hbm>> -> memref<1x125x80xi32, #tpu.memory_space<hbm>>
      %dma_wait3A_50 = tpu.memref_squeeze %dma_wait3A_49 : memref<1x125x80xi32, #tpu.memory_space<hbm>> -> memref<125x80xi32, #tpu.memory_space<hbm>>
      %dma_wait3A_51 = arith.constant 0 : i32
      %dma_wait3A_52 = arith.constant 0 : i32
      %dma_wait3A_53 = tpu.memref_slice %arg4[%add3A, %dma_wait3A_51, %dma_wait3A_52] : memref<32x125x80xi32, #tpu.memory_space<hbm>> -> memref<1x125x80xi32, #tpu.memory_space<hbm>>
      %dma_wait3A_54 = tpu.memref_squeeze %dma_wait3A_53 : memref<1x125x80xi32, #tpu.memory_space<hbm>> -> memref<125x80xi32, #tpu.memory_space<hbm>>
      tpu.wait_dma2 semaphore(%run_scoped3A : memref<!tpu.dma_semaphore, #tpu.memory_space<semaphore_mem>>) src(%dma_wait3A_54 : memref<125x80xi32, #tpu.memory_space<hbm>>) dst(%arg8 : memref<125x80xi32, #tpu.memory_space<vmem>>)
      tpu.yield
    }) : () -> ()
    "tpu.region"() ({
      %run_scoped3A = tpu.sem_alloc : memref<!tpu.dma_semaphore, #tpu.memory_space<semaphore_mem>>
      %dma_start3A_40 = arith.constant 0 : i32
      %dma_start3A_41 = arith.constant 0 : i32
      %dma_start3A_42 = tpu.memref_slice %arg5[%add3A, %dma_start3A_40, %dma_start3A_41] : memref<32x125x80xi32, #tpu.memory_space<hbm>> -> memref<1x125x80xi32, #tpu.memory_space<hbm>>
      %dma_start3A_43 = tpu.memref_squeeze %dma_start3A_42 : memref<1x125x80xi32, #tpu.memory_space<hbm>> -> memref<125x80xi32, #tpu.memory_space<hbm>>
      %dma_start3A_44 = arith.constant 0 : i32
      %dma_start3A_45 = arith.constant 0 : i32
      %dma_start3A_46 = tpu.memref_slice %arg5[%add3A, %dma_start3A_44, %dma_start3A_45] : memref<32x125x80xi32, #tpu.memory_space<hbm>> -> memref<1x125x80xi32, #tpu.memory_space<hbm>>
      %dma_start3A_47 = tpu.memref_squeeze %dma_start3A_46 : memref<1x125x80xi32, #tpu.memory_space<hbm>> -> memref<125x80xi32, #tpu.memory_space<hbm>>
      tpu.enqueue_dma source(%dma_start3A_47 : memref<125x80xi32, #tpu.memory_space<hbm>>) target(%arg9 : memref<125x80xi32, #tpu.memory_space<vmem>>) target_semaphore(%run_scoped3A : memref<!tpu.dma_semaphore, #tpu.memory_space<semaphore_mem>>)
      %dma_wait3A = arith.constant 0 : i32
      %dma_wait3A_48 = arith.constant 0 : i32
      %dma_wait3A_49 = tpu.memref_slice %arg5[%add3A, %dma_wait3A, %dma_wait3A_48] : memref<32x125x80xi32, #tpu.memory_space<hbm>> -> memref<1x125x80xi32, #tpu.memory_space<hbm>>
      %dma_wait3A_50 = tpu.memref_squeeze %dma_wait3A_49 : memref<1x125x80xi32, #tpu.memory_space<hbm>> -> memref<125x80xi32, #tpu.memory_space<hbm>>
      %dma_wait3A_51 = arith.constant 0 : i32
      %dma_wait3A_52 = arith.constant 0 : i32
      %dma_wait3A_53 = tpu.memref_slice %arg5[%add3A, %dma_wait3A_51, %dma_wait3A_52] : memref<32x125x80xi32, #tpu.memory_space<hbm>> -> memref<1x125x80xi32, #tpu.memory_space<hbm>>
      %dma_wait3A_54 = tpu.memref_squeeze %dma_wait3A_53 : memref<1x125x80xi32, #tpu.memory_space<hbm>> -> memref<125x80xi32, #tpu.memory_space<hbm>>
      tpu.wait_dma2 semaphore(%run_scoped3A : memref<!tpu.dma_semaphore, #tpu.memory_space<semaphore_mem>>) src(%dma_wait3A_54 : memref<125x80xi32, #tpu.memory_space<hbm>>) dst(%arg9 : memref<125x80xi32, #tpu.memory_space<vmem>>)
      tpu.yield
    }) : () -> ()
    %iota3A = tpu.iota {dimensions = array<i32: 0>} : vector<16xi32>
    %broadcast_in_dim3A = arith.constant 64 : i32
    %broadcast_in_dim3A_9 = vector.broadcast %broadcast_in_dim3A : i32 to vector<16xi32>
    %broadcast_in_dim3A_10 = arith.constant 0 : i32
    %broadcast_in_dim3A_11 = vector.broadcast %broadcast_in_dim3A_10 : i32 to vector<16xi32>
    %dma_start3A = arith.constant 0 : i32
    %dma_start3A_12 = arith.constant 0 : i32
    %dma_start3A_13 = tpu.memref_slice %arg8[%dma_start3A, %dma_start3A_12] : memref<125x80xi32, #tpu.memory_space<vmem>> -> memref<1x80xi32, #tpu.memory_space<vmem>>
    %dma_start3A_14 = tpu.memref_squeeze %dma_start3A_13 : memref<1x80xi32, #tpu.memory_space<vmem>> -> memref<80xi32, #tpu.memory_space<vmem>>
    %dma_start3A_15 = arith.constant 0 : i32
    %dma_start3A_16 = arith.constant 0 : i32
    %dma_start3A_17 = tpu.memref_slice %arg2[%dma_start3A_15, %dma_start3A_16] : memref<10000x80xf32, #tpu.memory_space<hbm>> -> memref<10000x80xf32, #tpu.memory_space<hbm>>
    tpu.enqueue_indirect_dma source(%dma_start3A_17 : memref<10000x80xf32, #tpu.memory_space<hbm>>) target(%arg10 : memref<80x80xf32, #tpu.memory_space<vmem>>) offsets(%dma_start3A_14 : memref<80xi32, #tpu.memory_space<vmem>>) semaphore(%arg14 : memref<!tpu.dma_semaphore, #tpu.memory_space<semaphore_mem>>)
    %dma_start3A_18 = arith.constant 0 : i32
    %dma_start3A_19 = arith.constant 0 : i32
    %dma_start3A_20 = tpu.memref_slice %arg9[%dma_start3A_18, %dma_start3A_19] : memref<125x80xi32, #tpu.memory_space<vmem>> -> memref<1x80xi32, #tpu.memory_space<vmem>>
    %dma_start3A_21 = tpu.memref_squeeze %dma_start3A_20 : memref<1x80xi32, #tpu.memory_space<vmem>> -> memref<80xi32, #tpu.memory_space<vmem>>
    %dma_start3A_22 = arith.constant 0 : i32
    %dma_start3A_23 = arith.constant 0 : i32
    %dma_start3A_24 = tpu.memref_slice %arg3[%dma_start3A_22, %dma_start3A_23] : memref<10000x16xf32, #tpu.memory_space<hbm>> -> memref<10000x16xf32, #tpu.memory_space<hbm>>
    tpu.enqueue_indirect_dma source(%dma_start3A_24 : memref<10000x16xf32, #tpu.memory_space<hbm>>) target(%arg12 : memref<80x16xf32, #tpu.memory_space<vmem>>) offsets(%dma_start3A_21 : memref<80xi32, #tpu.memory_space<vmem>>) semaphore(%arg15 : memref<!tpu.dma_semaphore, #tpu.memory_space<semaphore_mem>>)
    %scan3A_25 = arith.constant 0 : i32
    %scan3A_26 = arith.constant 0 : i32
    %scan3A_27 = arith.constant 63 : i32
    %scan3A_28 = arith.addi %scan3A_26, %scan3A_27 : i32
    %scan3A_29 = arith.constant 1 : i32
    %scan3A_30 = scf.for %scan3A_40 = %scan3A_26 to %scan3A_28 step %scan3A_29 iter_args(%scan3A_41 = %scan3A_25) -> (i32)  : i32 {
      %mul3A_42 = arith.constant 2 : i32
      %mul3A_43 = arith.muli %mul3A_42, %scan3A_40 : i32
      %dma_wait3A = arith.constant 0 : i32
      %dma_wait3A_44 = tpu.memref_slice %arg8[%mul3A_43, %dma_wait3A] : memref<125x80xi32, #tpu.memory_space<vmem>> -> memref<1x80xi32, #tpu.memory_space<vmem>>
      %dma_wait3A_45 = tpu.memref_squeeze %dma_wait3A_44 : memref<1x80xi32, #tpu.memory_space<vmem>> -> memref<80xi32, #tpu.memory_space<vmem>>
      %dma_wait3A_46 = arith.constant 0 : i32
      %dma_wait3A_47 = arith.constant 0 : i32
      %dma_wait3A_48 = tpu.memref_slice %arg2[%dma_wait3A_46, %dma_wait3A_47] : memref<10000x80xf32, #tpu.memory_space<hbm>> -> memref<10000x80xf32, #tpu.memory_space<hbm>>
      tpu.wait_indirect_dma semaphore(%arg14 : memref<!tpu.dma_semaphore, #tpu.memory_space<semaphore_mem>>) src(%dma_wait3A_48 : memref<10000x80xf32, #tpu.memory_space<hbm>>) dst(%arg10 : memref<80x80xf32, #tpu.memory_space<vmem>>)
      %dma_wait3A_49 = arith.constant 0 : i32
      %dma_wait3A_50 = tpu.memref_slice %arg9[%mul3A_43, %dma_wait3A_49] : memref<125x80xi32, #tpu.memory_space<vmem>> -> memref<1x80xi32, #tpu.memory_space<vmem>>
      %dma_wait3A_51 = tpu.memref_squeeze %dma_wait3A_50 : memref<1x80xi32, #tpu.memory_space<vmem>> -> memref<80xi32, #tpu.memory_space<vmem>>
      %dma_wait3A_52 = arith.constant 0 : i32
      %dma_wait3A_53 = arith.constant 0 : i32
      %dma_wait3A_54 = tpu.memref_slice %arg3[%dma_wait3A_52, %dma_wait3A_53] : memref<10000x16xf32, #tpu.memory_space<hbm>> -> memref<10000x16xf32, #tpu.memory_space<hbm>>
      tpu.wait_indirect_dma semaphore(%arg15 : memref<!tpu.dma_semaphore, #tpu.memory_space<semaphore_mem>>) src(%dma_wait3A_54 : memref<10000x16xf32, #tpu.memory_space<hbm>>) dst(%arg12 : memref<80x16xf32, #tpu.memory_space<vmem>>)
      %add3A_55 = arith.constant 1 : i32
      %add3A_56 = arith.addi %mul3A_43, %add3A_55 : i32
      %lt3A = arith.constant 125 : i32
      %lt3A_57 = arith.cmpi slt, %add3A_56, %lt3A : i32
      %convert_element_type3A = arith.extui %lt3A_57 : i1 to i32
      %cond3A = arith.constant 0 : i32
      %cond3A_58 = arith.cmpi ne, %convert_element_type3A, %cond3A : i32
      scf.if %cond3A_58 {
        %add3A_73 = arith.constant 1 : i32
        %add3A_74 = arith.addi %mul3A_43, %add3A_73 : i32
        %dma_start3A_75 = arith.constant 0 : i32
        %dma_start3A_76 = tpu.memref_slice %arg8[%add3A_74, %dma_start3A_75] : memref<125x80xi32, #tpu.memory_space<vmem>> -> memref<1x80xi32, #tpu.memory_space<vmem>>
        %dma_start3A_77 = tpu.memref_squeeze %dma_start3A_76 : memref<1x80xi32, #tpu.memory_space<vmem>> -> memref<80xi32, #tpu.memory_space<vmem>>
        %dma_start3A_78 = arith.constant 0 : i32
        %dma_start3A_79 = arith.constant 0 : i32
        %dma_start3A_80 = tpu.memref_slice %arg2[%dma_start3A_78, %dma_start3A_79] : memref<10000x80xf32, #tpu.memory_space<hbm>> -> memref<10000x80xf32, #tpu.memory_space<hbm>>
        tpu.enqueue_indirect_dma source(%dma_start3A_80 : memref<10000x80xf32, #tpu.memory_space<hbm>>) target(%arg11 : memref<80x80xf32, #tpu.memory_space<vmem>>) offsets(%dma_start3A_77 : memref<80xi32, #tpu.memory_space<vmem>>) semaphore(%arg16 : memref<!tpu.dma_semaphore, #tpu.memory_space<semaphore_mem>>)
        %dma_start3A_81 = arith.constant 0 : i32
        %dma_start3A_82 = tpu.memref_slice %arg9[%add3A_74, %dma_start3A_81] : memref<125x80xi32, #tpu.memory_space<vmem>> -> memref<1x80xi32, #tpu.memory_space<vmem>>
        %dma_start3A_83 = tpu.memref_squeeze %dma_start3A_82 : memref<1x80xi32, #tpu.memory_space<vmem>> -> memref<80xi32, #tpu.memory_space<vmem>>
        %dma_start3A_84 = arith.constant 0 : i32
        %dma_start3A_85 = arith.constant 0 : i32
        %dma_start3A_86 = tpu.memref_slice %arg3[%dma_start3A_84, %dma_start3A_85] : memref<10000x16xf32, #tpu.memory_space<hbm>> -> memref<10000x16xf32, #tpu.memory_space<hbm>>
        tpu.enqueue_indirect_dma source(%dma_start3A_86 : memref<10000x16xf32, #tpu.memory_space<hbm>>) target(%arg13 : memref<80x16xf32, #tpu.memory_space<vmem>>) offsets(%dma_start3A_83 : memref<80xi32, #tpu.memory_space<vmem>>) semaphore(%arg17 : memref<!tpu.dma_semaphore, #tpu.memory_space<semaphore_mem>>)
      } else {
      }
      %parallel_loop3A_59 = arith.constant 0 : i32
      %parallel_loop3A_60 = arith.constant 5 : i32
      %parallel_loop3A_61 = arith.constant 1 : i32
      scf.for %parallel_loop3A_73 = %parallel_loop3A_59 to %parallel_loop3A_60 step %parallel_loop3A_61  : i32 {
        %parallel_loop3A_74 = arith.constant 16 : i32
        %parallel_loop3A_75 = arith.muli %parallel_loop3A_73, %parallel_loop3A_74 : i32
        %parallel_loop3A_76 = vector.broadcast %parallel_loop3A_75 : i32 to vector<16xi32>
        %parallel_loop3A_77 = arith.addi %iota3A, %parallel_loop3A_76 : vector<16xi32>
        %parallel_loop3A_78 = tpu.vector_load_idx %arg10[%parallel_loop3A_77, %broadcast_in_dim3A_9] : memref<80x80xf32, #tpu.memory_space<vmem>>[vector<16xi32>, vector<16xi32>], vector<16xf32>,
        %parallel_loop3A_79 = tpu.vector_load_idx %arg12[%parallel_loop3A_77, %broadcast_in_dim3A_11] : memref<80x16xf32, #tpu.memory_space<vmem>>[vector<16xi32>, vector<16xi32>], vector<16xf32>,
        %parallel_loop3A_80 = arith.addf %parallel_loop3A_78, %parallel_loop3A_79 : vector<16xf32>
        %parallel_loop3A_81 = arith.constant 0.000000e+00 : f32
        %parallel_loop3A_82 = vector.broadcast %parallel_loop3A_81 : f32 to vector<16xf32>
        %parallel_loop3A_83 = arith.cmpf ogt, %parallel_loop3A_80, %parallel_loop3A_82 : vector<16xf32>
        %parallel_loop3A_84 = arith.constant 2.000000e-01 : f32
        %parallel_loop3A_85 = vector.broadcast %parallel_loop3A_84 : f32 to vector<16xf32>
        %parallel_loop3A_86 = arith.mulf %parallel_loop3A_85, %parallel_loop3A_80 : vector<16xf32>
        %parallel_loop3A_87 = arith.select %parallel_loop3A_83, %parallel_loop3A_80, %parallel_loop3A_86 : vector<16xi1>, vector<16xf32>
        %parallel_loop3A_88 = math.exp %parallel_loop3A_87 : vector<16xf32>
        tpu.vector_store_idx %arg10[%parallel_loop3A_77, %broadcast_in_dim3A_9], %parallel_loop3A_88 : memref<80x80xf32, #tpu.memory_space<vmem>>[vector<16xi32>, vector<16xi32>], vector<16xf32>,
      } {sc.loop_unroll_factor = 1 : i64, sc.parallel_access}
      %parallel_loop3A_62 = arith.constant 0 : i32
      %parallel_loop3A_63 = arith.constant 80 : i32
      %parallel_loop3A_64 = arith.constant 1 : i32
      scf.for %parallel_loop3A_73 = %parallel_loop3A_62 to %parallel_loop3A_63 step %parallel_loop3A_64  : i32 {
        %parallel_loop3A_74 = arith.index_cast %parallel_loop3A_73 : i32 to index
        %parallel_loop3A_75 = arith.constant 64 : index
        %parallel_loop3A_76 = tpu.vector_load %arg10[%parallel_loop3A_74, %parallel_loop3A_75] {strides = array<i32>} : memref<80x80xf32, #tpu.memory_space<vmem>>, vector<16xf32>,
        %parallel_loop3A_77 = vector.shape_cast %broadcast_in_dim3A_11 : vector<16xi32> to vector<16x1xi32>
        %parallel_loop3A_78 = vector.shape_cast %parallel_loop3A_77 : vector<16x1xi32> to vector<16xi32>
        %parallel_loop3A_79 = tpu.dynamic_gather %parallel_loop3A_76[%parallel_loop3A_78] in [0] : vector<16xf32>, vector<16xi32> -> vector<16xf32>
        %parallel_loop3A_80 = arith.index_cast %parallel_loop3A_73 : i32 to index
        %parallel_loop3A_81 = arith.constant 0 : index
        %parallel_loop3A_82 = tpu.vector_load %arg10[%parallel_loop3A_80, %parallel_loop3A_81] {strides = array<i32>} : memref<80x80xf32, #tpu.memory_space<vmem>>, vector<16xf32>,
        %parallel_loop3A_83 = arith.mulf %parallel_loop3A_82, %parallel_loop3A_79 : vector<16xf32>
        %parallel_loop3A_84 = arith.index_cast %parallel_loop3A_73 : i32 to index
        %parallel_loop3A_85 = arith.constant 0 : index
        %parallel_loop3A_86 = tpu.vector_load %arg10[%parallel_loop3A_84, %parallel_loop3A_85] {strides = array<i32>} : memref<80x80xf32, #tpu.memory_space<vmem>>, vector<16xf32>,
        tpu.vector_store %arg10[%parallel_loop3A_84, %parallel_loop3A_85], %parallel_loop3A_83 {strides = array<i32>} : memref<80x80xf32, #tpu.memory_space<vmem>>, vector<16xf32>,
        %parallel_loop3A_87 = arith.index_cast %parallel_loop3A_73 : i32 to index
        %parallel_loop3A_88 = arith.constant 16 : index
        %parallel_loop3A_89 = tpu.vector_load %arg10[%parallel_loop3A_87, %parallel_loop3A_88] {strides = array<i32>} : memref<80x80xf32, #tpu.memory_space<vmem>>, vector<16xf32>,
        %parallel_loop3A_90 = arith.mulf %parallel_loop3A_89, %parallel_loop3A_79 : vector<16xf32>
        %parallel_loop3A_91 = arith.index_cast %parallel_loop3A_73 : i32 to index
        %parallel_loop3A_92 = arith.constant 16 : index
        %parallel_loop3A_93 = tpu.vector_load %arg10[%parallel_loop3A_91, %parallel_loop3A_92] {strides = array<i32>} : memref<80x80xf32, #tpu.memory_space<vmem>>, vector<16xf32>,
        tpu.vector_store %arg10[%parallel_loop3A_91, %parallel_loop3A_92], %parallel_loop3A_90 {strides = array<i32>} : memref<80x80xf32, #tpu.memory_space<vmem>>, vector<16xf32>,
        %parallel_loop3A_94 = arith.index_cast %parallel_loop3A_73 : i32 to index
        %parallel_loop3A_95 = arith.constant 32 : index
        %parallel_loop3A_96 = tpu.vector_load %arg10[%parallel_loop3A_94, %parallel_loop3A_95] {strides = array<i32>} : memref<80x80xf32, #tpu.memory_space<vmem>>, vector<16xf32>,
        %parallel_loop3A_97 = arith.mulf %parallel_loop3A_96, %parallel_loop3A_79 : vector<16xf32>
        %parallel_loop3A_98 = arith.index_cast %parallel_loop3A_73 : i32 to index
        %parallel_loop3A_99 = arith.constant 32 : index
        %parallel_loop3A_100 = tpu.vector_load %arg10[%parallel_loop3A_98, %parallel_loop3A_99] {strides = array<i32>} : memref<80x80xf32, #tpu.memory_space<vmem>>, vector<16xf32>,
        tpu.vector_store %arg10[%parallel_loop3A_98, %parallel_loop3A_99], %parallel_loop3A_97 {strides = array<i32>} : memref<80x80xf32, #tpu.memory_space<vmem>>, vector<16xf32>,
        %parallel_loop3A_101 = arith.index_cast %parallel_loop3A_73 : i32 to index
        %parallel_loop3A_102 = arith.constant 48 : index
        %parallel_loop3A_103 = tpu.vector_load %arg10[%parallel_loop3A_101, %parallel_loop3A_102] {strides = array<i32>} : memref<80x80xf32, #tpu.memory_space<vmem>>, vector<16xf32>,
        %parallel_loop3A_104 = arith.mulf %parallel_loop3A_103, %parallel_loop3A_79 : vector<16xf32>
        %parallel_loop3A_105 = arith.index_cast %parallel_loop3A_73 : i32 to index
        %parallel_loop3A_106 = arith.constant 48 : index
        %parallel_loop3A_107 = tpu.vector_load %arg10[%parallel_loop3A_105, %parallel_loop3A_106] {strides = array<i32>} : memref<80x80xf32, #tpu.memory_space<vmem>>, vector<16xf32>,
        tpu.vector_store %arg10[%parallel_loop3A_105, %parallel_loop3A_106], %parallel_loop3A_104 {strides = array<i32>} : memref<80x80xf32, #tpu.memory_space<vmem>>, vector<16xf32>,
      } {sc.loop_unroll_factor = 4 : i64, sc.parallel_access}
      "tpu.region"() ({
        %run_scoped3A = tpu.sem_alloc : memref<!tpu.dma_semaphore, #tpu.memory_space<semaphore_mem>>
        %dma_start3A_73 = arith.constant 0 : i32
        %dma_start3A_74 = tpu.memref_slice %arg9[%mul3A_43, %dma_start3A_73] : memref<125x80xi32, #tpu.memory_space<vmem>> -> memref<1x80xi32, #tpu.memory_space<vmem>>
        %dma_start3A_75 = tpu.memref_squeeze %dma_start3A_74 : memref<1x80xi32, #tpu.memory_space<vmem>> -> memref<80xi32, #tpu.memory_space<vmem>>
        %dma_start3A_76 = arith.constant 0 : i32
        %dma_start3A_77 = arith.constant 0 : i32
        %dma_start3A_78 = tpu.memref_slice %arg7[%dma_start3A_76, %dma_start3A_77] : memref<10000x80xf32, #tpu.memory_space<vmem_shared>> -> memref<10000x80xf32, #tpu.memory_space<vmem_shared>>
        tpu.enqueue_indirect_dma source(%arg10 : memref<80x80xf32, #tpu.memory_space<vmem>>) target(%dma_start3A_78 : memref<10000x80xf32, #tpu.memory_space<vmem_shared>>) offsets(%dma_start3A_75 : memref<80xi32, #tpu.memory_space<vmem>>) semaphore(%run_scoped3A : memref<!tpu.dma_semaphore, #tpu.memory_space<semaphore_mem>>) {add = true}
        %dma_wait3A_79 = arith.constant 0 : i32
        %dma_wait3A_80 = tpu.memref_slice %arg9[%mul3A_43, %dma_wait3A_79] : memref<125x80xi32, #tpu.memory_space<vmem>> -> memref<1x80xi32, #tpu.memory_space<vmem>>
        %dma_wait3A_81 = tpu.memref_squeeze %dma_wait3A_80 : memref<1x80xi32, #tpu.memory_space<vmem>> -> memref<80xi32, #tpu.memory_space<vmem>>
        %dma_wait3A_82 = arith.constant 0 : i32
        %dma_wait3A_83 = arith.constant 0 : i32
        %dma_wait3A_84 = tpu.memref_slice %arg7[%dma_wait3A_82, %dma_wait3A_83] : memref<10000x80xf32, #tpu.memory_space<vmem_shared>> -> memref<10000x80xf32, #tpu.memory_space<vmem_shared>>
        tpu.wait_indirect_dma semaphore(%run_scoped3A : memref<!tpu.dma_semaphore, #tpu.memory_space<semaphore_mem>>) src(%arg10 : memref<80x80xf32, #tpu.memory_space<vmem>>) dst(%dma_wait3A_84 : memref<10000x80xf32, #tpu.memory_space<vmem_shared>>)
        tpu.yield
      }) : () -> ()
      %add3A_65 = arith.constant 1 : i32
      %add3A_66 = arith.addi %mul3A_43, %add3A_65 : i32
      %lt3A_67 = arith.constant 125 : i32
      %lt3A_68 = arith.cmpi slt, %add3A_66, %lt3A_67 : i32
      %convert_element_type3A_69 = arith.extui %lt3A_68 : i1 to i32
      %cond3A_70 = arith.constant 0 : i32
      %cond3A_71 = arith.cmpi ne, %convert_element_type3A_69, %cond3A_70 : i32
      scf.if %cond3A_71 {
        %add3A_73 = arith.constant 1 : i32
        %add3A_74 = arith.addi %mul3A_43, %add3A_73 : i32
        %dma_wait3A_75 = arith.constant 0 : i32
        %dma_wait3A_76 = tpu.memref_slice %arg8[%add3A_74, %dma_wait3A_75] : memref<125x80xi32, #tpu.memory_space<vmem>> -> memref<1x80xi32, #tpu.memory_space<vmem>>
        %dma_wait3A_77 = tpu.memref_squeeze %dma_wait3A_76 : memref<1x80xi32, #tpu.memory_space<vmem>> -> memref<80xi32, #tpu.memory_space<vmem>>
        %dma_wait3A_78 = arith.constant 0 : i32
        %dma_wait3A_79 = arith.constant 0 : i32
        %dma_wait3A_80 = tpu.memref_slice %arg2[%dma_wait3A_78, %dma_wait3A_79] : memref<10000x80xf32, #tpu.memory_space<hbm>> -> memref<10000x80xf32, #tpu.memory_space<hbm>>
        tpu.wait_indirect_dma semaphore(%arg16 : memref<!tpu.dma_semaphore, #tpu.memory_space<semaphore_mem>>) src(%dma_wait3A_80 : memref<10000x80xf32, #tpu.memory_space<hbm>>) dst(%arg11 : memref<80x80xf32, #tpu.memory_space<vmem>>)
        %dma_wait3A_81 = arith.constant 0 : i32
        %dma_wait3A_82 = tpu.memref_slice %arg9[%add3A_74, %dma_wait3A_81] : memref<125x80xi32, #tpu.memory_space<vmem>> -> memref<1x80xi32, #tpu.memory_space<vmem>>
        %dma_wait3A_83 = tpu.memref_squeeze %dma_wait3A_82 : memref<1x80xi32, #tpu.memory_space<vmem>> -> memref<80xi32, #tpu.memory_space<vmem>>
        %dma_wait3A_84 = arith.constant 0 : i32
        %dma_wait3A_85 = arith.constant 0 : i32
        %dma_wait3A_86 = tpu.memref_slice %arg3[%dma_wait3A_84, %dma_wait3A_85] : memref<10000x16xf32, #tpu.memory_space<hbm>> -> memref<10000x16xf32, #tpu.memory_space<hbm>>
        tpu.wait_indirect_dma semaphore(%arg17 : memref<!tpu.dma_semaphore, #tpu.memory_space<semaphore_mem>>) src(%dma_wait3A_86 : memref<10000x16xf32, #tpu.memory_space<hbm>>) dst(%arg13 : memref<80x16xf32, #tpu.memory_space<vmem>>)
        %add3A_87 = arith.constant 2 : i32
        %add3A_88 = arith.addi %mul3A_43, %add3A_87 : i32
        %lt3A_89 = arith.constant 125 : i32
        %lt3A_90 = arith.cmpi slt, %add3A_88, %lt3A_89 : i32
        %convert_element_type3A_91 = arith.extui %lt3A_90 : i1 to i32
        %cond3A_92 = arith.constant 0 : i32
        %cond3A_93 = arith.cmpi ne, %convert_element_type3A_91, %cond3A_92 : i32
        scf.if %cond3A_93 {
          %add3A_102 = arith.constant 2 : i32
          %add3A_103 = arith.addi %mul3A_43, %add3A_102 : i32
          %dma_start3A_104 = arith.constant 0 : i32
          %dma_start3A_105 = tpu.memref_slice %arg8[%add3A_103, %dma_start3A_104] : memref<125x80xi32, #tpu.memory_space<vmem>> -> memref<1x80xi32, #tpu.memory_space<vmem>>
          %dma_start3A_106 = tpu.memref_squeeze %dma_start3A_105 : memref<1x80xi32, #tpu.memory_space<vmem>> -> memref<80xi32, #tpu.memory_space<vmem>>
          %dma_start3A_107 = arith.constant 0 : i32
          %dma_start3A_108 = arith.constant 0 : i32
          %dma_start3A_109 = tpu.memref_slice %arg2[%dma_start3A_107, %dma_start3A_108] : memref<10000x80xf32, #tpu.memory_space<hbm>> -> memref<10000x80xf32, #tpu.memory_space<hbm>>
          tpu.enqueue_indirect_dma source(%dma_start3A_109 : memref<10000x80xf32, #tpu.memory_space<hbm>>) target(%arg10 : memref<80x80xf32, #tpu.memory_space<vmem>>) offsets(%dma_start3A_106 : memref<80xi32, #tpu.memory_space<vmem>>) semaphore(%arg14 : memref<!tpu.dma_semaphore, #tpu.memory_space<semaphore_mem>>)
          %dma_start3A_110 = arith.constant 0 : i32
          %dma_start3A_111 = tpu.memref_slice %arg9[%add3A_103, %dma_start3A_110] : memref<125x80xi32, #tpu.memory_space<vmem>> -> memref<1x80xi32, #tpu.memory_space<vmem>>
          %dma_start3A_112 = tpu.memref_squeeze %dma_start3A_111 : memref<1x80xi32, #tpu.memory_space<vmem>> -> memref<80xi32, #tpu.memory_space<vmem>>
          %dma_start3A_113 = arith.constant 0 : i32
          %dma_start3A_114 = arith.constant 0 : i32
          %dma_start3A_115 = tpu.memref_slice %arg3[%dma_start3A_113, %dma_start3A_114] : memref<10000x16xf32, #tpu.memory_space<hbm>> -> memref<10000x16xf32, #tpu.memory_space<hbm>>
          tpu.enqueue_indirect_dma source(%dma_start3A_115 : memref<10000x16xf32, #tpu.memory_space<hbm>>) target(%arg12 : memref<80x16xf32, #tpu.memory_space<vmem>>) offsets(%dma_start3A_112 : memref<80xi32, #tpu.memory_space<vmem>>) semaphore(%arg15 : memref<!tpu.dma_semaphore, #tpu.memory_space<semaphore_mem>>)
        } else {
        }
        %parallel_loop3A_94 = arith.constant 0 : i32
        %parallel_loop3A_95 = arith.constant 5 : i32
        %parallel_loop3A_96 = arith.constant 1 : i32
        scf.for %parallel_loop3A_102 = %parallel_loop3A_94 to %parallel_loop3A_95 step %parallel_loop3A_96  : i32 {
          %parallel_loop3A_103 = arith.constant 16 : i32
          %parallel_loop3A_104 = arith.muli %parallel_loop3A_102, %parallel_loop3A_103 : i32
          %parallel_loop3A_105 = vector.broadcast %parallel_loop3A_104 : i32 to vector<16xi32>
          %parallel_loop3A_106 = arith.addi %iota3A, %parallel_loop3A_105 : vector<16xi32>
          %parallel_loop3A_107 = tpu.vector_load_idx %arg11[%parallel_loop3A_106, %broadcast_in_dim3A_9] : memref<80x80xf32, #tpu.memory_space<vmem>>[vector<16xi32>, vector<16xi32>], vector<16xf32>,
          %parallel_loop3A_108 = tpu.vector_load_idx %arg13[%parallel_loop3A_106, %broadcast_in_dim3A_11] : memref<80x16xf32, #tpu.memory_space<vmem>>[vector<16xi32>, vector<16xi32>], vector<16xf32>,
          %parallel_loop3A_109 = arith.addf %parallel_loop3A_107, %parallel_loop3A_108 : vector<16xf32>
          %parallel_loop3A_110 = arith.constant 0.000000e+00 : f32
          %parallel_loop3A_111 = vector.broadcast %parallel_loop3A_110 : f32 to vector<16xf32>
          %parallel_loop3A_112 = arith.cmpf ogt, %parallel_loop3A_109, %parallel_loop3A_111 : vector<16xf32>
          %parallel_loop3A_113 = arith.constant 2.000000e-01 : f32
          %parallel_loop3A_114 = vector.broadcast %parallel_loop3A_113 : f32 to vector<16xf32>
          %parallel_loop3A_115 = arith.mulf %parallel_loop3A_114, %parallel_loop3A_109 : vector<16xf32>
          %parallel_loop3A_116 = arith.select %parallel_loop3A_112, %parallel_loop3A_109, %parallel_loop3A_115 : vector<16xi1>, vector<16xf32>
          %parallel_loop3A_117 = math.exp %parallel_loop3A_116 : vector<16xf32>
          tpu.vector_store_idx %arg11[%parallel_loop3A_106, %broadcast_in_dim3A_9], %parallel_loop3A_117 : memref<80x80xf32, #tpu.memory_space<vmem>>[vector<16xi32>, vector<16xi32>], vector<16xf32>,
        } {sc.loop_unroll_factor = 1 : i64, sc.parallel_access}
        %parallel_loop3A_97 = arith.constant 0 : i32
        %parallel_loop3A_98 = arith.constant 80 : i32
        %parallel_loop3A_99 = arith.constant 1 : i32
        scf.for %parallel_loop3A_102 = %parallel_loop3A_97 to %parallel_loop3A_98 step %parallel_loop3A_99  : i32 {
          %parallel_loop3A_103 = arith.index_cast %parallel_loop3A_102 : i32 to index
          %parallel_loop3A_104 = arith.constant 64 : index
          %parallel_loop3A_105 = tpu.vector_load %arg11[%parallel_loop3A_103, %parallel_loop3A_104] {strides = array<i32>} : memref<80x80xf32, #tpu.memory_space<vmem>>, vector<16xf32>,
          %parallel_loop3A_106 = vector.shape_cast %broadcast_in_dim3A_11 : vector<16xi32> to vector<16x1xi32>
          %parallel_loop3A_107 = vector.shape_cast %parallel_loop3A_106 : vector<16x1xi32> to vector<16xi32>
          %parallel_loop3A_108 = tpu.dynamic_gather %parallel_loop3A_105[%parallel_loop3A_107] in [0] : vector<16xf32>, vector<16xi32> -> vector<16xf32>
          %parallel_loop3A_109 = arith.index_cast %parallel_loop3A_102 : i32 to index
          %parallel_loop3A_110 = arith.constant 0 : index
          %parallel_loop3A_111 = tpu.vector_load %arg11[%parallel_loop3A_109, %parallel_loop3A_110] {strides = array<i32>} : memref<80x80xf32, #tpu.memory_space<vmem>>, vector<16xf32>,
          %parallel_loop3A_112 = arith.mulf %parallel_loop3A_111, %parallel_loop3A_108 : vector<16xf32>
          %parallel_loop3A_113 = arith.index_cast %parallel_loop3A_102 : i32 to index
          %parallel_loop3A_114 = arith.constant 0 : index
          %parallel_loop3A_115 = tpu.vector_load %arg11[%parallel_loop3A_113, %parallel_loop3A_114] {strides = array<i32>} : memref<80x80xf32, #tpu.memory_space<vmem>>, vector<16xf32>,
          tpu.vector_store %arg11[%parallel_loop3A_113, %parallel_loop3A_114], %parallel_loop3A_112 {strides = array<i32>} : memref<80x80xf32, #tpu.memory_space<vmem>>, vector<16xf32>,
          %parallel_loop3A_116 = arith.index_cast %parallel_loop3A_102 : i32 to index
          %parallel_loop3A_117 = arith.constant 16 : index
          %parallel_loop3A_118 = tpu.vector_load %arg11[%parallel_loop3A_116, %parallel_loop3A_117] {strides = array<i32>} : memref<80x80xf32, #tpu.memory_space<vmem>>, vector<16xf32>,
          %parallel_loop3A_119 = arith.mulf %parallel_loop3A_118, %parallel_loop3A_108 : vector<16xf32>
          %parallel_loop3A_120 = arith.index_cast %parallel_loop3A_102 : i32 to index
          %parallel_loop3A_121 = arith.constant 16 : index
          %parallel_loop3A_122 = tpu.vector_load %arg11[%parallel_loop3A_120, %parallel_loop3A_121] {strides = array<i32>} : memref<80x80xf32, #tpu.memory_space<vmem>>, vector<16xf32>,
          tpu.vector_store %arg11[%parallel_loop3A_120, %parallel_loop3A_121], %parallel_loop3A_119 {strides = array<i32>} : memref<80x80xf32, #tpu.memory_space<vmem>>, vector<16xf32>,
          %parallel_loop3A_123 = arith.index_cast %parallel_loop3A_102 : i32 to index
          %parallel_loop3A_124 = arith.constant 32 : index
          %parallel_loop3A_125 = tpu.vector_load %arg11[%parallel_loop3A_123, %parallel_loop3A_124] {strides = array<i32>} : memref<80x80xf32, #tpu.memory_space<vmem>>, vector<16xf32>,
          %parallel_loop3A_126 = arith.mulf %parallel_loop3A_125, %parallel_loop3A_108 : vector<16xf32>
          %parallel_loop3A_127 = arith.index_cast %parallel_loop3A_102 : i32 to index
          %parallel_loop3A_128 = arith.constant 32 : index
          %parallel_loop3A_129 = tpu.vector_load %arg11[%parallel_loop3A_127, %parallel_loop3A_128] {strides = array<i32>} : memref<80x80xf32, #tpu.memory_space<vmem>>, vector<16xf32>,
          tpu.vector_store %arg11[%parallel_loop3A_127, %parallel_loop3A_128], %parallel_loop3A_126 {strides = array<i32>} : memref<80x80xf32, #tpu.memory_space<vmem>>, vector<16xf32>,
          %parallel_loop3A_130 = arith.index_cast %parallel_loop3A_102 : i32 to index
          %parallel_loop3A_131 = arith.constant 48 : index
          %parallel_loop3A_132 = tpu.vector_load %arg11[%parallel_loop3A_130, %parallel_loop3A_131] {strides = array<i32>} : memref<80x80xf32, #tpu.memory_space<vmem>>, vector<16xf32>,
          %parallel_loop3A_133 = arith.mulf %parallel_loop3A_132, %parallel_loop3A_108 : vector<16xf32>
          %parallel_loop3A_134 = arith.index_cast %parallel_loop3A_102 : i32 to index
          %parallel_loop3A_135 = arith.constant 48 : index
          %parallel_loop3A_136 = tpu.vector_load %arg11[%parallel_loop3A_134, %parallel_loop3A_135] {strides = array<i32>} : memref<80x80xf32, #tpu.memory_space<vmem>>, vector<16xf32>,
          tpu.vector_store %arg11[%parallel_loop3A_134, %parallel_loop3A_135], %parallel_loop3A_133 {strides = array<i32>} : memref<80x80xf32, #tpu.memory_space<vmem>>, vector<16xf32>,
        } {sc.loop_unroll_factor = 4 : i64, sc.parallel_access}
        %add3A_100 = arith.constant 1 : i32
        %add3A_101 = arith.addi %mul3A_43, %add3A_100 : i32
        "tpu.region"() ({
          %run_scoped3A = tpu.sem_alloc : memref<!tpu.dma_semaphore, #tpu.memory_space<semaphore_mem>>
          %dma_start3A_102 = arith.constant 0 : i32
          %dma_start3A_103 = tpu.memref_slice %arg9[%add3A_101, %dma_start3A_102] : memref<125x80xi32, #tpu.memory_space<vmem>> -> memref<1x80xi32, #tpu.memory_space<vmem>>
          %dma_start3A_104 = tpu.memref_squeeze %dma_start3A_103 : memref<1x80xi32, #tpu.memory_space<vmem>> -> memref<80xi32, #tpu.memory_space<vmem>>
          %dma_start3A_105 = arith.constant 0 : i32
          %dma_start3A_106 = arith.constant 0 : i32
          %dma_start3A_107 = tpu.memref_slice %arg7[%dma_start3A_105, %dma_start3A_106] : memref<10000x80xf32, #tpu.memory_space<vmem_shared>> -> memref<10000x80xf32, #tpu.memory_space<vmem_shared>>
          tpu.enqueue_indirect_dma source(%arg11 : memref<80x80xf32, #tpu.memory_space<vmem>>) target(%dma_start3A_107 : memref<10000x80xf32, #tpu.memory_space<vmem_shared>>) offsets(%dma_start3A_104 : memref<80xi32, #tpu.memory_space<vmem>>) semaphore(%run_scoped3A : memref<!tpu.dma_semaphore, #tpu.memory_space<semaphore_mem>>) {add = true}
          %dma_wait3A_108 = arith.constant 0 : i32
          %dma_wait3A_109 = tpu.memref_slice %arg9[%add3A_101, %dma_wait3A_108] : memref<125x80xi32, #tpu.memory_space<vmem>> -> memref<1x80xi32, #tpu.memory_space<vmem>>
          %dma_wait3A_110 = tpu.memref_squeeze %dma_wait3A_109 : memref<1x80xi32, #tpu.memory_space<vmem>> -> memref<80xi32, #tpu.memory_space<vmem>>
          %dma_wait3A_111 = arith.constant 0 : i32
          %dma_wait3A_112 = arith.constant 0 : i32
          %dma_wait3A_113 = tpu.memref_slice %arg7[%dma_wait3A_111, %dma_wait3A_112] : memref<10000x80xf32, #tpu.memory_space<vmem_shared>> -> memref<10000x80xf32, #tpu.memory_space<vmem_shared>>
          tpu.wait_indirect_dma semaphore(%run_scoped3A : memref<!tpu.dma_semaphore, #tpu.memory_space<semaphore_mem>>) src(%arg11 : memref<80x80xf32, #tpu.memory_space<vmem>>) dst(%dma_wait3A_113 : memref<10000x80xf32, #tpu.memory_space<vmem_shared>>)
          tpu.yield
        }) : () -> ()
      } else {
      }
      %scan3A_72 = arith.constant 0 : i32
      scf.yield %scan3A_72 : i32
    }
    %scan3A_31 = arith.constant 63 : i32
    %barrier3A_32 = arith.constant 0 : index
    tpu.barrier barrier_id(%barrier3A_32)
    %scan3A_33 = arith.constant 0 : i32
    %scan3A_34 = arith.constant 0 : i32
    %scan3A_35 = arith.constant 8 : i32
    %scan3A_36 = arith.addi %scan3A_34, %scan3A_35 : i32
    %scan3A_37 = arith.constant 1 : i32
    %scan3A_38 = scf.for %scan3A_40 = %scan3A_34 to %scan3A_36 step %scan3A_37 iter_args(%scan3A_41 = %scan3A_33) -> (i32)  : i32 {
      %mul3A_42 = arith.constant 16 : i32
      %mul3A_43 = arith.muli %scan3A_40, %mul3A_42 : i32
      %add3A_44 = arith.addi %arg1, %mul3A_43 : i32
      %lt3A = arith.constant 125 : i32
      %lt3A_45 = arith.cmpi slt, %add3A_44, %lt3A : i32
      %convert_element_type3A = arith.extui %lt3A_45 : i1 to i32
      %cond3A = arith.constant 0 : i32
      %cond3A_46 = arith.cmpi ne, %convert_element_type3A, %cond3A : i32
      scf.if %cond3A_46 {
        %mul3A_48 = arith.constant 80 : i32
        %mul3A_49 = arith.muli %add3A_44, %mul3A_48 : i32
        %mul3A_50 = arith.constant 80 : i32
        %mul3A_51 = arith.muli %add3A_44, %mul3A_50 : i32
        "tpu.region"() ({
          %run_scoped3A = tpu.sem_alloc : memref<!tpu.dma_semaphore, #tpu.memory_space<semaphore_mem>>
          %dma_start3A_52 = arith.constant 0 : i32
          %dma_start3A_53 = tpu.memref_slice %arg6[%arg0, %mul3A_51, %dma_start3A_52] : memref<2x10000x80xf32, #tpu.memory_space<hbm>> -> memref<1x80x80xf32, #tpu.memory_space<hbm>>
          %dma_start3A_54 = tpu.memref_squeeze %dma_start3A_53 : memref<1x80x80xf32, #tpu.memory_space<hbm>> -> memref<80x80xf32, #tpu.memory_space<hbm>>
          %dma_start3A_55 = arith.constant 0 : i32
          %dma_start3A_56 = tpu.memref_slice %arg7[%mul3A_49, %dma_start3A_55] : memref<10000x80xf32, #tpu.memory_space<vmem_shared>> -> memref<80x80xf32, #tpu.memory_space<vmem_shared>>
          tpu.enqueue_dma source(%dma_start3A_56 : memref<80x80xf32, #tpu.memory_space<vmem_shared>>) target(%dma_start3A_54 : memref<80x80xf32, #tpu.memory_space<hbm>>) target_semaphore(%run_scoped3A : memref<!tpu.dma_semaphore, #tpu.memory_space<semaphore_mem>>)
          %dma_wait3A = arith.constant 0 : i32
          %dma_wait3A_57 = tpu.memref_slice %arg6[%arg0, %mul3A_51, %dma_wait3A] : memref<2x10000x80xf32, #tpu.memory_space<hbm>> -> memref<1x80x80xf32, #tpu.memory_space<hbm>>
          %dma_wait3A_58 = tpu.memref_squeeze %dma_wait3A_57 : memref<1x80x80xf32, #tpu.memory_space<hbm>> -> memref<80x80xf32, #tpu.memory_space<hbm>>
          %dma_wait3A_59 = arith.constant 0 : i32
          %dma_wait3A_60 = tpu.memref_slice %arg7[%mul3A_49, %dma_wait3A_59] : memref<10000x80xf32, #tpu.memory_space<vmem_shared>> -> memref<80x80xf32, #tpu.memory_space<vmem_shared>>
          tpu.wait_dma2 semaphore(%run_scoped3A : memref<!tpu.dma_semaphore, #tpu.memory_space<semaphore_mem>>) src(%dma_wait3A_60 : memref<80x80xf32, #tpu.memory_space<vmem_shared>>) dst(%dma_wait3A_58 : memref<80x80xf32, #tpu.memory_space<hbm>>)
          tpu.yield
        }) : () -> ()
      } else {
      }
      %scan3A_47 = arith.constant 0 : i32
      scf.yield %scan3A_47 : i32
    }
    %scan3A_39 = arith.constant 8 : i32
    return
  }
}

#map = affine_map<(d0, d1) -> (0, 0)>
#map1 = affine_map<(d0, d1) -> (0, 0, 0)>
module attributes {stable_mosaic.version = 14 : i64} {
  func.func @_sc_layer0(%arg0: i32, %arg1: i32, %arg2: memref<10000x136xf32, #tpu.memory_space<hbm>>, %arg3: memref<10000x16xf32, #tpu.memory_space<hbm>>, %arg4: memref<32x125x80xi32, #tpu.memory_space<hbm>>, %arg5: memref<32x125x80xi32, #tpu.memory_space<hbm>>, %arg6: memref<2x10000x136xf32, #tpu.memory_space<hbm>>, %arg7: memref<10000x136xf32, #tpu.memory_space<vmem_shared>>, %arg8: memref<125x80xi32, #tpu.memory_space<vmem>>, %arg9: memref<125x80xi32, #tpu.memory_space<vmem>>, %arg10: memref<80x136xf32, #tpu.memory_space<vmem>>, %arg11: memref<80x136xf32, #tpu.memory_space<vmem>>, %arg12: memref<80x16xf32, #tpu.memory_space<vmem>>, %arg13: memref<80x16xf32, #tpu.memory_space<vmem>>, %arg14: memref<!tpu.dma_semaphore, #tpu.memory_space<semaphore_mem>>, %arg15: memref<!tpu.dma_semaphore, #tpu.memory_space<semaphore_mem>>, %arg16: memref<!tpu.dma_semaphore, #tpu.memory_space<semaphore_mem>>, %arg17: memref<!tpu.dma_semaphore, #tpu.memory_space<semaphore_mem>>) attributes {dimension_semantics = [#tpu.dimension_semantics<core_parallel>, #tpu.dimension_semantics<subcore_parallel>], iteration_bounds = array<i64: 2, 16>, scalar_prefetch = 0 : i64, scratch_operands = 11 : i64, tpu.core_type = #tpu.core_type<sc_vector_subcore>, window_params = [{transform_indices = #map}, {transform_indices = #map}, {transform_indices = #map1}, {transform_indices = #map1}, {transform_indices = #map1}]} {
    %mul3A = arith.constant 16 : i32
    %mul3A_0 = arith.muli %arg0, %mul3A : i32
    %add3A = arith.addi %mul3A_0, %arg1 : i32
    %parallel_loop3A = arith.constant 0 : i32
    %parallel_loop3A_1 = arith.constant 80 : i32
    %parallel_loop3A_2 = arith.constant 1 : i32
    scf.for %parallel_loop3A_57 = %parallel_loop3A to %parallel_loop3A_1 step %parallel_loop3A_2  : i32 {
      %parallel_loop3A_58 = arith.constant 0.000000e+00 : f32
      %parallel_loop3A_59 = vector.broadcast %parallel_loop3A_58 : f32 to vector<16xf32>
      %parallel_loop3A_60 = arith.index_cast %parallel_loop3A_57 : i32 to index
      %parallel_loop3A_61 = arith.constant 0 : index
      %parallel_loop3A_62 = tpu.vector_load %arg10[%parallel_loop3A_60, %parallel_loop3A_61] {strides = array<i32>} : memref<80x136xf32, #tpu.memory_space<vmem>>, vector<16xf32>,
      tpu.vector_store %arg10[%parallel_loop3A_60, %parallel_loop3A_61], %parallel_loop3A_59 {strides = array<i32>} : memref<80x136xf32, #tpu.memory_space<vmem>>, vector<16xf32>,
      %parallel_loop3A_63 = arith.constant 0.000000e+00 : f32
      %parallel_loop3A_64 = vector.broadcast %parallel_loop3A_63 : f32 to vector<16xf32>
      %parallel_loop3A_65 = arith.index_cast %parallel_loop3A_57 : i32 to index
      %parallel_loop3A_66 = arith.constant 16 : index
      %parallel_loop3A_67 = tpu.vector_load %arg10[%parallel_loop3A_65, %parallel_loop3A_66] {strides = array<i32>} : memref<80x136xf32, #tpu.memory_space<vmem>>, vector<16xf32>,
      tpu.vector_store %arg10[%parallel_loop3A_65, %parallel_loop3A_66], %parallel_loop3A_64 {strides = array<i32>} : memref<80x136xf32, #tpu.memory_space<vmem>>, vector<16xf32>,
      %parallel_loop3A_68 = arith.constant 0.000000e+00 : f32
      %parallel_loop3A_69 = vector.broadcast %parallel_loop3A_68 : f32 to vector<16xf32>
      %parallel_loop3A_70 = arith.index_cast %parallel_loop3A_57 : i32 to index
      %parallel_loop3A_71 = arith.constant 32 : index
      %parallel_loop3A_72 = tpu.vector_load %arg10[%parallel_loop3A_70, %parallel_loop3A_71] {strides = array<i32>} : memref<80x136xf32, #tpu.memory_space<vmem>>, vector<16xf32>,
      tpu.vector_store %arg10[%parallel_loop3A_70, %parallel_loop3A_71], %parallel_loop3A_69 {strides = array<i32>} : memref<80x136xf32, #tpu.memory_space<vmem>>, vector<16xf32>,
      %parallel_loop3A_73 = arith.constant 0.000000e+00 : f32
      %parallel_loop3A_74 = vector.broadcast %parallel_loop3A_73 : f32 to vector<16xf32>
      %parallel_loop3A_75 = arith.index_cast %parallel_loop3A_57 : i32 to index
      %parallel_loop3A_76 = arith.constant 48 : index
      %parallel_loop3A_77 = tpu.vector_load %arg10[%parallel_loop3A_75, %parallel_loop3A_76] {strides = array<i32>} : memref<80x136xf32, #tpu.memory_space<vmem>>, vector<16xf32>,
      tpu.vector_store %arg10[%parallel_loop3A_75, %parallel_loop3A_76], %parallel_loop3A_74 {strides = array<i32>} : memref<80x136xf32, #tpu.memory_space<vmem>>, vector<16xf32>,
      %parallel_loop3A_78 = arith.constant 0.000000e+00 : f32
      %parallel_loop3A_79 = vector.broadcast %parallel_loop3A_78 : f32 to vector<16xf32>
      %parallel_loop3A_80 = arith.index_cast %parallel_loop3A_57 : i32 to index
      %parallel_loop3A_81 = arith.constant 64 : index
      %parallel_loop3A_82 = tpu.vector_load %arg10[%parallel_loop3A_80, %parallel_loop3A_81] {strides = array<i32>} : memref<80x136xf32, #tpu.memory_space<vmem>>, vector<16xf32>,
      tpu.vector_store %arg10[%parallel_loop3A_80, %parallel_loop3A_81], %parallel_loop3A_79 {strides = array<i32>} : memref<80x136xf32, #tpu.memory_space<vmem>>, vector<16xf32>,
      %parallel_loop3A_83 = arith.constant 0.000000e+00 : f32
      %parallel_loop3A_84 = vector.broadcast %parallel_loop3A_83 : f32 to vector<16xf32>
      %parallel_loop3A_85 = arith.index_cast %parallel_loop3A_57 : i32 to index
      %parallel_loop3A_86 = arith.constant 80 : index
      %parallel_loop3A_87 = tpu.vector_load %arg10[%parallel_loop3A_85, %parallel_loop3A_86] {strides = array<i32>} : memref<80x136xf32, #tpu.memory_space<vmem>>, vector<16xf32>,
      tpu.vector_store %arg10[%parallel_loop3A_85, %parallel_loop3A_86], %parallel_loop3A_84 {strides = array<i32>} : memref<80x136xf32, #tpu.memory_space<vmem>>, vector<16xf32>,
      %parallel_loop3A_88 = arith.constant 0.000000e+00 : f32
      %parallel_loop3A_89 = vector.broadcast %parallel_loop3A_88 : f32 to vector<16xf32>
      %parallel_loop3A_90 = arith.index_cast %parallel_loop3A_57 : i32 to index
      %parallel_loop3A_91 = arith.constant 96 : index
      %parallel_loop3A_92 = tpu.vector_load %arg10[%parallel_loop3A_90, %parallel_loop3A_91] {strides = array<i32>} : memref<80x136xf32, #tpu.memory_space<vmem>>, vector<16xf32>,
      tpu.vector_store %arg10[%parallel_loop3A_90, %parallel_loop3A_91], %parallel_loop3A_89 {strides = array<i32>} : memref<80x136xf32, #tpu.memory_space<vmem>>, vector<16xf32>,
      %parallel_loop3A_93 = arith.constant 0.000000e+00 : f32
      %parallel_loop3A_94 = vector.broadcast %parallel_loop3A_93 : f32 to vector<16xf32>
      %parallel_loop3A_95 = arith.index_cast %parallel_loop3A_57 : i32 to index
      %parallel_loop3A_96 = arith.constant 112 : index
      %parallel_loop3A_97 = tpu.vector_load %arg10[%parallel_loop3A_95, %parallel_loop3A_96] {strides = array<i32>} : memref<80x136xf32, #tpu.memory_space<vmem>>, vector<16xf32>,
      tpu.vector_store %arg10[%parallel_loop3A_95, %parallel_loop3A_96], %parallel_loop3A_94 {strides = array<i32>} : memref<80x136xf32, #tpu.memory_space<vmem>>, vector<16xf32>,
      %parallel_loop3A_98 = arith.constant 0.000000e+00 : f32
      %parallel_loop3A_99 = vector.broadcast %parallel_loop3A_98 : f32 to vector<16xf32>
      %parallel_loop3A_100 = arith.index_cast %parallel_loop3A_57 : i32 to index
      %parallel_loop3A_101 = arith.constant 120 : index
      %parallel_loop3A_102 = tpu.vector_load %arg10[%parallel_loop3A_100, %parallel_loop3A_101] {strides = array<i32>} : memref<80x136xf32, #tpu.memory_space<vmem>>, vector<16xf32>,
      tpu.vector_store %arg10[%parallel_loop3A_100, %parallel_loop3A_101], %parallel_loop3A_99 {strides = array<i32>} : memref<80x136xf32, #tpu.memory_space<vmem>>, vector<16xf32>,
    } {sc.loop_unroll_factor = 1 : i64, sc.parallel_access}
    %scan3A = arith.constant 0 : i32
    %scan3A_3 = arith.constant 0 : i32
    %scan3A_4 = arith.constant 8 : i32
    %scan3A_5 = arith.addi %scan3A_3, %scan3A_4 : i32
    %scan3A_6 = arith.constant 1 : i32
    %scan3A_7 = scf.for %scan3A_57 = %scan3A_3 to %scan3A_5 step %scan3A_6 iter_args(%scan3A_58 = %scan3A) -> (i32)  : i32 {
      %mul3A_59 = arith.constant 16 : i32
      %mul3A_60 = arith.muli %scan3A_57, %mul3A_59 : i32
      %add3A_61 = arith.addi %arg1, %mul3A_60 : i32
      %lt3A = arith.constant 125 : i32
      %lt3A_62 = arith.cmpi slt, %add3A_61, %lt3A : i32
      %convert_element_type3A = arith.extui %lt3A_62 : i1 to i32
      %cond3A = arith.constant 0 : i32
      %cond3A_63 = arith.cmpi ne, %convert_element_type3A, %cond3A : i32
      scf.if %cond3A_63 {
        %mul3A_65 = arith.constant 80 : i32
        %mul3A_66 = arith.muli %add3A_61, %mul3A_65 : i32
        "tpu.region"() ({
          %run_scoped3A = tpu.sem_alloc : memref<!tpu.dma_semaphore, #tpu.memory_space<semaphore_mem>>
          %dma_start3A_67 = arith.constant 0 : i32
          %dma_start3A_68 = tpu.memref_slice %arg7[%mul3A_66, %dma_start3A_67] : memref<10000x136xf32, #tpu.memory_space<vmem_shared>> -> memref<80x136xf32, #tpu.memory_space<vmem_shared>>
          %dma_start3A_69 = arith.constant 0 : i32
          %dma_start3A_70 = tpu.memref_slice %arg7[%mul3A_66, %dma_start3A_69] : memref<10000x136xf32, #tpu.memory_space<vmem_shared>> -> memref<80x136xf32, #tpu.memory_space<vmem_shared>>
          tpu.enqueue_dma source(%arg10 : memref<80x136xf32, #tpu.memory_space<vmem>>) target(%dma_start3A_70 : memref<80x136xf32, #tpu.memory_space<vmem_shared>>) target_semaphore(%run_scoped3A : memref<!tpu.dma_semaphore, #tpu.memory_space<semaphore_mem>>)
          %dma_wait3A = arith.constant 0 : i32
          %dma_wait3A_71 = tpu.memref_slice %arg7[%mul3A_66, %dma_wait3A] : memref<10000x136xf32, #tpu.memory_space<vmem_shared>> -> memref<80x136xf32, #tpu.memory_space<vmem_shared>>
          %dma_wait3A_72 = arith.constant 0 : i32
          %dma_wait3A_73 = tpu.memref_slice %arg7[%mul3A_66, %dma_wait3A_72] : memref<10000x136xf32, #tpu.memory_space<vmem_shared>> -> memref<80x136xf32, #tpu.memory_space<vmem_shared>>
          tpu.wait_dma2 semaphore(%run_scoped3A : memref<!tpu.dma_semaphore, #tpu.memory_space<semaphore_mem>>) src(%arg10 : memref<80x136xf32, #tpu.memory_space<vmem>>) dst(%dma_wait3A_73 : memref<80x136xf32, #tpu.memory_space<vmem_shared>>)
          tpu.yield
        }) : () -> ()
      } else {
      }
      %scan3A_64 = arith.constant 0 : i32
      scf.yield %scan3A_64 : i32
    }
    %scan3A_8 = arith.constant 8 : i32
    %barrier3A = arith.constant 0 : index
    tpu.barrier barrier_id(%barrier3A)
    "tpu.region"() ({
      %run_scoped3A = tpu.sem_alloc : memref<!tpu.dma_semaphore, #tpu.memory_space<semaphore_mem>>
      %dma_start3A_57 = arith.constant 0 : i32
      %dma_start3A_58 = arith.constant 0 : i32
      %dma_start3A_59 = tpu.memref_slice %arg4[%add3A, %dma_start3A_57, %dma_start3A_58] : memref<32x125x80xi32, #tpu.memory_space<hbm>> -> memref<1x125x80xi32, #tpu.memory_space<hbm>>
      %dma_start3A_60 = tpu.memref_squeeze %dma_start3A_59 : memref<1x125x80xi32, #tpu.memory_space<hbm>> -> memref<125x80xi32, #tpu.memory_space<hbm>>
      %dma_start3A_61 = arith.constant 0 : i32
      %dma_start3A_62 = arith.constant 0 : i32
      %dma_start3A_63 = tpu.memref_slice %arg4[%add3A, %dma_start3A_61, %dma_start3A_62] : memref<32x125x80xi32, #tpu.memory_space<hbm>> -> memref<1x125x80xi32, #tpu.memory_space<hbm>>
      %dma_start3A_64 = tpu.memref_squeeze %dma_start3A_63 : memref<1x125x80xi32, #tpu.memory_space<hbm>> -> memref<125x80xi32, #tpu.memory_space<hbm>>
      tpu.enqueue_dma source(%dma_start3A_64 : memref<125x80xi32, #tpu.memory_space<hbm>>) target(%arg8 : memref<125x80xi32, #tpu.memory_space<vmem>>) target_semaphore(%run_scoped3A : memref<!tpu.dma_semaphore, #tpu.memory_space<semaphore_mem>>)
      %dma_wait3A = arith.constant 0 : i32
      %dma_wait3A_65 = arith.constant 0 : i32
      %dma_wait3A_66 = tpu.memref_slice %arg4[%add3A, %dma_wait3A, %dma_wait3A_65] : memref<32x125x80xi32, #tpu.memory_space<hbm>> -> memref<1x125x80xi32, #tpu.memory_space<hbm>>
      %dma_wait3A_67 = tpu.memref_squeeze %dma_wait3A_66 : memref<1x125x80xi32, #tpu.memory_space<hbm>> -> memref<125x80xi32, #tpu.memory_space<hbm>>
      %dma_wait3A_68 = arith.constant 0 : i32
      %dma_wait3A_69 = arith.constant 0 : i32
      %dma_wait3A_70 = tpu.memref_slice %arg4[%add3A, %dma_wait3A_68, %dma_wait3A_69] : memref<32x125x80xi32, #tpu.memory_space<hbm>> -> memref<1x125x80xi32, #tpu.memory_space<hbm>>
      %dma_wait3A_71 = tpu.memref_squeeze %dma_wait3A_70 : memref<1x125x80xi32, #tpu.memory_space<hbm>> -> memref<125x80xi32, #tpu.memory_space<hbm>>
      tpu.wait_dma2 semaphore(%run_scoped3A : memref<!tpu.dma_semaphore, #tpu.memory_space<semaphore_mem>>) src(%dma_wait3A_71 : memref<125x80xi32, #tpu.memory_space<hbm>>) dst(%arg8 : memref<125x80xi32, #tpu.memory_space<vmem>>)
      tpu.yield
    }) : () -> ()
    "tpu.region"() ({
      %run_scoped3A = tpu.sem_alloc : memref<!tpu.dma_semaphore, #tpu.memory_space<semaphore_mem>>
      %dma_start3A_57 = arith.constant 0 : i32
      %dma_start3A_58 = arith.constant 0 : i32
      %dma_start3A_59 = tpu.memref_slice %arg5[%add3A, %dma_start3A_57, %dma_start3A_58] : memref<32x125x80xi32, #tpu.memory_space<hbm>> -> memref<1x125x80xi32, #tpu.memory_space<hbm>>
      %dma_start3A_60 = tpu.memref_squeeze %dma_start3A_59 : memref<1x125x80xi32, #tpu.memory_space<hbm>> -> memref<125x80xi32, #tpu.memory_space<hbm>>
      %dma_start3A_61 = arith.constant 0 : i32
      %dma_start3A_62 = arith.constant 0 : i32
      %dma_start3A_63 = tpu.memref_slice %arg5[%add3A, %dma_start3A_61, %dma_start3A_62] : memref<32x125x80xi32, #tpu.memory_space<hbm>> -> memref<1x125x80xi32, #tpu.memory_space<hbm>>
      %dma_start3A_64 = tpu.memref_squeeze %dma_start3A_63 : memref<1x125x80xi32, #tpu.memory_space<hbm>> -> memref<125x80xi32, #tpu.memory_space<hbm>>
      tpu.enqueue_dma source(%dma_start3A_64 : memref<125x80xi32, #tpu.memory_space<hbm>>) target(%arg9 : memref<125x80xi32, #tpu.memory_space<vmem>>) target_semaphore(%run_scoped3A : memref<!tpu.dma_semaphore, #tpu.memory_space<semaphore_mem>>)
      %dma_wait3A = arith.constant 0 : i32
      %dma_wait3A_65 = arith.constant 0 : i32
      %dma_wait3A_66 = tpu.memref_slice %arg5[%add3A, %dma_wait3A, %dma_wait3A_65] : memref<32x125x80xi32, #tpu.memory_space<hbm>> -> memref<1x125x80xi32, #tpu.memory_space<hbm>>
      %dma_wait3A_67 = tpu.memref_squeeze %dma_wait3A_66 : memref<1x125x80xi32, #tpu.memory_space<hbm>> -> memref<125x80xi32, #tpu.memory_space<hbm>>
      %dma_wait3A_68 = arith.constant 0 : i32
      %dma_wait3A_69 = arith.constant 0 : i32
      %dma_wait3A_70 = tpu.memref_slice %arg5[%add3A, %dma_wait3A_68, %dma_wait3A_69] : memref<32x125x80xi32, #tpu.memory_space<hbm>> -> memref<1x125x80xi32, #tpu.memory_space<hbm>>
      %dma_wait3A_71 = tpu.memref_squeeze %dma_wait3A_70 : memref<1x125x80xi32, #tpu.memory_space<hbm>> -> memref<125x80xi32, #tpu.memory_space<hbm>>
      tpu.wait_dma2 semaphore(%run_scoped3A : memref<!tpu.dma_semaphore, #tpu.memory_space<semaphore_mem>>) src(%dma_wait3A_71 : memref<125x80xi32, #tpu.memory_space<hbm>>) dst(%arg9 : memref<125x80xi32, #tpu.memory_space<vmem>>)
      tpu.yield
    }) : () -> ()
    %broadcast_in_dim3A = arith.constant 8 : i32
    %broadcast_in_dim3A_9 = vector.broadcast %broadcast_in_dim3A : i32 to vector<16xi32>
    %broadcast_in_dim3A_10 = arith.constant 9 : i32
    %broadcast_in_dim3A_11 = vector.broadcast %broadcast_in_dim3A_10 : i32 to vector<16xi32>
    %broadcast_in_dim3A_12 = arith.constant 10 : i32
    %broadcast_in_dim3A_13 = vector.broadcast %broadcast_in_dim3A_12 : i32 to vector<16xi32>
    %broadcast_in_dim3A_14 = arith.constant 11 : i32
    %broadcast_in_dim3A_15 = vector.broadcast %broadcast_in_dim3A_14 : i32 to vector<16xi32>
    %broadcast_in_dim3A_16 = arith.constant 12 : i32
    %broadcast_in_dim3A_17 = vector.broadcast %broadcast_in_dim3A_16 : i32 to vector<16xi32>
    %broadcast_in_dim3A_18 = arith.constant 13 : i32
    %broadcast_in_dim3A_19 = vector.broadcast %broadcast_in_dim3A_18 : i32 to vector<16xi32>
    %broadcast_in_dim3A_20 = arith.constant 14 : i32
    %broadcast_in_dim3A_21 = vector.broadcast %broadcast_in_dim3A_20 : i32 to vector<16xi32>
    %broadcast_in_dim3A_22 = arith.constant 15 : i32
    %broadcast_in_dim3A_23 = vector.broadcast %broadcast_in_dim3A_22 : i32 to vector<16xi32>
    %iota3A = tpu.iota {dimensions = array<i32: 0>} : vector<16xi32>
    %add3A_24 = arith.constant 120 : i32
    %add3A_25 = vector.broadcast %add3A_24 : i32 to vector<16xi32>
    %add3A_26 = arith.addi %iota3A, %add3A_25 : vector<16xi32>
    %ge3A = arith.constant 8 : i32
    %ge3A_27 = vector.broadcast %ge3A : i32 to vector<16xi32>
    %ge3A_28 = arith.cmpi sge, %iota3A, %ge3A_27 : vector<16xi32>
    %dma_start3A = arith.constant 0 : i32
    %dma_start3A_29 = arith.constant 0 : i32
    %dma_start3A_30 = tpu.memref_slice %arg8[%dma_start3A, %dma_start3A_29] : memref<125x80xi32, #tpu.memory_space<vmem>> -> memref<1x80xi32, #tpu.memory_space<vmem>>
    %dma_start3A_31 = tpu.memref_squeeze %dma_start3A_30 : memref<1x80xi32, #tpu.memory_space<vmem>> -> memref<80xi32, #tpu.memory_space<vmem>>
    %dma_start3A_32 = arith.constant 0 : i32
    %dma_start3A_33 = arith.constant 0 : i32
    %dma_start3A_34 = tpu.memref_slice %arg2[%dma_start3A_32, %dma_start3A_33] : memref<10000x136xf32, #tpu.memory_space<hbm>> -> memref<10000x136xf32, #tpu.memory_space<hbm>>
    tpu.enqueue_indirect_dma source(%dma_start3A_34 : memref<10000x136xf32, #tpu.memory_space<hbm>>) target(%arg10 : memref<80x136xf32, #tpu.memory_space<vmem>>) offsets(%dma_start3A_31 : memref<80xi32, #tpu.memory_space<vmem>>) semaphore(%arg14 : memref<!tpu.dma_semaphore, #tpu.memory_space<semaphore_mem>>)
    %dma_start3A_35 = arith.constant 0 : i32
    %dma_start3A_36 = arith.constant 0 : i32
    %dma_start3A_37 = tpu.memref_slice %arg9[%dma_start3A_35, %dma_start3A_36] : memref<125x80xi32, #tpu.memory_space<vmem>> -> memref<1x80xi32, #tpu.memory_space<vmem>>
    %dma_start3A_38 = tpu.memref_squeeze %dma_start3A_37 : memref<1x80xi32, #tpu.memory_space<vmem>> -> memref<80xi32, #tpu.memory_space<vmem>>
    %dma_start3A_39 = arith.constant 0 : i32
    %dma_start3A_40 = arith.constant 0 : i32
    %dma_start3A_41 = tpu.memref_slice %arg3[%dma_start3A_39, %dma_start3A_40] : memref<10000x16xf32, #tpu.memory_space<hbm>> -> memref<10000x16xf32, #tpu.memory_space<hbm>>
    tpu.enqueue_indirect_dma source(%dma_start3A_41 : memref<10000x16xf32, #tpu.memory_space<hbm>>) target(%arg12 : memref<80x16xf32, #tpu.memory_space<vmem>>) offsets(%dma_start3A_38 : memref<80xi32, #tpu.memory_space<vmem>>) semaphore(%arg15 : memref<!tpu.dma_semaphore, #tpu.memory_space<semaphore_mem>>)
    %scan3A_42 = arith.constant 0 : i32
    %scan3A_43 = arith.constant 0 : i32
    %scan3A_44 = arith.constant 63 : i32
    %scan3A_45 = arith.addi %scan3A_43, %scan3A_44 : i32
    %scan3A_46 = arith.constant 1 : i32
    %scan3A_47 = scf.for %scan3A_57 = %scan3A_43 to %scan3A_45 step %scan3A_46 iter_args(%scan3A_58 = %scan3A_42) -> (i32)  : i32 {
      %mul3A_59 = arith.constant 2 : i32
      %mul3A_60 = arith.muli %mul3A_59, %scan3A_57 : i32
      %dma_wait3A = arith.constant 0 : i32
      %dma_wait3A_61 = tpu.memref_slice %arg8[%mul3A_60, %dma_wait3A] : memref<125x80xi32, #tpu.memory_space<vmem>> -> memref<1x80xi32, #tpu.memory_space<vmem>>
      %dma_wait3A_62 = tpu.memref_squeeze %dma_wait3A_61 : memref<1x80xi32, #tpu.memory_space<vmem>> -> memref<80xi32, #tpu.memory_space<vmem>>
      %dma_wait3A_63 = arith.constant 0 : i32
      %dma_wait3A_64 = arith.constant 0 : i32
      %dma_wait3A_65 = tpu.memref_slice %arg2[%dma_wait3A_63, %dma_wait3A_64] : memref<10000x136xf32, #tpu.memory_space<hbm>> -> memref<10000x136xf32, #tpu.memory_space<hbm>>
      tpu.wait_indirect_dma semaphore(%arg14 : memref<!tpu.dma_semaphore, #tpu.memory_space<semaphore_mem>>) src(%dma_wait3A_65 : memref<10000x136xf32, #tpu.memory_space<hbm>>) dst(%arg10 : memref<80x136xf32, #tpu.memory_space<vmem>>)
      %dma_wait3A_66 = arith.constant 0 : i32
      %dma_wait3A_67 = tpu.memref_slice %arg9[%mul3A_60, %dma_wait3A_66] : memref<125x80xi32, #tpu.memory_space<vmem>> -> memref<1x80xi32, #tpu.memory_space<vmem>>
      %dma_wait3A_68 = tpu.memref_squeeze %dma_wait3A_67 : memref<1x80xi32, #tpu.memory_space<vmem>> -> memref<80xi32, #tpu.memory_space<vmem>>
      %dma_wait3A_69 = arith.constant 0 : i32
      %dma_wait3A_70 = arith.constant 0 : i32
      %dma_wait3A_71 = tpu.memref_slice %arg3[%dma_wait3A_69, %dma_wait3A_70] : memref<10000x16xf32, #tpu.memory_space<hbm>> -> memref<10000x16xf32, #tpu.memory_space<hbm>>
      tpu.wait_indirect_dma semaphore(%arg15 : memref<!tpu.dma_semaphore, #tpu.memory_space<semaphore_mem>>) src(%dma_wait3A_71 : memref<10000x16xf32, #tpu.memory_space<hbm>>) dst(%arg12 : memref<80x16xf32, #tpu.memory_space<vmem>>)
      %add3A_72 = arith.constant 1 : i32
      %add3A_73 = arith.addi %mul3A_60, %add3A_72 : i32
      %lt3A = arith.constant 125 : i32
      %lt3A_74 = arith.cmpi slt, %add3A_73, %lt3A : i32
      %convert_element_type3A = arith.extui %lt3A_74 : i1 to i32
      %cond3A = arith.constant 0 : i32
      %cond3A_75 = arith.cmpi ne, %convert_element_type3A, %cond3A : i32
      scf.if %cond3A_75 {
        %add3A_87 = arith.constant 1 : i32
        %add3A_88 = arith.addi %mul3A_60, %add3A_87 : i32
        %dma_start3A_89 = arith.constant 0 : i32
        %dma_start3A_90 = tpu.memref_slice %arg8[%add3A_88, %dma_start3A_89] : memref<125x80xi32, #tpu.memory_space<vmem>> -> memref<1x80xi32, #tpu.memory_space<vmem>>
        %dma_start3A_91 = tpu.memref_squeeze %dma_start3A_90 : memref<1x80xi32, #tpu.memory_space<vmem>> -> memref<80xi32, #tpu.memory_space<vmem>>
        %dma_start3A_92 = arith.constant 0 : i32
        %dma_start3A_93 = arith.constant 0 : i32
        %dma_start3A_94 = tpu.memref_slice %arg2[%dma_start3A_92, %dma_start3A_93] : memref<10000x136xf32, #tpu.memory_space<hbm>> -> memref<10000x136xf32, #tpu.memory_space<hbm>>
        tpu.enqueue_indirect_dma source(%dma_start3A_94 : memref<10000x136xf32, #tpu.memory_space<hbm>>) target(%arg11 : memref<80x136xf32, #tpu.memory_space<vmem>>) offsets(%dma_start3A_91 : memref<80xi32, #tpu.memory_space<vmem>>) semaphore(%arg16 : memref<!tpu.dma_semaphore, #tpu.memory_space<semaphore_mem>>)
        %dma_start3A_95 = arith.constant 0 : i32
        %dma_start3A_96 = tpu.memref_slice %arg9[%add3A_88, %dma_start3A_95] : memref<125x80xi32, #tpu.memory_space<vmem>> -> memref<1x80xi32, #tpu.memory_space<vmem>>
        %dma_start3A_97 = tpu.memref_squeeze %dma_start3A_96 : memref<1x80xi32, #tpu.memory_space<vmem>> -> memref<80xi32, #tpu.memory_space<vmem>>
        %dma_start3A_98 = arith.constant 0 : i32
        %dma_start3A_99 = arith.constant 0 : i32
        %dma_start3A_100 = tpu.memref_slice %arg3[%dma_start3A_98, %dma_start3A_99] : memref<10000x16xf32, #tpu.memory_space<hbm>> -> memref<10000x16xf32, #tpu.memory_space<hbm>>
        tpu.enqueue_indirect_dma source(%dma_start3A_100 : memref<10000x16xf32, #tpu.memory_space<hbm>>) target(%arg13 : memref<80x16xf32, #tpu.memory_space<vmem>>) offsets(%dma_start3A_97 : memref<80xi32, #tpu.memory_space<vmem>>) semaphore(%arg17 : memref<!tpu.dma_semaphore, #tpu.memory_space<semaphore_mem>>)
      } else {
      }
      %parallel_loop3A_76 = arith.constant 0 : i32
      %parallel_loop3A_77 = arith.constant 80 : i32
      %parallel_loop3A_78 = arith.constant 1 : i32
      scf.for %parallel_loop3A_87 = %parallel_loop3A_76 to %parallel_loop3A_77 step %parallel_loop3A_78  : i32 {
        %parallel_loop3A_88 = arith.index_cast %parallel_loop3A_87 : i32 to index
        %parallel_loop3A_89 = arith.constant 120 : index
        %parallel_loop3A_90 = tpu.vector_load %arg10[%parallel_loop3A_88, %parallel_loop3A_89] {strides = array<i32>} : memref<80x136xf32, #tpu.memory_space<vmem>>, vector<16xf32>,
        %parallel_loop3A_91 = arith.index_cast %parallel_loop3A_87 : i32 to index
        %parallel_loop3A_92 = arith.constant 0 : index
        %parallel_loop3A_93 = tpu.vector_load %arg12[%parallel_loop3A_91, %parallel_loop3A_92] {strides = array<i32>} : memref<80x16xf32, #tpu.memory_space<vmem>>, vector<16xf32>,
        %parallel_loop3A_94 = arith.addf %parallel_loop3A_90, %parallel_loop3A_93 : vector<16xf32>
        %parallel_loop3A_95 = arith.constant 0.000000e+00 : f32
        %parallel_loop3A_96 = vector.broadcast %parallel_loop3A_95 : f32 to vector<16xf32>
        %parallel_loop3A_97 = arith.cmpf ogt, %parallel_loop3A_94, %parallel_loop3A_96 : vector<16xf32>
        %parallel_loop3A_98 = arith.constant 2.000000e-01 : f32
        %parallel_loop3A_99 = vector.broadcast %parallel_loop3A_98 : f32 to vector<16xf32>
        %parallel_loop3A_100 = arith.mulf %parallel_loop3A_99, %parallel_loop3A_94 : vector<16xf32>
        %parallel_loop3A_101 = arith.select %parallel_loop3A_97, %parallel_loop3A_94, %parallel_loop3A_100 : vector<16xi1>, vector<16xf32>
        %parallel_loop3A_102 = math.exp %parallel_loop3A_101 : vector<16xf32>
        %parallel_loop3A_103 = vector.broadcast %parallel_loop3A_87 : i32 to vector<16xi32>
        tpu.vector_store_idx %arg10[%parallel_loop3A_103, %add3A_26], %parallel_loop3A_102 masked %ge3A_28 : memref<80x136xf32, #tpu.memory_space<vmem>>[vector<16xi32>, vector<16xi32>], vector<16xf32>, vector<16xi1>
        %parallel_loop3A_104 = vector.shape_cast %broadcast_in_dim3A_9 : vector<16xi32> to vector<16x1xi32>
        %parallel_loop3A_105 = vector.shape_cast %parallel_loop3A_104 : vector<16x1xi32> to vector<16xi32>
        %parallel_loop3A_106 = tpu.dynamic_gather %parallel_loop3A_102[%parallel_loop3A_105] in [0] : vector<16xf32>, vector<16xi32> -> vector<16xf32>
        %parallel_loop3A_107 = arith.index_cast %parallel_loop3A_87 : i32 to index
        %parallel_loop3A_108 = arith.constant 0 : index
        %parallel_loop3A_109 = tpu.vector_load %arg10[%parallel_loop3A_107, %parallel_loop3A_108] {strides = array<i32>} : memref<80x136xf32, #tpu.memory_space<vmem>>, vector<16xf32>,
        %parallel_loop3A_110 = arith.mulf %parallel_loop3A_109, %parallel_loop3A_106 : vector<16xf32>
        %parallel_loop3A_111 = arith.index_cast %parallel_loop3A_87 : i32 to index
        %parallel_loop3A_112 = arith.constant 0 : index
        %parallel_loop3A_113 = tpu.vector_load %arg10[%parallel_loop3A_111, %parallel_loop3A_112] {strides = array<i32>} : memref<80x136xf32, #tpu.memory_space<vmem>>, vector<16xf32>,
        tpu.vector_store %arg10[%parallel_loop3A_111, %parallel_loop3A_112], %parallel_loop3A_110 {strides = array<i32>} : memref<80x136xf32, #tpu.memory_space<vmem>>, vector<16xf32>,
        %parallel_loop3A_114 = vector.shape_cast %broadcast_in_dim3A_11 : vector<16xi32> to vector<16x1xi32>
        %parallel_loop3A_115 = vector.shape_cast %parallel_loop3A_114 : vector<16x1xi32> to vector<16xi32>
        %parallel_loop3A_116 = tpu.dynamic_gather %parallel_loop3A_102[%parallel_loop3A_115] in [0] : vector<16xf32>, vector<16xi32> -> vector<16xf32>
        %parallel_loop3A_117 = arith.index_cast %parallel_loop3A_87 : i32 to index
        %parallel_loop3A_118 = arith.constant 16 : index
        %parallel_loop3A_119 = tpu.vector_load %arg10[%parallel_loop3A_117, %parallel_loop3A_118] {strides = array<i32>} : memref<80x136xf32, #tpu.memory_space<vmem>>, vector<16xf32>,
        %parallel_loop3A_120 = arith.mulf %parallel_loop3A_119, %parallel_loop3A_116 : vector<16xf32>
        %parallel_loop3A_121 = arith.index_cast %parallel_loop3A_87 : i32 to index
        %parallel_loop3A_122 = arith.constant 16 : index
        %parallel_loop3A_123 = tpu.vector_load %arg10[%parallel_loop3A_121, %parallel_loop3A_122] {strides = array<i32>} : memref<80x136xf32, #tpu.memory_space<vmem>>, vector<16xf32>,
        tpu.vector_store %arg10[%parallel_loop3A_121, %parallel_loop3A_122], %parallel_loop3A_120 {strides = array<i32>} : memref<80x136xf32, #tpu.memory_space<vmem>>, vector<16xf32>,
        %parallel_loop3A_124 = vector.shape_cast %broadcast_in_dim3A_13 : vector<16xi32> to vector<16x1xi32>
        %parallel_loop3A_125 = vector.shape_cast %parallel_loop3A_124 : vector<16x1xi32> to vector<16xi32>
        %parallel_loop3A_126 = tpu.dynamic_gather %parallel_loop3A_102[%parallel_loop3A_125] in [0] : vector<16xf32>, vector<16xi32> -> vector<16xf32>
        %parallel_loop3A_127 = arith.index_cast %parallel_loop3A_87 : i32 to index
        %parallel_loop3A_128 = arith.constant 32 : index
        %parallel_loop3A_129 = tpu.vector_load %arg10[%parallel_loop3A_127, %parallel_loop3A_128] {strides = array<i32>} : memref<80x136xf32, #tpu.memory_space<vmem>>, vector<16xf32>,
        %parallel_loop3A_130 = arith.mulf %parallel_loop3A_129, %parallel_loop3A_126 : vector<16xf32>
        %parallel_loop3A_131 = arith.index_cast %parallel_loop3A_87 : i32 to index
        %parallel_loop3A_132 = arith.constant 32 : index
        %parallel_loop3A_133 = tpu.vector_load %arg10[%parallel_loop3A_131, %parallel_loop3A_132] {strides = array<i32>} : memref<80x136xf32, #tpu.memory_space<vmem>>, vector<16xf32>,
        tpu.vector_store %arg10[%parallel_loop3A_131, %parallel_loop3A_132], %parallel_loop3A_130 {strides = array<i32>} : memref<80x136xf32, #tpu.memory_space<vmem>>, vector<16xf32>,
        %parallel_loop3A_134 = vector.shape_cast %broadcast_in_dim3A_15 : vector<16xi32> to vector<16x1xi32>
        %parallel_loop3A_135 = vector.shape_cast %parallel_loop3A_134 : vector<16x1xi32> to vector<16xi32>
        %parallel_loop3A_136 = tpu.dynamic_gather %parallel_loop3A_102[%parallel_loop3A_135] in [0] : vector<16xf32>, vector<16xi32> -> vector<16xf32>
        %parallel_loop3A_137 = arith.index_cast %parallel_loop3A_87 : i32 to index
        %parallel_loop3A_138 = arith.constant 48 : index
        %parallel_loop3A_139 = tpu.vector_load %arg10[%parallel_loop3A_137, %parallel_loop3A_138] {strides = array<i32>} : memref<80x136xf32, #tpu.memory_space<vmem>>, vector<16xf32>,
        %parallel_loop3A_140 = arith.mulf %parallel_loop3A_139, %parallel_loop3A_136 : vector<16xf32>
        %parallel_loop3A_141 = arith.index_cast %parallel_loop3A_87 : i32 to index
        %parallel_loop3A_142 = arith.constant 48 : index
        %parallel_loop3A_143 = tpu.vector_load %arg10[%parallel_loop3A_141, %parallel_loop3A_142] {strides = array<i32>} : memref<80x136xf32, #tpu.memory_space<vmem>>, vector<16xf32>,
        tpu.vector_store %arg10[%parallel_loop3A_141, %parallel_loop3A_142], %parallel_loop3A_140 {strides = array<i32>} : memref<80x136xf32, #tpu.memory_space<vmem>>, vector<16xf32>,
        %parallel_loop3A_144 = vector.shape_cast %broadcast_in_dim3A_17 : vector<16xi32> to vector<16x1xi32>
        %parallel_loop3A_145 = vector.shape_cast %parallel_loop3A_144 : vector<16x1xi32> to vector<16xi32>
        %parallel_loop3A_146 = tpu.dynamic_gather %parallel_loop3A_102[%parallel_loop3A_145] in [0] : vector<16xf32>, vector<16xi32> -> vector<16xf32>
        %parallel_loop3A_147 = arith.index_cast %parallel_loop3A_87 : i32 to index
        %parallel_loop3A_148 = arith.constant 64 : index
        %parallel_loop3A_149 = tpu.vector_load %arg10[%parallel_loop3A_147, %parallel_loop3A_148] {strides = array<i32>} : memref<80x136xf32, #tpu.memory_space<vmem>>, vector<16xf32>,
        %parallel_loop3A_150 = arith.mulf %parallel_loop3A_149, %parallel_loop3A_146 : vector<16xf32>
        %parallel_loop3A_151 = arith.index_cast %parallel_loop3A_87 : i32 to index
        %parallel_loop3A_152 = arith.constant 64 : index
        %parallel_loop3A_153 = tpu.vector_load %arg10[%parallel_loop3A_151, %parallel_loop3A_152] {strides = array<i32>} : memref<80x136xf32, #tpu.memory_space<vmem>>, vector<16xf32>,
        tpu.vector_store %arg10[%parallel_loop3A_151, %parallel_loop3A_152], %parallel_loop3A_150 {strides = array<i32>} : memref<80x136xf32, #tpu.memory_space<vmem>>, vector<16xf32>,
        %parallel_loop3A_154 = vector.shape_cast %broadcast_in_dim3A_19 : vector<16xi32> to vector<16x1xi32>
        %parallel_loop3A_155 = vector.shape_cast %parallel_loop3A_154 : vector<16x1xi32> to vector<16xi32>
        %parallel_loop3A_156 = tpu.dynamic_gather %parallel_loop3A_102[%parallel_loop3A_155] in [0] : vector<16xf32>, vector<16xi32> -> vector<16xf32>
        %parallel_loop3A_157 = arith.index_cast %parallel_loop3A_87 : i32 to index
        %parallel_loop3A_158 = arith.constant 80 : index
        %parallel_loop3A_159 = tpu.vector_load %arg10[%parallel_loop3A_157, %parallel_loop3A_158] {strides = array<i32>} : memref<80x136xf32, #tpu.memory_space<vmem>>, vector<16xf32>,
        %parallel_loop3A_160 = arith.mulf %parallel_loop3A_159, %parallel_loop3A_156 : vector<16xf32>
        %parallel_loop3A_161 = arith.index_cast %parallel_loop3A_87 : i32 to index
        %parallel_loop3A_162 = arith.constant 80 : index
        %parallel_loop3A_163 = tpu.vector_load %arg10[%parallel_loop3A_161, %parallel_loop3A_162] {strides = array<i32>} : memref<80x136xf32, #tpu.memory_space<vmem>>, vector<16xf32>,
        tpu.vector_store %arg10[%parallel_loop3A_161, %parallel_loop3A_162], %parallel_loop3A_160 {strides = array<i32>} : memref<80x136xf32, #tpu.memory_space<vmem>>, vector<16xf32>,
        %parallel_loop3A_164 = vector.shape_cast %broadcast_in_dim3A_21 : vector<16xi32> to vector<16x1xi32>
        %parallel_loop3A_165 = vector.shape_cast %parallel_loop3A_164 : vector<16x1xi32> to vector<16xi32>
        %parallel_loop3A_166 = tpu.dynamic_gather %parallel_loop3A_102[%parallel_loop3A_165] in [0] : vector<16xf32>, vector<16xi32> -> vector<16xf32>
        %parallel_loop3A_167 = arith.index_cast %parallel_loop3A_87 : i32 to index
        %parallel_loop3A_168 = arith.constant 96 : index
        %parallel_loop3A_169 = tpu.vector_load %arg10[%parallel_loop3A_167, %parallel_loop3A_168] {strides = array<i32>} : memref<80x136xf32, #tpu.memory_space<vmem>>, vector<16xf32>,
        %parallel_loop3A_170 = arith.mulf %parallel_loop3A_169, %parallel_loop3A_166 : vector<16xf32>
        %parallel_loop3A_171 = arith.index_cast %parallel_loop3A_87 : i32 to index
        %parallel_loop3A_172 = arith.constant 96 : index
        %parallel_loop3A_173 = tpu.vector_load %arg10[%parallel_loop3A_171, %parallel_loop3A_172] {strides = array<i32>} : memref<80x136xf32, #tpu.memory_space<vmem>>, vector<16xf32>,
        tpu.vector_store %arg10[%parallel_loop3A_171, %parallel_loop3A_172], %parallel_loop3A_170 {strides = array<i32>} : memref<80x136xf32, #tpu.memory_space<vmem>>, vector<16xf32>,
        %parallel_loop3A_174 = vector.shape_cast %broadcast_in_dim3A_23 : vector<16xi32> to vector<16x1xi32>
        %parallel_loop3A_175 = vector.shape_cast %parallel_loop3A_174 : vector<16x1xi32> to vector<16xi32>
        %parallel_loop3A_176 = tpu.dynamic_gather %parallel_loop3A_102[%parallel_loop3A_175] in [0] : vector<16xf32>, vector<16xi32> -> vector<16xf32>
        %parallel_loop3A_177 = arith.index_cast %parallel_loop3A_87 : i32 to index
        %parallel_loop3A_178 = arith.constant 112 : index
        %parallel_loop3A_179 = tpu.vector_load %arg10[%parallel_loop3A_177, %parallel_loop3A_178] {strides = array<i32>} : memref<80x136xf32, #tpu.memory_space<vmem>>, vector<16xf32>,
        %parallel_loop3A_180 = arith.mulf %parallel_loop3A_179, %parallel_loop3A_176 : vector<16xf32>
        %parallel_loop3A_181 = arith.index_cast %parallel_loop3A_87 : i32 to index
        %parallel_loop3A_182 = arith.constant 112 : index
        %parallel_loop3A_183 = tpu.vector_load %arg10[%parallel_loop3A_181, %parallel_loop3A_182] {strides = array<i32>} : memref<80x136xf32, #tpu.memory_space<vmem>>, vector<16xf32>,
        tpu.vector_store %arg10[%parallel_loop3A_181, %parallel_loop3A_182], %parallel_loop3A_180 {strides = array<i32>} : memref<80x136xf32, #tpu.memory_space<vmem>>, vector<16xf32>,
      } {sc.loop_unroll_factor = 4 : i64, sc.parallel_access}
      "tpu.region"() ({
        %run_scoped3A = tpu.sem_alloc : memref<!tpu.dma_semaphore, #tpu.memory_space<semaphore_mem>>
        %dma_start3A_87 = arith.constant 0 : i32
        %dma_start3A_88 = tpu.memref_slice %arg9[%mul3A_60, %dma_start3A_87] : memref<125x80xi32, #tpu.memory_space<vmem>> -> memref<1x80xi32, #tpu.memory_space<vmem>>
        %dma_start3A_89 = tpu.memref_squeeze %dma_start3A_88 : memref<1x80xi32, #tpu.memory_space<vmem>> -> memref<80xi32, #tpu.memory_space<vmem>>
        %dma_start3A_90 = arith.constant 0 : i32
        %dma_start3A_91 = arith.constant 0 : i32
        %dma_start3A_92 = tpu.memref_slice %arg7[%dma_start3A_90, %dma_start3A_91] : memref<10000x136xf32, #tpu.memory_space<vmem_shared>> -> memref<10000x136xf32, #tpu.memory_space<vmem_shared>>
        tpu.enqueue_indirect_dma source(%arg10 : memref<80x136xf32, #tpu.memory_space<vmem>>) target(%dma_start3A_92 : memref<10000x136xf32, #tpu.memory_space<vmem_shared>>) offsets(%dma_start3A_89 : memref<80xi32, #tpu.memory_space<vmem>>) semaphore(%run_scoped3A : memref<!tpu.dma_semaphore, #tpu.memory_space<semaphore_mem>>) {add = true}
        %dma_wait3A_93 = arith.constant 0 : i32
        %dma_wait3A_94 = tpu.memref_slice %arg9[%mul3A_60, %dma_wait3A_93] : memref<125x80xi32, #tpu.memory_space<vmem>> -> memref<1x80xi32, #tpu.memory_space<vmem>>
        %dma_wait3A_95 = tpu.memref_squeeze %dma_wait3A_94 : memref<1x80xi32, #tpu.memory_space<vmem>> -> memref<80xi32, #tpu.memory_space<vmem>>
        %dma_wait3A_96 = arith.constant 0 : i32
        %dma_wait3A_97 = arith.constant 0 : i32
        %dma_wait3A_98 = tpu.memref_slice %arg7[%dma_wait3A_96, %dma_wait3A_97] : memref<10000x136xf32, #tpu.memory_space<vmem_shared>> -> memref<10000x136xf32, #tpu.memory_space<vmem_shared>>
        tpu.wait_indirect_dma semaphore(%run_scoped3A : memref<!tpu.dma_semaphore, #tpu.memory_space<semaphore_mem>>) src(%arg10 : memref<80x136xf32, #tpu.memory_space<vmem>>) dst(%dma_wait3A_98 : memref<10000x136xf32, #tpu.memory_space<vmem_shared>>)
        tpu.yield
      }) : () -> ()
      %add3A_79 = arith.constant 1 : i32
      %add3A_80 = arith.addi %mul3A_60, %add3A_79 : i32
      %lt3A_81 = arith.constant 125 : i32
      %lt3A_82 = arith.cmpi slt, %add3A_80, %lt3A_81 : i32
      %convert_element_type3A_83 = arith.extui %lt3A_82 : i1 to i32
      %cond3A_84 = arith.constant 0 : i32
      %cond3A_85 = arith.cmpi ne, %convert_element_type3A_83, %cond3A_84 : i32
      scf.if %cond3A_85 {
        %add3A_87 = arith.constant 1 : i32
        %add3A_88 = arith.addi %mul3A_60, %add3A_87 : i32
        %dma_wait3A_89 = arith.constant 0 : i32
        %dma_wait3A_90 = tpu.memref_slice %arg8[%add3A_88, %dma_wait3A_89] : memref<125x80xi32, #tpu.memory_space<vmem>> -> memref<1x80xi32, #tpu.memory_space<vmem>>
        %dma_wait3A_91 = tpu.memref_squeeze %dma_wait3A_90 : memref<1x80xi32, #tpu.memory_space<vmem>> -> memref<80xi32, #tpu.memory_space<vmem>>
        %dma_wait3A_92 = arith.constant 0 : i32
        %dma_wait3A_93 = arith.constant 0 : i32
        %dma_wait3A_94 = tpu.memref_slice %arg2[%dma_wait3A_92, %dma_wait3A_93] : memref<10000x136xf32, #tpu.memory_space<hbm>> -> memref<10000x136xf32, #tpu.memory_space<hbm>>
        tpu.wait_indirect_dma semaphore(%arg16 : memref<!tpu.dma_semaphore, #tpu.memory_space<semaphore_mem>>) src(%dma_wait3A_94 : memref<10000x136xf32, #tpu.memory_space<hbm>>) dst(%arg11 : memref<80x136xf32, #tpu.memory_space<vmem>>)
        %dma_wait3A_95 = arith.constant 0 : i32
        %dma_wait3A_96 = tpu.memref_slice %arg9[%add3A_88, %dma_wait3A_95] : memref<125x80xi32, #tpu.memory_space<vmem>> -> memref<1x80xi32, #tpu.memory_space<vmem>>
        %dma_wait3A_97 = tpu.memref_squeeze %dma_wait3A_96 : memref<1x80xi32, #tpu.memory_space<vmem>> -> memref<80xi32, #tpu.memory_space<vmem>>
        %dma_wait3A_98 = arith.constant 0 : i32
        %dma_wait3A_99 = arith.constant 0 : i32
        %dma_wait3A_100 = tpu.memref_slice %arg3[%dma_wait3A_98, %dma_wait3A_99] : memref<10000x16xf32, #tpu.memory_space<hbm>> -> memref<10000x16xf32, #tpu.memory_space<hbm>>
        tpu.wait_indirect_dma semaphore(%arg17 : memref<!tpu.dma_semaphore, #tpu.memory_space<semaphore_mem>>) src(%dma_wait3A_100 : memref<10000x16xf32, #tpu.memory_space<hbm>>) dst(%arg13 : memref<80x16xf32, #tpu.memory_space<vmem>>)
        %add3A_101 = arith.constant 2 : i32
        %add3A_102 = arith.addi %mul3A_60, %add3A_101 : i32
        %lt3A_103 = arith.constant 125 : i32
        %lt3A_104 = arith.cmpi slt, %add3A_102, %lt3A_103 : i32
        %convert_element_type3A_105 = arith.extui %lt3A_104 : i1 to i32
        %cond3A_106 = arith.constant 0 : i32
        %cond3A_107 = arith.cmpi ne, %convert_element_type3A_105, %cond3A_106 : i32
        scf.if %cond3A_107 {
          %add3A_113 = arith.constant 2 : i32
          %add3A_114 = arith.addi %mul3A_60, %add3A_113 : i32
          %dma_start3A_115 = arith.constant 0 : i32
          %dma_start3A_116 = tpu.memref_slice %arg8[%add3A_114, %dma_start3A_115] : memref<125x80xi32, #tpu.memory_space<vmem>> -> memref<1x80xi32, #tpu.memory_space<vmem>>
          %dma_start3A_117 = tpu.memref_squeeze %dma_start3A_116 : memref<1x80xi32, #tpu.memory_space<vmem>> -> memref<80xi32, #tpu.memory_space<vmem>>
          %dma_start3A_118 = arith.constant 0 : i32
          %dma_start3A_119 = arith.constant 0 : i32
          %dma_start3A_120 = tpu.memref_slice %arg2[%dma_start3A_118, %dma_start3A_119] : memref<10000x136xf32, #tpu.memory_space<hbm>> -> memref<10000x136xf32, #tpu.memory_space<hbm>>
          tpu.enqueue_indirect_dma source(%dma_start3A_120 : memref<10000x136xf32, #tpu.memory_space<hbm>>) target(%arg10 : memref<80x136xf32, #tpu.memory_space<vmem>>) offsets(%dma_start3A_117 : memref<80xi32, #tpu.memory_space<vmem>>) semaphore(%arg14 : memref<!tpu.dma_semaphore, #tpu.memory_space<semaphore_mem>>)
          %dma_start3A_121 = arith.constant 0 : i32
          %dma_start3A_122 = tpu.memref_slice %arg9[%add3A_114, %dma_start3A_121] : memref<125x80xi32, #tpu.memory_space<vmem>> -> memref<1x80xi32, #tpu.memory_space<vmem>>
          %dma_start3A_123 = tpu.memref_squeeze %dma_start3A_122 : memref<1x80xi32, #tpu.memory_space<vmem>> -> memref<80xi32, #tpu.memory_space<vmem>>
          %dma_start3A_124 = arith.constant 0 : i32
          %dma_start3A_125 = arith.constant 0 : i32
          %dma_start3A_126 = tpu.memref_slice %arg3[%dma_start3A_124, %dma_start3A_125] : memref<10000x16xf32, #tpu.memory_space<hbm>> -> memref<10000x16xf32, #tpu.memory_space<hbm>>
          tpu.enqueue_indirect_dma source(%dma_start3A_126 : memref<10000x16xf32, #tpu.memory_space<hbm>>) target(%arg12 : memref<80x16xf32, #tpu.memory_space<vmem>>) offsets(%dma_start3A_123 : memref<80xi32, #tpu.memory_space<vmem>>) semaphore(%arg15 : memref<!tpu.dma_semaphore, #tpu.memory_space<semaphore_mem>>)
        } else {
        }
        %parallel_loop3A_108 = arith.constant 0 : i32
        %parallel_loop3A_109 = arith.constant 80 : i32
        %parallel_loop3A_110 = arith.constant 1 : i32
        scf.for %parallel_loop3A_113 = %parallel_loop3A_108 to %parallel_loop3A_109 step %parallel_loop3A_110  : i32 {
          %parallel_loop3A_114 = arith.index_cast %parallel_loop3A_113 : i32 to index
          %parallel_loop3A_115 = arith.constant 120 : index
          %parallel_loop3A_116 = tpu.vector_load %arg11[%parallel_loop3A_114, %parallel_loop3A_115] {strides = array<i32>} : memref<80x136xf32, #tpu.memory_space<vmem>>, vector<16xf32>,
          %parallel_loop3A_117 = arith.index_cast %parallel_loop3A_113 : i32 to index
          %parallel_loop3A_118 = arith.constant 0 : index
          %parallel_loop3A_119 = tpu.vector_load %arg13[%parallel_loop3A_117, %parallel_loop3A_118] {strides = array<i32>} : memref<80x16xf32, #tpu.memory_space<vmem>>, vector<16xf32>,
          %parallel_loop3A_120 = arith.addf %parallel_loop3A_116, %parallel_loop3A_119 : vector<16xf32>
          %parallel_loop3A_121 = arith.constant 0.000000e+00 : f32
          %parallel_loop3A_122 = vector.broadcast %parallel_loop3A_121 : f32 to vector<16xf32>
          %parallel_loop3A_123 = arith.cmpf ogt, %parallel_loop3A_120, %parallel_loop3A_122 : vector<16xf32>
          %parallel_loop3A_124 = arith.constant 2.000000e-01 : f32
          %parallel_loop3A_125 = vector.broadcast %parallel_loop3A_124 : f32 to vector<16xf32>
          %parallel_loop3A_126 = arith.mulf %parallel_loop3A_125, %parallel_loop3A_120 : vector<16xf32>
          %parallel_loop3A_127 = arith.select %parallel_loop3A_123, %parallel_loop3A_120, %parallel_loop3A_126 : vector<16xi1>, vector<16xf32>
          %parallel_loop3A_128 = math.exp %parallel_loop3A_127 : vector<16xf32>
          %parallel_loop3A_129 = vector.broadcast %parallel_loop3A_113 : i32 to vector<16xi32>
          tpu.vector_store_idx %arg11[%parallel_loop3A_129, %add3A_26], %parallel_loop3A_128 masked %ge3A_28 : memref<80x136xf32, #tpu.memory_space<vmem>>[vector<16xi32>, vector<16xi32>], vector<16xf32>, vector<16xi1>
          %parallel_loop3A_130 = vector.shape_cast %broadcast_in_dim3A_9 : vector<16xi32> to vector<16x1xi32>
          %parallel_loop3A_131 = vector.shape_cast %parallel_loop3A_130 : vector<16x1xi32> to vector<16xi32>
          %parallel_loop3A_132 = tpu.dynamic_gather %parallel_loop3A_128[%parallel_loop3A_131] in [0] : vector<16xf32>, vector<16xi32> -> vector<16xf32>
          %parallel_loop3A_133 = arith.index_cast %parallel_loop3A_113 : i32 to index
          %parallel_loop3A_134 = arith.constant 0 : index
          %parallel_loop3A_135 = tpu.vector_load %arg11[%parallel_loop3A_133, %parallel_loop3A_134] {strides = array<i32>} : memref<80x136xf32, #tpu.memory_space<vmem>>, vector<16xf32>,
          %parallel_loop3A_136 = arith.mulf %parallel_loop3A_135, %parallel_loop3A_132 : vector<16xf32>
          %parallel_loop3A_137 = arith.index_cast %parallel_loop3A_113 : i32 to index
          %parallel_loop3A_138 = arith.constant 0 : index
          %parallel_loop3A_139 = tpu.vector_load %arg11[%parallel_loop3A_137, %parallel_loop3A_138] {strides = array<i32>} : memref<80x136xf32, #tpu.memory_space<vmem>>, vector<16xf32>,
          tpu.vector_store %arg11[%parallel_loop3A_137, %parallel_loop3A_138], %parallel_loop3A_136 {strides = array<i32>} : memref<80x136xf32, #tpu.memory_space<vmem>>, vector<16xf32>,
          %parallel_loop3A_140 = vector.shape_cast %broadcast_in_dim3A_11 : vector<16xi32> to vector<16x1xi32>
          %parallel_loop3A_141 = vector.shape_cast %parallel_loop3A_140 : vector<16x1xi32> to vector<16xi32>
          %parallel_loop3A_142 = tpu.dynamic_gather %parallel_loop3A_128[%parallel_loop3A_141] in [0] : vector<16xf32>, vector<16xi32> -> vector<16xf32>
          %parallel_loop3A_143 = arith.index_cast %parallel_loop3A_113 : i32 to index
          %parallel_loop3A_144 = arith.constant 16 : index
          %parallel_loop3A_145 = tpu.vector_load %arg11[%parallel_loop3A_143, %parallel_loop3A_144] {strides = array<i32>} : memref<80x136xf32, #tpu.memory_space<vmem>>, vector<16xf32>,
          %parallel_loop3A_146 = arith.mulf %parallel_loop3A_145, %parallel_loop3A_142 : vector<16xf32>
          %parallel_loop3A_147 = arith.index_cast %parallel_loop3A_113 : i32 to index
          %parallel_loop3A_148 = arith.constant 16 : index
          %parallel_loop3A_149 = tpu.vector_load %arg11[%parallel_loop3A_147, %parallel_loop3A_148] {strides = array<i32>} : memref<80x136xf32, #tpu.memory_space<vmem>>, vector<16xf32>,
          tpu.vector_store %arg11[%parallel_loop3A_147, %parallel_loop3A_148], %parallel_loop3A_146 {strides = array<i32>} : memref<80x136xf32, #tpu.memory_space<vmem>>, vector<16xf32>,
          %parallel_loop3A_150 = vector.shape_cast %broadcast_in_dim3A_13 : vector<16xi32> to vector<16x1xi32>
          %parallel_loop3A_151 = vector.shape_cast %parallel_loop3A_150 : vector<16x1xi32> to vector<16xi32>
          %parallel_loop3A_152 = tpu.dynamic_gather %parallel_loop3A_128[%parallel_loop3A_151] in [0] : vector<16xf32>, vector<16xi32> -> vector<16xf32>
          %parallel_loop3A_153 = arith.index_cast %parallel_loop3A_113 : i32 to index
          %parallel_loop3A_154 = arith.constant 32 : index
          %parallel_loop3A_155 = tpu.vector_load %arg11[%parallel_loop3A_153, %parallel_loop3A_154] {strides = array<i32>} : memref<80x136xf32, #tpu.memory_space<vmem>>, vector<16xf32>,
          %parallel_loop3A_156 = arith.mulf %parallel_loop3A_155, %parallel_loop3A_152 : vector<16xf32>
          %parallel_loop3A_157 = arith.index_cast %parallel_loop3A_113 : i32 to index
          %parallel_loop3A_158 = arith.constant 32 : index
          %parallel_loop3A_159 = tpu.vector_load %arg11[%parallel_loop3A_157, %parallel_loop3A_158] {strides = array<i32>} : memref<80x136xf32, #tpu.memory_space<vmem>>, vector<16xf32>,
          tpu.vector_store %arg11[%parallel_loop3A_157, %parallel_loop3A_158], %parallel_loop3A_156 {strides = array<i32>} : memref<80x136xf32, #tpu.memory_space<vmem>>, vector<16xf32>,
          %parallel_loop3A_160 = vector.shape_cast %broadcast_in_dim3A_15 : vector<16xi32> to vector<16x1xi32>
          %parallel_loop3A_161 = vector.shape_cast %parallel_loop3A_160 : vector<16x1xi32> to vector<16xi32>
          %parallel_loop3A_162 = tpu.dynamic_gather %parallel_loop3A_128[%parallel_loop3A_161] in [0] : vector<16xf32>, vector<16xi32> -> vector<16xf32>
          %parallel_loop3A_163 = arith.index_cast %parallel_loop3A_113 : i32 to index
          %parallel_loop3A_164 = arith.constant 48 : index
          %parallel_loop3A_165 = tpu.vector_load %arg11[%parallel_loop3A_163, %parallel_loop3A_164] {strides = array<i32>} : memref<80x136xf32, #tpu.memory_space<vmem>>, vector<16xf32>,
          %parallel_loop3A_166 = arith.mulf %parallel_loop3A_165, %parallel_loop3A_162 : vector<16xf32>
          %parallel_loop3A_167 = arith.index_cast %parallel_loop3A_113 : i32 to index
          %parallel_loop3A_168 = arith.constant 48 : index
          %parallel_loop3A_169 = tpu.vector_load %arg11[%parallel_loop3A_167, %parallel_loop3A_168] {strides = array<i32>} : memref<80x136xf32, #tpu.memory_space<vmem>>, vector<16xf32>,
          tpu.vector_store %arg11[%parallel_loop3A_167, %parallel_loop3A_168], %parallel_loop3A_166 {strides = array<i32>} : memref<80x136xf32, #tpu.memory_space<vmem>>, vector<16xf32>,
          %parallel_loop3A_170 = vector.shape_cast %broadcast_in_dim3A_17 : vector<16xi32> to vector<16x1xi32>
          %parallel_loop3A_171 = vector.shape_cast %parallel_loop3A_170 : vector<16x1xi32> to vector<16xi32>
          %parallel_loop3A_172 = tpu.dynamic_gather %parallel_loop3A_128[%parallel_loop3A_171] in [0] : vector<16xf32>, vector<16xi32> -> vector<16xf32>
          %parallel_loop3A_173 = arith.index_cast %parallel_loop3A_113 : i32 to index
          %parallel_loop3A_174 = arith.constant 64 : index
          %parallel_loop3A_175 = tpu.vector_load %arg11[%parallel_loop3A_173, %parallel_loop3A_174] {strides = array<i32>} : memref<80x136xf32, #tpu.memory_space<vmem>>, vector<16xf32>,
          %parallel_loop3A_176 = arith.mulf %parallel_loop3A_175, %parallel_loop3A_172 : vector<16xf32>
          %parallel_loop3A_177 = arith.index_cast %parallel_loop3A_113 : i32 to index
          %parallel_loop3A_178 = arith.constant 64 : index
          %parallel_loop3A_179 = tpu.vector_load %arg11[%parallel_loop3A_177, %parallel_loop3A_178] {strides = array<i32>} : memref<80x136xf32, #tpu.memory_space<vmem>>, vector<16xf32>,
          tpu.vector_store %arg11[%parallel_loop3A_177, %parallel_loop3A_178], %parallel_loop3A_176 {strides = array<i32>} : memref<80x136xf32, #tpu.memory_space<vmem>>, vector<16xf32>,
          %parallel_loop3A_180 = vector.shape_cast %broadcast_in_dim3A_19 : vector<16xi32> to vector<16x1xi32>
          %parallel_loop3A_181 = vector.shape_cast %parallel_loop3A_180 : vector<16x1xi32> to vector<16xi32>
          %parallel_loop3A_182 = tpu.dynamic_gather %parallel_loop3A_128[%parallel_loop3A_181] in [0] : vector<16xf32>, vector<16xi32> -> vector<16xf32>
          %parallel_loop3A_183 = arith.index_cast %parallel_loop3A_113 : i32 to index
          %parallel_loop3A_184 = arith.constant 80 : index
          %parallel_loop3A_185 = tpu.vector_load %arg11[%parallel_loop3A_183, %parallel_loop3A_184] {strides = array<i32>} : memref<80x136xf32, #tpu.memory_space<vmem>>, vector<16xf32>,
          %parallel_loop3A_186 = arith.mulf %parallel_loop3A_185, %parallel_loop3A_182 : vector<16xf32>
          %parallel_loop3A_187 = arith.index_cast %parallel_loop3A_113 : i32 to index
          %parallel_loop3A_188 = arith.constant 80 : index
          %parallel_loop3A_189 = tpu.vector_load %arg11[%parallel_loop3A_187, %parallel_loop3A_188] {strides = array<i32>} : memref<80x136xf32, #tpu.memory_space<vmem>>, vector<16xf32>,
          tpu.vector_store %arg11[%parallel_loop3A_187, %parallel_loop3A_188], %parallel_loop3A_186 {strides = array<i32>} : memref<80x136xf32, #tpu.memory_space<vmem>>, vector<16xf32>,
          %parallel_loop3A_190 = vector.shape_cast %broadcast_in_dim3A_21 : vector<16xi32> to vector<16x1xi32>
          %parallel_loop3A_191 = vector.shape_cast %parallel_loop3A_190 : vector<16x1xi32> to vector<16xi32>
          %parallel_loop3A_192 = tpu.dynamic_gather %parallel_loop3A_128[%parallel_loop3A_191] in [0] : vector<16xf32>, vector<16xi32> -> vector<16xf32>
          %parallel_loop3A_193 = arith.index_cast %parallel_loop3A_113 : i32 to index
          %parallel_loop3A_194 = arith.constant 96 : index
          %parallel_loop3A_195 = tpu.vector_load %arg11[%parallel_loop3A_193, %parallel_loop3A_194] {strides = array<i32>} : memref<80x136xf32, #tpu.memory_space<vmem>>, vector<16xf32>,
          %parallel_loop3A_196 = arith.mulf %parallel_loop3A_195, %parallel_loop3A_192 : vector<16xf32>
          %parallel_loop3A_197 = arith.index_cast %parallel_loop3A_113 : i32 to index
          %parallel_loop3A_198 = arith.constant 96 : index
          %parallel_loop3A_199 = tpu.vector_load %arg11[%parallel_loop3A_197, %parallel_loop3A_198] {strides = array<i32>} : memref<80x136xf32, #tpu.memory_space<vmem>>, vector<16xf32>,
          tpu.vector_store %arg11[%parallel_loop3A_197, %parallel_loop3A_198], %parallel_loop3A_196 {strides = array<i32>} : memref<80x136xf32, #tpu.memory_space<vmem>>, vector<16xf32>,
          %parallel_loop3A_200 = vector.shape_cast %broadcast_in_dim3A_23 : vector<16xi32> to vector<16x1xi32>
          %parallel_loop3A_201 = vector.shape_cast %parallel_loop3A_200 : vector<16x1xi32> to vector<16xi32>
          %parallel_loop3A_202 = tpu.dynamic_gather %parallel_loop3A_128[%parallel_loop3A_201] in [0] : vector<16xf32>, vector<16xi32> -> vector<16xf32>
          %parallel_loop3A_203 = arith.index_cast %parallel_loop3A_113 : i32 to index
          %parallel_loop3A_204 = arith.constant 112 : index
          %parallel_loop3A_205 = tpu.vector_load %arg11[%parallel_loop3A_203, %parallel_loop3A_204] {strides = array<i32>} : memref<80x136xf32, #tpu.memory_space<vmem>>, vector<16xf32>,
          %parallel_loop3A_206 = arith.mulf %parallel_loop3A_205, %parallel_loop3A_202 : vector<16xf32>
          %parallel_loop3A_207 = arith.index_cast %parallel_loop3A_113 : i32 to index
          %parallel_loop3A_208 = arith.constant 112 : index
          %parallel_loop3A_209 = tpu.vector_load %arg11[%parallel_loop3A_207, %parallel_loop3A_208] {strides = array<i32>} : memref<80x136xf32, #tpu.memory_space<vmem>>, vector<16xf32>,
          tpu.vector_store %arg11[%parallel_loop3A_207, %parallel_loop3A_208], %parallel_loop3A_206 {strides = array<i32>} : memref<80x136xf32, #tpu.memory_space<vmem>>, vector<16xf32>,
        } {sc.loop_unroll_factor = 4 : i64, sc.parallel_access}
        %add3A_111 = arith.constant 1 : i32
        %add3A_112 = arith.addi %mul3A_60, %add3A_111 : i32
        "tpu.region"() ({
          %run_scoped3A = tpu.sem_alloc : memref<!tpu.dma_semaphore, #tpu.memory_space<semaphore_mem>>
          %dma_start3A_113 = arith.constant 0 : i32
          %dma_start3A_114 = tpu.memref_slice %arg9[%add3A_112, %dma_start3A_113] : memref<125x80xi32, #tpu.memory_space<vmem>> -> memref<1x80xi32, #tpu.memory_space<vmem>>
          %dma_start3A_115 = tpu.memref_squeeze %dma_start3A_114 : memref<1x80xi32, #tpu.memory_space<vmem>> -> memref<80xi32, #tpu.memory_space<vmem>>
          %dma_start3A_116 = arith.constant 0 : i32
          %dma_start3A_117 = arith.constant 0 : i32
          %dma_start3A_118 = tpu.memref_slice %arg7[%dma_start3A_116, %dma_start3A_117] : memref<10000x136xf32, #tpu.memory_space<vmem_shared>> -> memref<10000x136xf32, #tpu.memory_space<vmem_shared>>
          tpu.enqueue_indirect_dma source(%arg11 : memref<80x136xf32, #tpu.memory_space<vmem>>) target(%dma_start3A_118 : memref<10000x136xf32, #tpu.memory_space<vmem_shared>>) offsets(%dma_start3A_115 : memref<80xi32, #tpu.memory_space<vmem>>) semaphore(%run_scoped3A : memref<!tpu.dma_semaphore, #tpu.memory_space<semaphore_mem>>) {add = true}
          %dma_wait3A_119 = arith.constant 0 : i32
          %dma_wait3A_120 = tpu.memref_slice %arg9[%add3A_112, %dma_wait3A_119] : memref<125x80xi32, #tpu.memory_space<vmem>> -> memref<1x80xi32, #tpu.memory_space<vmem>>
          %dma_wait3A_121 = tpu.memref_squeeze %dma_wait3A_120 : memref<1x80xi32, #tpu.memory_space<vmem>> -> memref<80xi32, #tpu.memory_space<vmem>>
          %dma_wait3A_122 = arith.constant 0 : i32
          %dma_wait3A_123 = arith.constant 0 : i32
          %dma_wait3A_124 = tpu.memref_slice %arg7[%dma_wait3A_122, %dma_wait3A_123] : memref<10000x136xf32, #tpu.memory_space<vmem_shared>> -> memref<10000x136xf32, #tpu.memory_space<vmem_shared>>
          tpu.wait_indirect_dma semaphore(%run_scoped3A : memref<!tpu.dma_semaphore, #tpu.memory_space<semaphore_mem>>) src(%arg11 : memref<80x136xf32, #tpu.memory_space<vmem>>) dst(%dma_wait3A_124 : memref<10000x136xf32, #tpu.memory_space<vmem_shared>>)
          tpu.yield
        }) : () -> ()
      } else {
      }
      %scan3A_86 = arith.constant 0 : i32
      scf.yield %scan3A_86 : i32
    }
    %scan3A_48 = arith.constant 63 : i32
    %barrier3A_49 = arith.constant 0 : index
    tpu.barrier barrier_id(%barrier3A_49)
    %scan3A_50 = arith.constant 0 : i32
    %scan3A_51 = arith.constant 0 : i32
    %scan3A_52 = arith.constant 8 : i32
    %scan3A_53 = arith.addi %scan3A_51, %scan3A_52 : i32
    %scan3A_54 = arith.constant 1 : i32
    %scan3A_55 = scf.for %scan3A_57 = %scan3A_51 to %scan3A_53 step %scan3A_54 iter_args(%scan3A_58 = %scan3A_50) -> (i32)  : i32 {
      %mul3A_59 = arith.constant 16 : i32
      %mul3A_60 = arith.muli %scan3A_57, %mul3A_59 : i32
      %add3A_61 = arith.addi %arg1, %mul3A_60 : i32
      %lt3A = arith.constant 125 : i32
      %lt3A_62 = arith.cmpi slt, %add3A_61, %lt3A : i32
      %convert_element_type3A = arith.extui %lt3A_62 : i1 to i32
      %cond3A = arith.constant 0 : i32
      %cond3A_63 = arith.cmpi ne, %convert_element_type3A, %cond3A : i32
      scf.if %cond3A_63 {
        %mul3A_65 = arith.constant 80 : i32
        %mul3A_66 = arith.muli %add3A_61, %mul3A_65 : i32
        %mul3A_67 = arith.constant 80 : i32
        %mul3A_68 = arith.muli %add3A_61, %mul3A_67 : i32
        "tpu.region"() ({
          %run_scoped3A = tpu.sem_alloc : memref<!tpu.dma_semaphore, #tpu.memory_space<semaphore_mem>>
          %dma_start3A_69 = arith.constant 0 : i32
          %dma_start3A_70 = tpu.memref_slice %arg6[%arg0, %mul3A_68, %dma_start3A_69] : memref<2x10000x136xf32, #tpu.memory_space<hbm>> -> memref<1x80x136xf32, #tpu.memory_space<hbm>>
          %dma_start3A_71 = tpu.memref_squeeze %dma_start3A_70 : memref<1x80x136xf32, #tpu.memory_space<hbm>> -> memref<80x136xf32, #tpu.memory_space<hbm>>
          %dma_start3A_72 = arith.constant 0 : i32
          %dma_start3A_73 = tpu.memref_slice %arg7[%mul3A_66, %dma_start3A_72] : memref<10000x136xf32, #tpu.memory_space<vmem_shared>> -> memref<80x136xf32, #tpu.memory_space<vmem_shared>>
          tpu.enqueue_dma source(%dma_start3A_73 : memref<80x136xf32, #tpu.memory_space<vmem_shared>>) target(%dma_start3A_71 : memref<80x136xf32, #tpu.memory_space<hbm>>) target_semaphore(%run_scoped3A : memref<!tpu.dma_semaphore, #tpu.memory_space<semaphore_mem>>)
          %dma_wait3A = arith.constant 0 : i32
          %dma_wait3A_74 = tpu.memref_slice %arg6[%arg0, %mul3A_68, %dma_wait3A] : memref<2x10000x136xf32, #tpu.memory_space<hbm>> -> memref<1x80x136xf32, #tpu.memory_space<hbm>>
          %dma_wait3A_75 = tpu.memref_squeeze %dma_wait3A_74 : memref<1x80x136xf32, #tpu.memory_space<hbm>> -> memref<80x136xf32, #tpu.memory_space<hbm>>
          %dma_wait3A_76 = arith.constant 0 : i32
          %dma_wait3A_77 = tpu.memref_slice %arg7[%mul3A_66, %dma_wait3A_76] : memref<10000x136xf32, #tpu.memory_space<vmem_shared>> -> memref<80x136xf32, #tpu.memory_space<vmem_shared>>
          tpu.wait_dma2 semaphore(%run_scoped3A : memref<!tpu.dma_semaphore, #tpu.memory_space<semaphore_mem>>) src(%dma_wait3A_77 : memref<80x136xf32, #tpu.memory_space<vmem_shared>>) dst(%dma_wait3A_75 : memref<80x136xf32, #tpu.memory_space<hbm>>)
          tpu.yield
        }) : () -> ()
      } else {
      }
      %scan3A_64 = arith.constant 0 : i32
      scf.yield %scan3A_64 : i32
    }
    %scan3A_56 = arith.constant 8 : i32
    return
  }
}

module attributes {stable_mosaic.version = 14 : i64} {
  func.func @_tc_proj0(%arg0: memref<10000x128xf32, #tpu.memory_space<vmem>>, %arg1: memref<128x128xf32, #tpu.memory_space<vmem>>, %arg2: memref<1x128xf32, #tpu.memory_space<vmem>>, %arg3: memref<1x128xf32, #tpu.memory_space<vmem>>, %arg4: memref<128x8xf32, #tpu.memory_space<vmem>>, %arg5: memref<10000x136xf32, #tpu.memory_space<vmem>>, %arg6: memref<10000x16xf32, #tpu.memory_space<vmem>>) attributes {dimension_semantics = [], scalar_prefetch = 0 : i64, scratch_operands = 0 : i64, tpu.core_type = #tpu.core_type<tc>} {
    %get3A = arith.constant 0 : index
    %get3A_0 = arith.constant 0 : index
    %get3A_1 = vector.load %arg0[%get3A, %get3A_0] : memref<10000x128xf32, #tpu.memory_space<vmem>>, vector<10000x128xf32>
    %get3A_2 = arith.constant 0 : index
    %get3A_3 = arith.constant 0 : index
    %get3A_4 = vector.load %arg1[%get3A_2, %get3A_3] : memref<128x128xf32, #tpu.memory_space<vmem>>, vector<128x128xf32>
    %dot_general3A = arith.constant dense<0.000000e+00> : vector<10000x128xf32>
    %dot_general3A_5 = tpu.matmul %get3A_1, %get3A_4, %dot_general3A {dimension_numbers = #tpu.dot_dimension_numbers<[1], [0], [0], [1], [0, 0, 1, 1], [], []>, transpose_lhs_hint = false} : vector<10000x128xf32>, vector<128x128xf32>, vector<10000x128xf32> -> vector<10000x128xf32>
    %get3A_6 = arith.constant 0 : index
    %get3A_7 = arith.constant 0 : index
    %get3A_8 = vector.load %arg2[%get3A_6, %get3A_7] : memref<1x128xf32, #tpu.memory_space<vmem>>, vector<1x128xf32>
    %mul3A = vector.broadcast %get3A_8 : vector<1x128xf32> to vector<10000x128xf32>
    %mul3A_9 = arith.mulf %dot_general3A_5, %mul3A : vector<10000x128xf32>
    %get3A_10 = arith.constant 0 : index
    %get3A_11 = arith.constant 0 : index
    %get3A_12 = vector.load %arg4[%get3A_10, %get3A_11] : memref<128x8xf32, #tpu.memory_space<vmem>>, vector<128x8xf32>
    %dot_general3A_13 = arith.constant dense<0.000000e+00> : vector<10000x8xf32>
    %dot_general3A_14 = tpu.matmul %mul3A_9, %get3A_12, %dot_general3A_13 {dimension_numbers = #tpu.dot_dimension_numbers<[1], [0], [0], [1], [0, 0, 1, 1], [], []>, transpose_lhs_hint = false} : vector<10000x128xf32>, vector<128x8xf32>, vector<10000x8xf32> -> vector<10000x8xf32>
    %get3A_15 = arith.constant 0 : index
    %get3A_16 = arith.constant 0 : index
    %get3A_17 = vector.load %arg3[%get3A_15, %get3A_16] : memref<1x128xf32, #tpu.memory_space<vmem>>, vector<1x128xf32>
    %mul3A_18 = vector.broadcast %get3A_17 : vector<1x128xf32> to vector<10000x128xf32>
    %mul3A_19 = arith.mulf %dot_general3A_5, %mul3A_18 : vector<10000x128xf32>
    %get3A_20 = arith.constant 0 : index
    %get3A_21 = arith.constant 0 : index
    %get3A_22 = vector.load %arg4[%get3A_20, %get3A_21] : memref<128x8xf32, #tpu.memory_space<vmem>>, vector<128x8xf32>
    %dot_general3A_23 = arith.constant dense<0.000000e+00> : vector<10000x8xf32>
    %dot_general3A_24 = tpu.matmul %mul3A_19, %get3A_22, %dot_general3A_23 {dimension_numbers = #tpu.dot_dimension_numbers<[1], [0], [0], [1], [0, 0, 1, 1], [], []>, transpose_lhs_hint = false} : vector<10000x128xf32>, vector<128x8xf32>, vector<10000x8xf32> -> vector<10000x8xf32>
    %swap3A = arith.constant 0 : index
    %swap3A_25 = arith.constant 0 : index
    %swap3A_26 = vector.load %arg5[%swap3A, %swap3A_25] : memref<10000x136xf32, #tpu.memory_space<vmem>>, vector<10000x128xf32>
    tpu.vector_store %arg5[%swap3A, %swap3A_25], %dot_general3A_5 {strides = array<i32>} : memref<10000x136xf32, #tpu.memory_space<vmem>>, vector<10000x128xf32>,
    %swap3A_27 = arith.constant 0 : index
    %swap3A_28 = arith.constant 128 : index
    %swap3A_29 = vector.load %arg5[%swap3A_27, %swap3A_28] : memref<10000x136xf32, #tpu.memory_space<vmem>>, vector<10000x8xf32>
    tpu.vector_store %arg5[%swap3A_27, %swap3A_28], %dot_general3A_14 {strides = array<i32>} : memref<10000x136xf32, #tpu.memory_space<vmem>>, vector<10000x8xf32>,
    %broadcast_in_dim3A = arith.constant 0.000000e+00 : f32
    %broadcast_in_dim3A_30 = vector.broadcast %broadcast_in_dim3A : f32 to vector<10000x8xf32>
    %swap3A_31 = arith.constant 0 : index
    %swap3A_32 = arith.constant 0 : index
    %swap3A_33 = vector.load %arg6[%swap3A_31, %swap3A_32] : memref<10000x16xf32, #tpu.memory_space<vmem>>, vector<10000x8xf32>
    tpu.vector_store %arg6[%swap3A_31, %swap3A_32], %broadcast_in_dim3A_30 {strides = array<i32>} : memref<10000x16xf32, #tpu.memory_space<vmem>>, vector<10000x8xf32>,
    %swap3A_34 = arith.constant 0 : index
    %swap3A_35 = arith.constant 8 : index
    %swap3A_36 = vector.load %arg6[%swap3A_34, %swap3A_35] : memref<10000x16xf32, #tpu.memory_space<vmem>>, vector<10000x8xf32>
    tpu.vector_store %arg6[%swap3A_34, %swap3A_35], %dot_general3A_24 {strides = array<i32>} : memref<10000x16xf32, #tpu.memory_space<vmem>>, vector<10000x8xf32>,
    return
  }
}

module attributes {stable_mosaic.version = 14 : i64} {
  func.func @_tc_mid(%arg0: memref<2x10000x136xf32, #tpu.memory_space<vmem>>, %arg1: memref<128x64xf32, #tpu.memory_space<vmem>>, %arg2: memref<64x1xf32, #tpu.memory_space<vmem>>, %arg3: memref<64x1xf32, #tpu.memory_space<vmem>>, %arg4: memref<128x64xf32, #tpu.memory_space<vmem>>, %arg5: memref<8x128xf32, #tpu.memory_space<vmem>>, %arg6: memref<10000x80xf32, #tpu.memory_space<vmem>>, %arg7: memref<10000x16xf32, #tpu.memory_space<vmem>>, %arg8: memref<10000x64xf32, #tpu.memory_space<vmem>>) attributes {dimension_semantics = [], scalar_prefetch = 0 : i64, scratch_operands = 0 : i64, tpu.core_type = #tpu.core_type<tc>} {
    %get3A = arith.constant 0 : index
    %get3A_0 = arith.constant 0 : index
    %get3A_1 = arith.constant 0 : index
    %get3A_2 = vector.load %arg0[%get3A, %get3A_0, %get3A_1] : memref<2x10000x136xf32, #tpu.memory_space<vmem>>, vector<1x10000x136xf32>
    %get3A_3 = vector.shape_cast %get3A_2 : vector<1x10000x136xf32> to vector<10000x136xf32>
    %get3A_4 = arith.constant 1 : index
    %get3A_5 = arith.constant 0 : index
    %get3A_6 = arith.constant 0 : index
    %get3A_7 = vector.load %arg0[%get3A_4, %get3A_5, %get3A_6] : memref<2x10000x136xf32, #tpu.memory_space<vmem>>, vector<1x10000x136xf32>
    %get3A_8 = vector.shape_cast %get3A_7 : vector<1x10000x136xf32> to vector<10000x136xf32>
    %add3A = arith.addf %get3A_3, %get3A_8 : vector<10000x136xf32>
    %slice3A = vector.extract_strided_slice %add3A {offsets = [0, 0], sizes = [10000, 128], strides = [1, 1]} : vector<10000x136xf32> to vector<10000x128xf32>
    %slice3A_9 = vector.extract_strided_slice %add3A {offsets = [0, 128], sizes = [10000, 8], strides = [1, 1]} : vector<10000x136xf32> to vector<10000x8xf32>
    %get3A_10 = arith.constant 0 : index
    %get3A_11 = arith.constant 0 : index
    %get3A_12 = vector.load %arg5[%get3A_10, %get3A_11] : memref<8x128xf32, #tpu.memory_space<vmem>>, vector<8x128xf32>
    %dot_general3A = arith.constant dense<0.000000e+00> : vector<10000x128xf32>
    %dot_general3A_13 = tpu.matmul %slice3A_9, %get3A_12, %dot_general3A {dimension_numbers = #tpu.dot_dimension_numbers<[1], [0], [0], [1], [0, 0, 1, 1], [], []>, transpose_lhs_hint = false} : vector<10000x8xf32>, vector<8x128xf32>, vector<10000x128xf32> -> vector<10000x128xf32>
    %add3A_14 = arith.constant 9.99999971E-10 : f32
    %add3A_15 = vector.broadcast %add3A_14 : f32 to vector<10000x128xf32>
    %add3A_16 = arith.addf %dot_general3A_13, %add3A_15 : vector<10000x128xf32>
    %div3A = arith.divf %slice3A, %add3A_16 : vector<10000x128xf32>
    %gt3A = arith.constant 0.000000e+00 : f32
    %gt3A_17 = vector.broadcast %gt3A : f32 to vector<10000x128xf32>
    %gt3A_18 = arith.cmpf ogt, %div3A, %gt3A_17 : vector<10000x128xf32>
    %exp3A = math.exp %div3A : vector<10000x128xf32>
    %sub3A = arith.constant 1.000000e+00 : f32
    %sub3A_19 = vector.broadcast %sub3A : f32 to vector<10000x128xf32>
    %sub3A_20 = arith.subf %exp3A, %sub3A_19 : vector<10000x128xf32>
    %select_n3A = arith.select %gt3A_18, %div3A, %sub3A_20 : vector<10000x128xi1>, vector<10000x128xf32>
    %get3A_21 = arith.constant 0 : index
    %get3A_22 = arith.constant 0 : index
    %get3A_23 = vector.load %arg1[%get3A_21, %get3A_22] : memref<128x64xf32, #tpu.memory_space<vmem>>, vector<128x64xf32>
    %dot_general3A_24 = arith.constant dense<0.000000e+00> : vector<10000x64xf32>
    %dot_general3A_25 = tpu.matmul %select_n3A, %get3A_23, %dot_general3A_24 {dimension_numbers = #tpu.dot_dimension_numbers<[1], [0], [0], [1], [0, 0, 1, 1], [], []>, transpose_lhs_hint = false} : vector<10000x128xf32>, vector<128x64xf32>, vector<10000x64xf32> -> vector<10000x64xf32>
    %get3A_26 = arith.constant 0 : index
    %get3A_27 = arith.constant 0 : index
    %get3A_28 = vector.load %arg2[%get3A_26, %get3A_27] : memref<64x1xf32, #tpu.memory_space<vmem>>, vector<64x1xf32>
    %dot_general3A_29 = arith.constant dense<0.000000e+00> : vector<10000x1xf32>
    %dot_general3A_30 = tpu.matmul %dot_general3A_25, %get3A_28, %dot_general3A_29 {dimension_numbers = #tpu.dot_dimension_numbers<[1], [0], [0], [1], [0, 0, 1, 1], [], []>, transpose_lhs_hint = false} : vector<10000x64xf32>, vector<64x1xf32>, vector<10000x1xf32> -> vector<10000x1xf32>
    %get3A_31 = arith.constant 0 : index
    %get3A_32 = arith.constant 0 : index
    %get3A_33 = vector.load %arg3[%get3A_31, %get3A_32] : memref<64x1xf32, #tpu.memory_space<vmem>>, vector<64x1xf32>
    %dot_general3A_34 = arith.constant dense<0.000000e+00> : vector<10000x1xf32>
    %dot_general3A_35 = tpu.matmul %dot_general3A_25, %get3A_33, %dot_general3A_34 {dimension_numbers = #tpu.dot_dimension_numbers<[1], [0], [0], [1], [0, 0, 1, 1], [], []>, transpose_lhs_hint = false} : vector<10000x64xf32>, vector<64x1xf32>, vector<10000x1xf32> -> vector<10000x1xf32>
    %swap3A = arith.constant 0 : index
    %swap3A_36 = arith.constant 0 : index
    %swap3A_37 = vector.load %arg6[%swap3A, %swap3A_36] : memref<10000x80xf32, #tpu.memory_space<vmem>>, vector<10000x64xf32>
    tpu.vector_store %arg6[%swap3A, %swap3A_36], %dot_general3A_25 {strides = array<i32>} : memref<10000x80xf32, #tpu.memory_space<vmem>>, vector<10000x64xf32>,
    %swap3A_38 = arith.constant 0 : index
    %swap3A_39 = arith.constant 64 : index
    %swap3A_40 = vector.load %arg6[%swap3A_38, %swap3A_39] : memref<10000x80xf32, #tpu.memory_space<vmem>>, vector<10000x1xf32>
    tpu.vector_store %arg6[%swap3A_38, %swap3A_39], %dot_general3A_30 {strides = array<i32>} : memref<10000x80xf32, #tpu.memory_space<vmem>>, vector<10000x1xf32>,
    %broadcast_in_dim3A = arith.constant 0.000000e+00 : f32
    %broadcast_in_dim3A_41 = vector.broadcast %broadcast_in_dim3A : f32 to vector<10000x15xf32>
    %swap3A_42 = arith.constant 0 : index
    %swap3A_43 = arith.constant 65 : index
    %swap3A_44 = vector.load %arg6[%swap3A_42, %swap3A_43] : memref<10000x80xf32, #tpu.memory_space<vmem>>, vector<10000x15xf32>
    tpu.vector_store %arg6[%swap3A_42, %swap3A_43], %broadcast_in_dim3A_41 {strides = array<i32>} : memref<10000x80xf32, #tpu.memory_space<vmem>>, vector<10000x15xf32>,
    %swap3A_45 = arith.constant 0 : index
    %swap3A_46 = arith.constant 0 : index
    %swap3A_47 = vector.load %arg7[%swap3A_45, %swap3A_46] : memref<10000x16xf32, #tpu.memory_space<vmem>>, vector<10000x1xf32>
    tpu.vector_store %arg7[%swap3A_45, %swap3A_46], %dot_general3A_35 {strides = array<i32>} : memref<10000x16xf32, #tpu.memory_space<vmem>>, vector<10000x1xf32>,
    %broadcast_in_dim3A_48 = arith.constant 0.000000e+00 : f32
    %broadcast_in_dim3A_49 = vector.broadcast %broadcast_in_dim3A_48 : f32 to vector<10000x15xf32>
    %swap3A_50 = arith.constant 0 : index
    %swap3A_51 = arith.constant 1 : index
    %swap3A_52 = vector.load %arg7[%swap3A_50, %swap3A_51] : memref<10000x16xf32, #tpu.memory_space<vmem>>, vector<10000x15xf32>
    tpu.vector_store %arg7[%swap3A_50, %swap3A_51], %broadcast_in_dim3A_49 {strides = array<i32>} : memref<10000x16xf32, #tpu.memory_space<vmem>>, vector<10000x15xf32>,
    %get3A_53 = arith.constant 0 : index
    %get3A_54 = arith.constant 0 : index
    %get3A_55 = vector.load %arg4[%get3A_53, %get3A_54] : memref<128x64xf32, #tpu.memory_space<vmem>>, vector<128x64xf32>
    %dot_general3A_56 = arith.constant dense<0.000000e+00> : vector<10000x64xf32>
    %dot_general3A_57 = tpu.matmul %select_n3A, %get3A_55, %dot_general3A_56 {dimension_numbers = #tpu.dot_dimension_numbers<[1], [0], [0], [1], [0, 0, 1, 1], [], []>, transpose_lhs_hint = false} : vector<10000x128xf32>, vector<128x64xf32>, vector<10000x64xf32> -> vector<10000x64xf32>
    %swap3A_58 = arith.constant 0 : index
    %swap3A_59 = arith.constant 0 : index
    %swap3A_60 = vector.load %arg8[%swap3A_58, %swap3A_59] : memref<10000x64xf32, #tpu.memory_space<vmem>>, vector<10000x64xf32>
    tpu.vector_store %arg8[%swap3A_58, %swap3A_59], %dot_general3A_57 {strides = array<i32>} : memref<10000x64xf32, #tpu.memory_space<vmem>>, vector<10000x64xf32>,
    return
  }
}

module attributes {stable_mosaic.version = 14 : i64} {
  func.func @_tc_final(%arg0: memref<2x10000x80xf32, #tpu.memory_space<vmem>>, %arg1: memref<10000x64xf32, #tpu.memory_space<vmem>>, %arg2: memref<10000x64xf32, #tpu.memory_space<vmem>>) attributes {dimension_semantics = [], scalar_prefetch = 0 : i64, scratch_operands = 0 : i64, tpu.core_type = #tpu.core_type<tc>} {
    %get3A = arith.constant 0 : index
    %get3A_0 = arith.constant 0 : index
    %get3A_1 = arith.constant 0 : index
    %get3A_2 = vector.load %arg0[%get3A, %get3A_0, %get3A_1] : memref<2x10000x80xf32, #tpu.memory_space<vmem>>, vector<1x10000x80xf32>
    %get3A_3 = vector.shape_cast %get3A_2 : vector<1x10000x80xf32> to vector<10000x80xf32>
    %get3A_4 = arith.constant 1 : index
    %get3A_5 = arith.constant 0 : index
    %get3A_6 = arith.constant 0 : index
    %get3A_7 = vector.load %arg0[%get3A_4, %get3A_5, %get3A_6] : memref<2x10000x80xf32, #tpu.memory_space<vmem>>, vector<1x10000x80xf32>
    %get3A_8 = vector.shape_cast %get3A_7 : vector<1x10000x80xf32> to vector<10000x80xf32>
    %add3A = arith.addf %get3A_3, %get3A_8 : vector<10000x80xf32>
    %slice3A = vector.extract_strided_slice %add3A {offsets = [0, 0], sizes = [10000, 64], strides = [1, 1]} : vector<10000x80xf32> to vector<10000x64xf32>
    %slice3A_9 = vector.extract_strided_slice %add3A {offsets = [0, 64], sizes = [10000, 1], strides = [1, 1]} : vector<10000x80xf32> to vector<10000x1xf32>
    %add3A_10 = arith.constant 9.99999971E-10 : f32
    %add3A_11 = vector.broadcast %add3A_10 : f32 to vector<10000x1xf32>
    %add3A_12 = arith.addf %slice3A_9, %add3A_11 : vector<10000x1xf32>
    %div3A = vector.broadcast %add3A_12 : vector<10000x1xf32> to vector<10000x64xf32>
    %div3A_13 = arith.divf %slice3A, %div3A : vector<10000x64xf32>
    %get3A_14 = arith.constant 0 : index
    %get3A_15 = arith.constant 0 : index
    %get3A_16 = vector.load %arg1[%get3A_14, %get3A_15] : memref<10000x64xf32, #tpu.memory_space<vmem>>, vector<10000x64xf32>
    %add3A_17 = arith.addf %div3A_13, %get3A_16 : vector<10000x64xf32>
    %swap3A = arith.constant 0 : index
    %swap3A_18 = arith.constant 0 : index
    %swap3A_19 = vector.load %arg2[%swap3A, %swap3A_18] : memref<10000x64xf32, #tpu.memory_space<vmem>>, vector<10000x64xf32>
    tpu.vector_store %arg2[%swap3A, %swap3A_18], %add3A_17 {strides = array<i32>} : memref<10000x64xf32, #tpu.memory_space<vmem>>, vector<10000x64xf32>,
    return
  }
}

</mosaic_0001>

<sc_bundles>
// kernel: kernel.10.cloned.1.call-start
scs
__scs_entry_jumppad:
0x0: {  	(pc) =	sbr.rel $0x88, $3  }
0x1: {  	(tag) =	ssettag $0x0;
	lr =	simm.s32 $0x1  }
0x2: {  	[smem:$0x3F98] =	sst lr;
	_ =	strace $0xD0000000  }
0x3: {  	_ = 	snop  }
0x4: {  	_ = 	snop  }
0x5: {  	_ = 	snop  }
0x6: {  	_ = 	snop  }
0x7: {  	_ = 	snop  }
__scs_overlays_trampoline_lowered:
0x8: {  	[smem:$0x3FA7] =	sst s0  }
0x9: {  	[smem:$0x3FA8] =	sst s1  }
0xa: {  	[smem:$0x3FA9] =	sst s2  }
0xb: {  	[smem:$0x3FAA] =	sst s3  }
0xc: {  	[smem:$0x3FAB] =	sst s4  }
0xd: {  	[smem:$0x3FAC] =	sst s5  }
0xe: {  	[smem:$0x3FAD] =	sst s6  }
0xf: {  	[smem:$0x3FAE] =	sst s7  }
0x10: {  	[smem:$0x3FAF] =	sst s8  }
0x11: {  	[smem:$0x3FB0] =	sst s9;
	s0 =	simm.s32 @!p0 $0x0  }
0x12: {  	s1 =	sld [smem:$0x3F96];
	s0 =	simm.s32 @p0 $0x1  }
0x13: {  	[smem:$0x3FB1] =	sst s0;
	s0 =	simm.s32 @!p1 $0x0  }
0x14: {  	s2 =	sld [smem:$0x3F95];
	s0 =	simm.s32 @p1 $0x1  }
0x15: {  	[smem:$0x3FB2] =	sst s0;
	s0 =	simm.s32 @!p2 $0x0  }
0x16: {  	s3 =	sld [smem:$0x3FDB];
	s0 =	simm.s32 @p2 $0x1  }
0x17: {  	s4 =	simm.s32 $0x1BF5;
	[smem:$0x3FB4] =	sst s0  }
0x18: {  	s0 =	sld [smem:$0x3F97];
	_ =	swait.ge [sflag:s4], $0x0  }
0x19: {  	s7 =	sld [smem:$0x3F98]  }
0x1a: {  	s8 =	sadd.s32 $0xFFFFE003, lr  }
0x1b: {  	s9 =	sadd.s32 $0xFFFFFEF7, lr;
	s5 =	simm.s32 $0xFFFFFFFF;
	p2 =	slt.u32 s8, $0xFFFFF086  }
0x1c: {  	p1 =	slt.u32 s9, $0xF7A;
	s5 =	simm.s32 @!p2 $0x0  }
0x1d: {  	s5 =	simm.s32 @p1 $0x1;
	p0 =	seq.s32 s7, s2  }
0x1e: {  	s7 =	smul.u32 @!p0 $0xF7A, s2;
	p2 =	seq.s32 @!p0 s5, $0x0  }
0x1f: {  	s9 =	smul.u32 $0xF7A, s1;
	s8 =	simm.s32 @!p0 $0x1BF5;
	p2 =	por !p2, p0  }
0x20: {  	[sflag:s8] =	ssyncset.s32 @!p0 $0xFFFFF086;
	s6 =	sadd.s32 @!p0 s3, s7;
	s7 =	simm.s32 @!p0 $0x108  }
0x21: {  	s3 =	sadd.s32 s3, s9;
	s6 =	sadd.s32 @!p0 $0x88, s6;
	s7 =	simm.s32 @p2 $0x1082  }
0x22: {  	[simem:s7], [sflag:s8] =	dma.local @!p0 [hbm:s6], $0xF7A  }
0x23: {  	s9 =	sor.u32 $0xD0000000, s2;
	s6 =	simm.s32 $0x108;
	_ =	swait.ge @!p0 [sflag:s8], $0x0  }
0x24: {  	s3 =	sadd.s32 $0x88, s3;
	s6 =	simm.s32 @!p1 $0x1082;
	[sflag:s4] =	ssyncset.s32 $0xFFFFF086  }
0x25: {  	[simem:s6], [sflag:s4] =	dma.local [hbm:s3], $0xF7A  }
0x26: {  	[smem:$0x3F98] =	sst s1;
	(tag) =	ssettag s2;
	_ =	strace s9  }
0x27: {  	s1 =	sld [smem:$0x3FA8]  }
0x28: {  	s2 =	sld [smem:$0x3FA9]  }
0x29: {  	s4 =	sld [smem:$0x3FAB]  }
0x2a: {  	p0 =	seq.s32 s5, $0x0;
	s5 =	sld [smem:$0x3FAC]  }
0x2b: {  	s6 =	sld [smem:$0x3FAD]  }
0x2c: {  	s7 =	sld [smem:$0x3FAE]  }
0x2d: {  	s3 =	simm.s32 $0x108;
	s8 =	sld [smem:$0x3FAF]  }
0x2e: {  	s3 =	simm.s32 @!p0 $0x1082;
	s9 =	sld [smem:$0x3FB0]  }
0x2f: {  	lr =	sadd.s32 s0, s3;
	s0 =	sld [smem:$0x3FA7]  }
0x30: {  	s3 =	sld [smem:$0x3FAA]  }
0x31: {  	[smem:$0x3FB3] =	sst s10  }
0x32: {  	s10 =	sld [smem:$0x3FB1];
	_ =	sdelay $0x3  }
0x33: {  	p0 =	seq.s32 s10, $0x1;
	s10 =	sld [smem:$0x3FB3];
	_ =	sdelay $0x3  }
0x34: {  	[smem:$0x3FB3] =	sst s10  }
0x35: {  	s10 =	sld [smem:$0x3FB2];
	_ =	sdelay $0x3  }
0x36: {  	p1 =	seq.s32 s10, $0x1;
	s10 =	sld [smem:$0x3FB3];
	_ =	sdelay $0x3  }
0x37: {  	[smem:$0x3FB3] =	sst s10  }
0x38: {  	s10 =	sld [smem:$0x3FB4]  }
0x39: {  	_ = 	snop;
	(pc) =	sbr.ind lr, $3  }
0x3a: {  	_ = 	snop  }
0x3b: {  	_ = 	snop  }
0x3c: {  	p2 =	seq.s32 s10, $0x1;
	s10 =	sld [smem:$0x3FB3]  }
0x3d: {  	_ =	shalt  }
0x3e: {  	_ =	shalt  }
0x3f: {  	_ =	shalt  }
0x40: {  	_ =	shalt  }
0x41: {  	_ =	shalt  }
0x42: {  	_ =	shalt  }
0x43: {  	_ =	shalt  }
0x44: {  	_ =	shalt  }
0x45: {  	_ =	shalt  }
0x46: {  	_ =	shalt  }
0x47: {  	_ =	shalt  }
0x48: {  	_ =	shalt  }
0x49: {  	_ =	shalt  }
0x4a: {  	_ =	shalt  }
0x4b: {  	_ =	shalt  }
0x4c: {  	_ =	shalt  }
0x4d: {  	_ =	shalt  }
0x4e: {  	_ =	shalt  }
0x4f: {  	_ =	shalt  }
0x50: {  	_ =	shalt  }
0x51: {  	_ =	shalt  }
0x52: {  	_ =	shalt  }
0x53: {  	_ =	shalt  }
0x54: {  	_ =	shalt  }
0x55: {  	_ =	shalt  }
0x56: {  	_ =	shalt  }
0x57: {  	_ =	shalt  }
0x58: {  	_ =	shalt  }
0x59: {  	_ =	shalt  }
0x5a: {  	_ =	shalt  }
0x5b: {  	_ =	shalt  }
0x5c: {  	_ =	shalt  }
0x5d: {  	_ =	shalt  }
0x5e: {  	_ =	shalt  }
0x5f: {  	_ =	shalt  }
0x60: {  	_ =	shalt  }
0x61: {  	_ =	shalt  }
0x62: {  	_ =	shalt  }
0x63: {  	_ =	shalt  }
0x64: {  	_ =	shalt  }
0x65: {  	_ =	shalt  }
0x66: {  	_ =	shalt  }
0x67: {  	_ =	shalt  }
0x68: {  	_ =	shalt  }
0x69: {  	_ =	shalt  }
0x6a: {  	_ =	shalt  }
0x6b: {  	_ =	shalt  }
0x6c: {  	_ =	shalt  }
0x6d: {  	_ =	shalt  }
0x6e: {  	_ =	shalt  }
0x6f: {  	_ =	shalt  }
0x70: {  	_ =	shalt  }
0x71: {  	_ =	shalt  }
0x72: {  	_ =	shalt  }
0x73: {  	_ =	shalt  }
0x74: {  	_ =	shalt  }
0x75: {  	_ =	shalt  }
0x76: {  	_ =	shalt  }
0x77: {  	_ =	shalt  }
0x78: {  	_ =	shalt  }
0x79: {  	_ =	shalt  }
0x7a: {  	_ =	shalt  }
0x7b: {  	_ =	shalt  }
0x7c: {  	_ =	shalt  }
0x7d: {  	_ =	shalt  }
0x7e: {  	_ =	shalt  }
0x7f: {  	_ =	shalt  }
0x80: {  	_ =	shalt  }
0x81: {  	_ =	shalt  }
0x82: {  	_ =	shalt  }
0x83: {  	_ =	shalt  }
0x84: {  	_ =	shalt  }
0x85: {  	_ =	shalt  }
0x86: {  	_ =	shalt  }
0x87: {  	_ =	shalt  }
.Lfunc_end0:
.L_simem_size_0:
called_computation.1_lowered:
.L_overlay_start_0:
0x88: {  	s2 =	sld [smem:$0x3FD9]  }
0x89: {  	s3 =	sld [smem:$0x3FFE];
	_ =	sdelay $0x1  }
0x8a: {  	s1 =	srdreg.scid  }
0x8b: {  	s0 =	sand.u32 $0x1, s1  }
0x8c: {  	s17 =	sshll.u32 s0, $0xA;
	s2 =	sadd.s32 s3, s2  }
0x8d: {  	s2 =	sadd.s32 s2, s17  }
0x8e: {  	[smem:$0x3FBF] =	sst s2  }
0x8f: {  	_ = 	snop  }
0x90: {  	s2 =	sld [smem:$0x3FD0];
	(tm) =	ssettm $0x1  }
0x91: {  	s18 =	sld [smem:$0x3FFB];
	_ =	sdelay $0x3  }
0x92: {  	_ =	strace s18  }
0x93: {  	s3 =	sld [smem:$0x3FFC];
	_ =	sdelay $0x3  }
0x94: {  	_ =	strace s3  }
0x95: {  	s3 =	sld [smem:$0x3FFD];
	_ =	sdelay $0x3  }
0x96: {  	_ =	strace s3  }
0x97: {  	_ =	strace $0x8FFFFFFF  }
0x98: {  	s19 =	sld [smem:$0x3FDB];
	_ =	sdelay $0x1  }
0x99: {  	s4 =	simm.s32 $_scs_section_size  }
0x9a: {  	s5 =	simm.s32 $_size__tile_overlayer_lowered;
	s6 =	simm.s32 $_tile_overlayer_lowered  }
0x9b: {  	s22 =	simm.s32 $0x1BFF;
	s21 =	sshll.u32 s6, $0x1;
	s3 =	sadd.s32 s4, s19  }
0x9c: {  	s7 =	simm.s32 $0x0;
	s20 =	sshll.u32 s5, $0x1;
	s5 =	sadd.s32 s21, s3  }
0x9d: {  	[timem:s7], [sflag:s22] =	dma.local [hbm:s5], s20  }
0x9e: {  	_ =	swait.ge [sflag:s22], s20  }
0x9f: {  	s4 =	ssub.s32 $0x0, s20;
	[sflag:s22] =	ssyncset.done $0x0  }
0xa0: {  	[sflag:s22] =	ssyncadd.s32 s4;
	_ =	sdelay $0x1  }
0xa1: {  	s23 =	simm.s32 $0x1B8B  }
0xa2: {  	_ =	swait.ge [sflag:s23], $0x1  }
0xa3: {  	[sflag:s23] =	ssyncset.done $0x0  }
0xa4: {  	s25 =	simm.s32 $0x1B8E;
	s24 =	sld [smem:$0x3FFE];
	[sflag:s23] =	ssyncadd.s32 $0xFFFFFFFF  }
0xa5: {  	s26 =	simm.s32 $execute0_lowered;
	[smem:$0x3FD2] =	sst s25  }
0xa6: {  	s5 =	sshll.u32 s26, $0x1;
	_ =	strace $0x80000049;
	[dreg:$0x1] =	wrdreg $0xFFFFFFFF  }
0xa7: {  	s28 =	simm.s32 $_size_execute0_lowered;
	s3 =	sadd.s32 s3, s5;
	[dreg:$0x0] =	wrdreg $0x0  }
0xa8: {  	s5 =	sshll.u32 s28, $0x1;
	[dreg:$0x2] =	wrdreg s3  }
0xa9: {  	[dreg:$0x3] =	wrdreg s5  }
0xaa: {  	[dreg:$0x4] =	wrdreg $0xC0  }
0xab: {  	_ =	task [dreg:s7], $0x5FFFF  }
0xac: {  	[dreg:$0x1] =	wrdreg $0xFFFFFFFF  }
0xad: {  	[dreg:$0x0] =	wrdreg $0x60  }
0xae: {  	[dreg:$0x2] =	wrdreg s24  }
0xaf: {  	[dreg:$0x3] =	wrdreg s2  }
0xb0: {  	[dreg:$0x4] =	wrdreg $0x0  }
0xb1: {  	[dreg:$0x5] =	wrdreg $0x9  }
0xb2: {  	_ =	task.clear_ibuf [dreg:s7], $0x6FFFF;
	_ =	strace $0x90000049  }
0xb3: {  	s29 =	simm.s32 $0x9;
	_ =	strace $0x8000004B  }
0xb4: {  	_ =	swait.ge [sflag:s29], $0x1  }
0xb5: {  	[sflag:s29] =	ssyncadd.s32 $0xFFFFFFFF  }
0xb6: {  	_ =	strace $0x9000004B  }
0xb7: {  	_ =	sfence  }
0xb8: {  	s30 =	sld [smem:$0x0];
	_ =	sdelay $0x2  }
0xb9: {  	s31 =	sshll.u32 s1, $0xD;
	s1 =	sshrl.u32 s1, $0x2  }
0xba: {  	s3 =	sand.u32 $0x4000, s31;
	s1 =	sadd.s32 s1, s30  }
0xbb: {  	s0 =	sor.u32 s3, s0;
	s1 =	sshll.u32 s1, $0x11  }
0xbc: {  	s0 =	sor.u32 s1, s0  }
0xbd: {  	s0 =	sadd.s32 $0x8F2B, s0  }
0xbe: {  	[sflag:s0] =	ssyncadd.remote.s32 $0x1  }
0xbf: {  	_ =	sfence.sel $0xFFFF  }
0xc0: {  	[dreg:$0x0] =	wrdreg $0xFFFFFFFF;
	(pc) =	sbr.abs _section_cstart, $3  }
0xc1: {  	[dreg:$0x1] =	wrdreg $0xFFFFFFFF  }
0xc2: {  	_ =	task.clear_ibuf [dreg:s7], $0x2FFFF;
	_ =	strace $0x9FFFFFFF  }
0xc3: {  	(tm) =	ssettm $0x7FFFFFFF  }
tec
execute0_lowered:
.L_overlay_start_1:
0x0: {  	(tag) =	ssettag $0x1  }
0x1: {  	s0 =	srdreg.scid;
	s5 =	rddreg [dreg:$0x0]  }
0x2: {  	s1 =	simm.s32 $0x0;
	s24 =	stileid.u32;
	s0 =	sand.u32 $0x1, s0  }
0x3: {  	[smem:$0x7FF] =	sst s1;
	s15 =	sor.u32 $0x40, s24;
	s9 =	smul.u32 $0xC3500, s0  }
0x4: {  	s2 =	sshll.u32 s0, $0x4;
	s3 =	ssub.s32 $0x2, s0;
	s0 =	smul.u32 $0x1900, s24  }
0x5: {  	s7 =	sadd.s32 $0x28600, s5;
	s20 =	smul.u32 $0x1900, s15;
	s2 =	sor.u32 s24, s2  }
0x6: {  	s10 =	sor.u32 $0x10, s24;
	s11 =	sor.u32 $0x20, s24;
	s6 =	smul.u32 $0x4E2, s2  }
0x7: {  	s12 =	sor.u32 $0x30, s24;
	s21 =	sshrl.u32 s3, $0x1;
	s2 =	smul.u32 $0x1900, s10  }
0x8: {  	s16 =	sor.u32 $0x50, s24;
	s8 =	ssub.s32 s3, s21;
	s3 =	smul.u32 $0x1900, s11  }
0x9: {  	s17 =	sor.u32 $0x60, s24;
	s4 =	sadd.s32 s9, s0;
	s21 =	smul.u32 $0x1900, s16  }
0xa: {  	s18 =	sor.u32 $0x70, s24;
	s13 =	sshrl.u32 s4, $0x3;
	s4 =	smul.u32 $0x1900, s12  }
0xb: {  	s14 =	sadd.s32 s9, s2;
	s13 =	sadd.s32 s7, s13;
	s23 =	sadd.s32 s9, s3  }
0xc: {  	[dreg:$0x4] =	wrdreg s13;
	s22 =	sshrl.u32 s14, $0x3;
	s19 =	sadd.s32 s9, s4  }
0xd: {  	s14 =	sshrl.u32 s23, $0x3;
	s19 =	sshrl.u32 s19, $0x3;
	s13 =	sadd.s32 s7, s22  }
0xe: {  	s25 =	sadd.s32 s7, s14;
	s14 =	sadd.s32 s9, s20;
	[dreg:$0x5] =	wrdreg s13  }
0xf: {  	s22 =	sadd.s32 s9, s21;
	[dreg:$0x6] =	wrdreg s25;
	s26 =	sadd.s32 s7, s19  }
0x10: {  	s19 =	smul.u32 $0x1900, s17;
	s13 =	sshrl.u32 s14, $0x3;
	s25 =	rddreg [dreg:$0x1]  }
0x11: {  	s14 =	sshrl.u32 s22, $0x3;
	[dreg:$0x7] =	wrdreg s26;
	s13 =	sadd.s32 s7, s13  }
0x12: {  	s22 =	smul.u32 $0x1900, s18;
	s23 =	sadd.s32 s7, s14;
	[dreg:$0x8] =	wrdreg s13  }
0x13: {  	p0 =	sgt.u32 s18, $0x7C;
	[dreg:$0x9] =	wrdreg s23;
	s26 =	sadd.s32 s9, s19  }
0x14: {  	s23 =	sadd.s32 s9, s22;
	s14 =	sshrl.u32 s26, $0x3;
	s26 =	smul.u32 $0x6400, s24  }
0x15: {  	s9 =	rddreg [dreg:$0x2];
	s13 =	sadd.s32 $0xAE00, s5;
	s24 =	smul.u32 $0x6400, s12  }
0x16: {  	s23 =	sshrl.u32 s23, $0x3;
	s12 =	smul.u32 $0x6400, s17;
	s0 =	sadd.s32 s0, s9  }
0x17: {  	s2 =	sadd.s32 s2, s9;
	s3 =	sadd.s32 s3, s9;
	s4 =	sadd.s32 s4, s9  }
0x18: {  	s14 =	sadd.s32 s7, s14;
	s7 =	sadd.s32 s7, s23;
	s23 =	sadd.s32 s25, s6  }
0x19: {  	s6 =	sadd.s32 s6, s5;
	s25 =	smul.u32 $0x6400, s10;
	s10 =	smax.u32 s8, $0x1  }
0x1a: {  	s0 =	sshrl.u32 s0, $0x3;
	s28 =	sshrl.u32 s3, $0x3;
	s29 =	sshrl.u32 s4, $0x3  }
0x1b: {  	s3 =	simm.s32 $0x5;
	s4 =	simm.s32 $0xC350;
	[dreg:$0xa] =	wrdreg s14  }
0x1c: {  	[dreg:$0xb] =	wrdreg s7;
	s14 =	sadd.s32 $0x23600, s5;
	s6 =	sadd.s32 $0x1000, s6  }
0x1d: {  	s5 =	sshrl.u32 s26, $0x2;
	_ =	strace $0x8000004A;
	[dreg:$0xc] =	wrdreg s23  }
0x1e: {  	s26 =	smul.u32 $0x6400, s15;
	s8 =	sshrl.u32 s24, $0x2;
	[dreg:$0xd] =	wrdreg s6  }
0x1f: {  	s15 =	smul.u32 $0x6400, s18;
	s24 =	sadd.s32 s21, s9;
	[dreg:$0xe] =	wrdreg s10  }
0x20: {  	s23 =	smul.u32 $0x6400, s11;
	s7 =	sshrl.u32 s25, $0x2;
	s5 =	sadd.s32 s5, s9  }
0x21: {  	s10 =	smul.u32 $0x6400, s16;
	s11 =	sadd.s32 s8, s9;
	[dreg:$0x17] =	wrdreg s0  }
0x22: {  	s31 =	sshrl.u32 s24, $0x3;
	[dreg:$0xf] =	wrdreg s5;
	s25 =	sadd.s32 s7, s9  }
0x23: {  	[dreg:$0x12] =	wrdreg s11;
	s5 =	sshrl.u32 s26, $0x2;
	s18 =	sshrl.u32 s15, $0x2  }
0x24: {  	s26 =	sshrl.u32 s2, $0x3;
	s2 =	simm.s32 $0x11170;
	s7 =	simm.s32 $0x14370  }
0x25: {  	s11 =	simm.s32 $0x2;
	s15 =	simm.s32 $0x3;
	[dreg:$0x10] =	wrdreg s25  }
0x26: {  	s6 =	sshrl.u32 s23, $0x2;
	s5 =	sadd.s32 s5, s9;
	s16 =	sshrl.u32 s10, $0x2  }
0x27: {  	s23 =	sadd.s32 s20, s9;
	s25 =	sadd.s32 s19, s9;
	s10 =	sadd.s32 s22, s9  }
0x28: {  	s6 =	sadd.s32 s6, s9;
	[dreg:$0x13] =	wrdreg s5;
	s5 =	sadd.s32 s16, s9  }
0x29: {  	s30 =	sshrl.u32 s23, $0x3;
	s8 =	sshrl.u32 s25, $0x3;
	s0 =	sshrl.u32 @!p0 s10, $0x3  }
.Ltmp0:
0x2a: {  	s10 =	simm.s32 $0x1;
	[dreg:$0x11] =	wrdreg s6;
	(pc) =	sbr.rel .LBB2_1-.Ltmp0, $4  }
0x2b: {  	s16 =	simm.s32 $0x4;
	s6 =	sshrl.u32 s12, $0x2;
	[dreg:$0x14] =	wrdreg s5  }
0x2c: {  	s5 =	sadd.s32 s18, s9;
	s12 =	simm.s32 $0x6;
	s18 =	simm.s32 $0x14870  }
0x2d: {  	s17 =	sadd.s32 s6, s9;
	[dreg:$0x16] =	wrdreg s5;
	s5 =	simm.s32 $0xEA60  }
0x2e: {  	v0 =	vimm.f32 $0.0e+00;
	v1 =	vlaneseq.u32;
	v2 =	vimm.s32 $0x0;
	s6 =	simm.s32 $0x50;
	[dreg:$0x15] =	wrdreg s17;
	s17 =	simm.s32 $0x12A70  }
.LBB2_15:
0x2f: {  	s19 =	stileid.u32;
	[bflag:$0x0] =	sbarrier.arrive $0xFFFF  }
0x30: {  	s19 =	sshll.u32 s19, $0x6;
	s20 =	rddreg [dreg:$0x4]  }
0x31: {  	s21 =	rddreg [dreg:$0x17];
	s19 =	sor.u32 $0x1C05, s19  }
0x32: {  	[hbm:s20], [sflag:s19] =	dma.local [spmem:s21], $0x320  }
0x33: {  	_ =	swait.ge [sflag:s3], $0x320  }
0x34: {  	[sflag:s3] =	ssyncset.done $0x0  }
0x35: {  	s24 =	rddreg [dreg:$0x5];
	[sflag:s3] =	ssyncadd.s32 $0xFFFFFCE0  }
0x36: {  	[hbm:s24], [sflag:s19] =	dma.local [spmem:s26], $0x320  }
0x37: {  	_ =	swait.ge [sflag:s3], $0x320  }
0x38: {  	[sflag:s3] =	ssyncset.done $0x0  }
0x39: {  	s25 =	rddreg [dreg:$0x6];
	[sflag:s3] =	ssyncadd.s32 $0xFFFFFCE0  }
0x3a: {  	[hbm:s25], [sflag:s19] =	dma.local [spmem:s28], $0x320  }
0x3b: {  	_ =	swait.ge [sflag:s3], $0x320  }
0x3c: {  	[sflag:s3] =	ssyncset.done $0x0  }
0x3d: {  	s21 =	rddreg [dreg:$0x7];
	[sflag:s3] =	ssyncadd.s32 $0xFFFFFCE0  }
0x3e: {  	[hbm:s21], [sflag:s19] =	dma.local [spmem:s29], $0x320  }
0x3f: {  	_ =	swait.ge [sflag:s3], $0x320  }
0x40: {  	[sflag:s3] =	ssyncset.done $0x0  }
0x41: {  	s22 =	rddreg [dreg:$0x8];
	[sflag:s3] =	ssyncadd.s32 $0xFFFFFCE0  }
0x42: {  	[hbm:s22], [sflag:s19] =	dma.local [spmem:s30], $0x320  }
0x43: {  	_ =	swait.ge [sflag:s3], $0x320  }
0x44: {  	[sflag:s3] =	ssyncset.done $0x0  }
0x45: {  	s23 =	rddreg [dreg:$0x9];
	[sflag:s3] =	ssyncadd.s32 $0xFFFFFCE0  }
0x46: {  	[hbm:s23], [sflag:s19] =	dma.local [spmem:s31], $0x320  }
0x47: {  	_ =	swait.ge [sflag:s3], $0x320  }
0x48: {  	[sflag:s3] =	ssyncset.done $0x0  }
0x49: {  	s24 =	rddreg [dreg:$0xa];
	[sflag:s3] =	ssyncadd.s32 $0xFFFFFCE0  }
0x4a: {  	[hbm:s24], [sflag:s19] =	dma.local [spmem:s8], $0x320  }
0x4b: {  	_ =	swait.ge [sflag:s3], $0x320  }
0x4c: {  	[sflag:s3] =	ssyncset.done $0x0  }
0x4d: {  	s20 =	rddreg [dreg:$0xb];
	[sflag:s3] =	ssyncadd.s32 $0xFFFFFCE0  }
0x4e: {  	[hbm:s20], [sflag:s19] =	dma.local @!p0 [spmem:s0], $0x320  }
0x4f: {  	s19 =	simm.s32 @!p0 $0x5  }
0x50: {  	_ =	swait.ge @!p0 [sflag:s19], $0x320  }
0x51: {  	s1 =	sadd.s32 $0x1, s1;
	s25 =	rddreg [dreg:$0xe]  }
0x52: {  	p1 =	sne.s32 s1, s25  }
.Ltmp1:
0x53: {  	_ = 	snop;
	(pc) =	sbr.rel @!p1 .LBB2_16-.Ltmp1, $3  }
0x54: {  	_ =	sdelay $0x1  }
0x55: {  	[sflag:s19] =	ssyncset.done @!p0 $0x0  }
0x56: {  	[sflag:s19] =	ssyncadd.s32 @!p0 $0xFFFFFCE0  }
.LBB2_1:
0x57: {  	s20 =	simm.s32 $0x140;
	s19 =	simm.s32 $0x0  }
.LBB2_2:
0x58: {  	p1 =	sne.s32 s20, $0x62C0;
	[tilespmem:s19+$0x111B0] =	vst v0;
	s21 =	smov.u32 s20;
	s20 =	sadd.s32 $0x140, s20  }
.Ltmp2:
0x59: {  	[tilespmem:s19+$0x111A0] =	vst v0;
	(pc) =	sbr.rel @p1 .LBB2_2-.Ltmp2, $4  }
0x5a: {  	[tilespmem:s19+$0x11190] =	vst v0  }
0x5b: {  	[tilespmem:s19+$0x11170] =	vst v0  }
0x5c: {  	[tilespmem:s19+$0x11180] =	vst v0  }
0x5d: {  	s19 =	sshra.s32 s21, $0x2  }
0x5e: {  	[tilespmem:s19+$0x111B0] =	vst v0  }
0x5f: {  	[tilespmem:s19+$0x111A0] =	vst v0  }
0x60: {  	[tilespmem:s19+$0x11190] =	vst v0  }
0x61: {  	[tilespmem:s19+$0x11170] =	vst v0  }
0x62: {  	[tilespmem:s19+$0x11180] =	vst v0  }
0x63: {  	s19 =	rddreg [dreg:$0xf]  }
0x64: {  	[spmem:s19] =	stream.linear.scatter [tilespmem:s2], [sflag:$0x5], $0x1900, $0x38;
	[tilespmem:$0x14D70] =	vst v63  }
0x65: {  	_ =	swait.ge [sflag:s3], $0x1900  }
0x66: {  	[sflag:s3] =	ssyncset.done $0x0  }
0x67: {  	s24 =	rddreg [dreg:$0x10];
	[sflag:s3] =	ssyncadd.s32 $0xFFFFE700  }
0x68: {  	[spmem:s24] =	stream.linear.scatter [tilespmem:s2], [sflag:$0x5], $0x1900, $0x38;
	[tilespmem:$0x14D70] =	vst v63  }
0x69: {  	_ =	swait.ge [sflag:s3], $0x1900  }
0x6a: {  	[sflag:s3] =	ssyncset.done $0x0  }
0x6b: {  	s25 =	rddreg [dreg:$0x11];
	[sflag:s3] =	ssyncadd.s32 $0xFFFFE700  }
0x6c: {  	[spmem:s25] =	stream.linear.scatter [tilespmem:s2], [sflag:$0x5], $0x1900, $0x38;
	[tilespmem:$0x14D70] =	vst v63  }
0x6d: {  	_ =	swait.ge [sflag:s3], $0x1900  }
0x6e: {  	[sflag:s3] =	ssyncset.done $0x0  }
0x6f: {  	s20 =	rddreg [dreg:$0x12];
	[sflag:s3] =	ssyncadd.s32 $0xFFFFE700  }
0x70: {  	[spmem:s20] =	stream.linear.scatter [tilespmem:s2], [sflag:$0x5], $0x1900, $0x38;
	[tilespmem:$0x14D70] =	vst v63  }
0x71: {  	_ =	swait.ge [sflag:s3], $0x1900  }
0x72: {  	[sflag:s3] =	ssyncset.done $0x0  }
0x73: {  	s21 =	rddreg [dreg:$0x13];
	[sflag:s3] =	ssyncadd.s32 $0xFFFFE700  }
0x74: {  	[spmem:s21] =	stream.linear.scatter [tilespmem:s2], [sflag:$0x5], $0x1900, $0x38;
	[tilespmem:$0x14D70] =	vst v63  }
0x75: {  	_ =	swait.ge [sflag:s3], $0x1900  }
0x76: {  	[sflag:s3] =	ssyncset.done $0x0  }
0x77: {  	s22 =	rddreg [dreg:$0x14];
	[sflag:s3] =	ssyncadd.s32 $0xFFFFE700  }
0x78: {  	[spmem:s22] =	stream.linear.scatter [tilespmem:s2], [sflag:$0x5], $0x1900, $0x38;
	[tilespmem:$0x14D70] =	vst v63  }
0x79: {  	_ =	swait.ge [sflag:s3], $0x1900  }
0x7a: {  	[sflag:s3] =	ssyncset.done $0x0  }
0x7b: {  	s23 =	rddreg [dreg:$0x15];
	[sflag:s3] =	ssyncadd.s32 $0xFFFFE700  }
0x7c: {  	[spmem:s23] =	stream.linear.scatter [tilespmem:s2], [sflag:$0x5], $0x1900, $0x38;
	[tilespmem:$0x14D70] =	vst v63  }
0x7d: {  	_ =	swait.ge [sflag:s3], $0x1900  }
0x7e: {  	[sflag:s3] =	ssyncset.done $0x0  }
0x7f: {  	s19 =	simm.s32 @!p0 $0x11170;
	s20 =	rddreg [dreg:$0x16];
	[sflag:s3] =	ssyncadd.s32 $0xFFFFE700  }
0x80: {  	[spmem:s20] =	stream.linear.scatter @!p0 [tilespmem:s19], [sflag:$0x5], $0x1900, $0x38;
	[tilespmem:$0x14D70] =	vst v63  }
0x81: {  	s19 =	simm.s32 @!p0 $0x5  }
0x82: {  	_ =	swait.ge @!p0 [sflag:s19], $0x1900  }
0x83: {  	[sflag:s19] =	ssyncset.done @!p0 $0x0  }
0x84: {  	[sflag:s19] =	ssyncadd.s32 @!p0 $0xFFFFE700  }
0x85: {  	[bflag:$0x0] =	sbarrier.arrive $0xFFFF  }
0x86: {  	s19 =	simm.s32 $0x0;
	s24 =	rddreg [dreg:$0xd]  }
0x87: {  	[tilespmem:s4], [sflag:$0x5] =	stream.linear.gather [hbm4b:s24+s19], $0x2710, $0x38;
	[tilespmem:$0x14D70] =	vst v63  }
0x88: {  	_ =	swait.ge [sflag:s3], $0x2710  }
0x89: {  	[sflag:s3] =	ssyncset.done $0x0  }
0x8a: {  	s25 =	rddreg [dreg:$0xc];
	[sflag:s3] =	ssyncadd.s32 $0xFFFFD8F0  }
0x8b: {  	[tilespmem:s5], [sflag:$0x5] =	stream.linear.gather [hbm4b:s25+s19], $0x2710, $0x38;
	[tilespmem:$0x14D70] =	vst v63  }
0x8c: {  	_ =	swait.ge [sflag:s3], $0x2710  }
.Ltmp3:
0x8d: {  	[sflag:s3] =	ssyncset.done $0x0;
	(pc) =	sbr.rel .LBB2_4-.Ltmp3, $4  }
0x8e: {  	[sflag:s3] =	ssyncadd.s32 $0xFFFFD8F0  }
0x8f: {  	[tilespmem:s2], [sflag:$0x1] =	stream.indirect.gather [hbm4b:s13+s6], $0x50, s4, s6, $0xb8;
	[tilespmem:$0x14D70] =	vst v63  }
0x90: {  	s20 =	simm.s32 $0x0  }
0x91: {  	[tilespmem:s7], [sflag:$0x2] =	stream.indirect.gather [hbm4b:s14+s6], $0x10, s5, s6, $0xb8;
	[tilespmem:$0x14D70] =	vst v63  }
.LBB2_14:
0x92: {  	s20 =	sadd.s32 $0x1, s20  }
0x93: {  	p1 =	sne.s32 s20, $0x3F  }
.Ltmp4:
0x94: {  	_ = 	snop;
	(pc) =	sbr.rel @!p1 .LBB2_15-.Ltmp4, $1  }
0x95: {  	_ =	sdelay $0x3  }
.LBB2_4:
0x96: {  	_ =	swait.ge [sflag:s10], $0x1900  }
0x97: {  	s21 =	sshllo.u32 s20, $0x1;
	[sflag:s10] =	ssyncset.done $0x0  }
0x98: {  	v3 =	vor.u32 s19, v1;
	p1 =	sgt.u32 s21, $0x7C;
	[sflag:s10] =	ssyncadd.s32 $0xFFFFE700  }
0x99: {  	v4 =	vmul.u32 $0x50, v3;
	s22 =	smul.u32 @!p1 $0x50, s21;
	_ =	swait.ge [sflag:s11], $0x500  }
0x9a: {  	v5 =	vshll.u32 v3, $0x4;
	s24 =	simm.s32 @!p1 $0x50;
	[sflag:s11] =	ssyncset.done $0x0  }
0x9b: {  	s25 =	simm.s32 @!p1 $0x12A70;
	v3 =	vadd.s32 $0x40, v4;
	s23 =	sadd.s32 @!p1 $0xC350, s22;
	[sflag:s11] =	ssyncadd.s32 $0xFFFFFB00  }
0x9c: {  	[tilespmem:s25], [sflag:$0x3] =	stream.indirect.gather @!p1 [hbm4b:s13+s24], $0x50, s23, s24, $0xb8;
	[tilespmem:$0x14D70] =	vst v63  }
0x9d: {  	s22 =	sadd.s32 @!p1 $0xEA60, s22;
	s23 =	simm.s32 @!p1 $0x14870  }
0x9e: {  	[tilespmem:s23], [sflag:$0x4] =	stream.indirect.gather @!p1 [hbm4b:s14+s24], $0x10, s22, s24, $0xb8;
	[tilespmem:$0x14D70] =	vst v63  }
0x9f: {  	v4 =	vld.idx.msk [tilespmem:v5+s7+$0x0], $0xffff  }
0xa0: {  	v5 =	vld.idx.msk [tilespmem:v3+s2+$0x0], $0xffff;
	_ =	sdelay $0x1  }
0xa1: {  	s24 =	simm.s32 $0x10  }
0xa2: {  	v6 =	vor.u32 s24, v1  }
0xa3: {  	v7 =	vmul.u32 $0x50, v6  }
0xa4: {  	v6 =	vshll.u32 v6, $0x4;
	v5 =	vadd.f32 v4, v5  }
0xa5: {  	v4 =	vadd.s32 $0x40, v7  }
0xa6: {  	v7 =	vmul.f32 $2.000000030e-01, v5  }
0xa7: {  	vm0 =	vgt.f32 v5, $0.0e+00  }
0xa8: {  	v5 =	vsel vm0, v5, v7  }
0xa9: {  	v7 =	vmul.f32 $1.442695020e+00, v5;
	v5 =	vld.idx.msk [tilespmem:v6+s7+$0x0], $0xffff  }
0xaa: {  	v6 =	vld.idx.msk [tilespmem:v4+s2+$0x0], $0xffff  }
0xab: {  	s25 =	simm.s32 $0x20;
	(erf) = vpow2.f32 v7  }
0xac: {  	s22 =	simm.s32 $0x30;
	v7 =	vor.u32 s25, v1  }
.LBB2_5:
0xad: {  	p2 =	sne.s32 s22, $0x40;
	v8 =	vmul.u32 $0x50, v7  }
0xae: {  	v7 =	vshll.u32 v7, $0x4  }
0xaf: {  	v6 =	vadd.f32 v5, v6;
	v8 =	vadd.s32 $0x40, v8;
	_ =	sdelay $0x1  }
0xb0: {  	v10 =	vmul.f32 $2.000000030e-01, v6  }
0xb1: {  	vm0 =	vgt.f32 v6, $0.0e+00  }
.Ltmp5:
0xb2: {  	v5 =	vld.idx.msk [tilespmem:v7+s7+$0x0], $0xffff;
	v7 =	vsel vm0, v6, v10;
	(pc) =	sbr.rel @p2 .LBB2_5-.Ltmp5, $4  }
0xb3: {  	v6 =	vld.idx.msk [tilespmem:v8+s2+$0x0], $0xffff;
	v7 =	vmul.f32 $1.442695020e+00, v7;
	v9 =	vpop (erf)  }
0xb4: {  	[tilespmem:v3+s2+$0x0] =	vst.idx.msk $0xffff, v9;
	v3 =	vmov v4;
	v4 =	vmov v8  }
0xb5: {  	(erf) = vpow2.f32 v7  }
0xb6: {  	v7 =	vor.u32 s22, v1;
	s22 =	sadd.s32 $0x10, s22  }
0xb7: {  	v8 =	vmul.u32 $0x50, v7  }
0xb8: {  	v7 =	vshll.u32 v7, $0x4  }
0xb9: {  	v8 =	vadd.s32 $0x40, v8;
	_ =	sdelay $0x3  }
0xba: {  	v7 =	vld.idx.msk [tilespmem:v7+s7+$0x0], $0xffff  }
0xbb: {  	v9 =	vld.idx.msk [tilespmem:v8+s2+$0x0], $0xffff;
	_ =	sdelay $0x3  }
0xbc: {  	v5 =	vadd.f32 v5, v6  }
0xbd: {  	v6 =	vadd.f32 v7, v9  }
0xbe: {  	v7 =	vmul.f32 $2.000000030e-01, v5  }
0xbf: {  	vm0 =	vgt.f32 v5, $0.0e+00;
	v9 =	vmul.f32 $2.000000030e-01, v6  }
0xc0: {  	v5 =	vsel vm0, v5, v7;
	vm15 =	vgt.f32 v6, $0.0e+00  }
0xc1: {  	v5 =	vmul.f32 $1.442695020e+00, v5;
	v6 =	vsel vm15, v6, v9  }
0xc2: {  	v6 =	vmul.f32 $1.442695020e+00, v6  }
0xc3: {  	(erf) = vpow2.f32 v5  }
0xc4: {  	(erf) = vpow2.f32 v6;
	_ =	sdelay $0x6  }
0xc5: {  	v5 =	vpop (erf)  }
0xc6: {  	[tilespmem:v3+s2+$0x0] =	vst.idx.msk $0xffff, v5;
	v6 =	vpop (erf)  }
0xc7: {  	[tilespmem:v4+s2+$0x0] =	vst.idx.msk $0xffff, v6;
	v3 =	vpop (erf)  }
0xc8: {  	s22 =	simm.s32 $0x11210;
	[tilespmem:v8+s2+$0x0] =	vst.idx.msk $0xffff, v3  }
0xc9: {  	v3 =	vld [tilespmem:s22+$0x90]  }
0xca: {  	v4 =	vld [tilespmem:s22+$0xFFFFFFF0]  }
0xcb: {  	v5 =	vld [tilespmem:s22+$0x80]  }
0xcc: {  	v7 =	vld [tilespmem:s22+$0x40]  }
0xcd: {  	v6 =	vld [tilespmem:s22+$0xFFFFFFA0]  }
0xce: {  	v8 =	vld [tilespmem:s22+$0xFFFFFF60]  }
0xcf: {  	v9 =	vld [tilespmem:s22+$0xFFFFFF70]  }
0xd0: {  	v10 =	vld [tilespmem:s22+$0xFFFFFF80]  }
0xd1: {  	v11 =	vld [tilespmem:s22+$0xFFFFFF90];
	v3 =	vperm.xlane v3, v2  }
0xd2: {  	v12 =	vld [tilespmem:s22+$0xFFFFFFB0];
	v6 =	vperm.xlane v6, v2  }
0xd3: {  	v13 =	vld [tilespmem:s22+$0xFFFFFFC0];
	v5 =	vmul.f32 v5, v3  }
0xd4: {  	v14 =	vld [tilespmem:s22+$0xFFFFFFD0];
	v8 =	vmul.f32 v8, v6  }
0xd5: {  	v16 =	vld [tilespmem:s22+$0x0];
	v15 =	vperm.xlane v4, v2;
	v4 =	vmul.f32 v10, v6;
	[tilespmem:s22+$0x80] =	vst v5  }
0xd6: {  	v5 =	vmul.f32 v9, v6;
	v9 =	vld [tilespmem:s22+$0xFFFFFFE0];
	[tilespmem:s22+$0xFFFFFF60] =	vst v8  }
0xd7: {  	v17 =	vld [tilespmem:s22+$0x10];
	v6 =	vmul.f32 v11, v6;
	[tilespmem:s22+$0xFFFFFF80] =	vst v4  }
0xd8: {  	v8 =	vmul.f32 v12, v15;
	[tilespmem:s22+$0xFFFFFF70] =	vst v5;
	v5 =	vld [tilespmem:s22+$0x20]  }
0xd9: {  	v11 =	vmul.f32 v13, v15;
	[tilespmem:s22+$0xFFFFFF90] =	vst v6;
	v6 =	vld [tilespmem:s22+$0x30]  }
0xda: {  	v4 =	vperm.xlane v7, v2;
	v12 =	vmul.f32 v14, v15;
	v7 =	vld [tilespmem:s22+$0x50];
	[tilespmem:s22+$0xFFFFFFB0] =	vst v8  }
0xdb: {  	[tilespmem:s22+$0xFFFFFFC0] =	vst v11;
	v8 =	vld [tilespmem:s22+$0x60];
	v10 =	vmul.f32 v9, v15  }
0xdc: {  	s23 =	simm.s32 $0x0;
	s24 =	simm.s32 $0x11350;
	v11 =	vmul.f32 v16, v4;
	[tilespmem:s22+$0xFFFFFFD0] =	vst v12;
	v12 =	vmul.f32 v17, v4;
	v9 =	vld [tilespmem:s22+$0x70]  }
.LBB2_7:
0xdd: {  	v13 =	vld [tilespmem:s24+$0x90];
	s23 =	sadd.s32 $0x4, s23;
	[tilespmem:s22+$0xFFFFFFE0] =	vst v10;
	v5 =	vmul.f32 v5, v4  }
0xde: {  	v10 =	vld [tilespmem:s24+$0xFFFFFFF0];
	p2 =	slt.u32 s23, $0x4C;
	[tilespmem:s22+$0x0] =	vst v11;
	v4 =	vmul.f32 v6, v4  }
0xdf: {  	v6 =	vld [tilespmem:s24+$0x80];
	[tilespmem:s22+$0x10] =	vst v12;
	v7 =	vmul.f32 v7, v3  }
0xe0: {  	v11 =	vld [tilespmem:s24+$0x40];
	[tilespmem:s22+$0x20] =	vst v5;
	v5 =	vmul.f32 v8, v3  }
0xe1: {  	v8 =	vld [tilespmem:s24+$0xFFFFFFA0];
	[tilespmem:s22+$0x30] =	vst v4;
	v4 =	vmul.f32 v9, v3  }
0xe2: {  	v9 =	vld [tilespmem:s24+$0xFFFFFF60];
	v3 =	vperm.xlane v13, v2;
	[tilespmem:s22+$0x50] =	vst v7  }
0xe3: {  	v7 =	vld [tilespmem:s24+$0xFFFFFF70];
	v10 =	vperm.xlane v10, v2;
	[tilespmem:s22+$0x60] =	vst v5  }
0xe4: {  	v5 =	vld [tilespmem:s24+$0xFFFFFF80];
	v6 =	vmul.f32 v6, v3;
	[tilespmem:s22+$0x70] =	vst v4;
	s22 =	smov.u32 s24  }
0xe5: {  	v12 =	vld [tilespmem:s24+$0xFFFFFF90];
	v4 =	vperm.xlane v11, v2  }
0xe6: {  	v8 =	vperm.xlane v8, v2;
	v11 =	vld [tilespmem:s24+$0xFFFFFFB0];
	[tilespmem:s24+$0x80] =	vst v6  }
0xe7: {  	v6 =	vld [tilespmem:s24+$0xFFFFFFC0]  }
0xe8: {  	v9 =	vmul.f32 v9, v8;
	v7 =	vmul.f32 v7, v8;
	v13 =	vld [tilespmem:s24+$0xFFFFFFD0]  }
0xe9: {  	v5 =	vmul.f32 v5, v8;
	v14 =	vld [tilespmem:s24+$0xFFFFFFE0]  }
0xea: {  	[tilespmem:s24+$0xFFFFFF60] =	vst v9;
	v8 =	vmul.f32 v12, v8;
	v9 =	vld [tilespmem:s24+$0x0]  }
0xeb: {  	[tilespmem:s24+$0xFFFFFF70] =	vst v7;
	v7 =	vmul.f32 v11, v10;
	v12 =	vld [tilespmem:s24+$0x10]  }
.Ltmp6:
0xec: {  	[tilespmem:s24+$0xFFFFFF80] =	vst v5;
	v11 =	vmul.f32 v6, v10;
	v5 =	vld [tilespmem:s24+$0x20];
	(pc) =	sbr.rel @p2 .LBB2_7-.Ltmp6, $4  }
0xed: {  	[tilespmem:s24+$0xFFFFFF90] =	vst v8;
	v13 =	vmul.f32 v13, v10;
	v6 =	vld [tilespmem:s24+$0x30]  }
0xee: {  	[tilespmem:s24+$0xFFFFFFB0] =	vst v7;
	v10 =	vmul.f32 v14, v10;
	v7 =	vld [tilespmem:s24+$0x50]  }
0xef: {  	[tilespmem:s24+$0xFFFFFFC0] =	vst v11;
	v11 =	vmul.f32 v9, v4;
	v8 =	vld [tilespmem:s24+$0x60]  }
0xf0: {  	s24 =	sadd.s32 $0x140, s24;
	[tilespmem:s22+$0xFFFFFFD0] =	vst v13;
	v12 =	vmul.f32 v12, v4;
	v9 =	vld [tilespmem:s22+$0x70]  }
0xf1: {  	[tilespmem:s22+$0xFFFFFFE0] =	vst v10  }
0xf2: {  	v5 =	vmul.f32 v5, v4;
	[tilespmem:s22+$0x0] =	vst v11  }
0xf3: {  	v61 =	vmul.f32 v6, v4;
	[tilespmem:s22+$0x10] =	vst v12  }
0xf4: {  	v62 =	vmul.f32 v7, v3;
	[tilespmem:s22+$0x20] =	vst v5  }
0xf5: {  	s23 =	smul.u32 $0x280, s20;
	v63 =	vmul.f32 v8, v3;
	[tilespmem:s22+$0x30] =	vst v61  }
0xf6: {  	v3 =	vmul.f32 v9, v3;
	[tilespmem:s22+$0x50] =	vst v62  }
0xf7: {  	s23 =	sshra.s32 s23, $0x2;
	[tilespmem:s22+$0x60] =	vst v63  }
.Ltmp7:
0xf8: {  	s25 =	sadd.s32 $0xEA60, s23;
	[tilespmem:s22+$0x70] =	vst v3;
	(pc) =	sbr.rel @p1 .LBB2_14-.Ltmp7, $4  }
0xf9: {  	[spmem:s9] =	stream.indirect.scatter.add.f32 [tilespmem:s2], [sflag:$0x6], $0x50, s25, s6, $0xb8;
	[tilespmem:$0x14D70] =	vst v63  }
0xfa: {  	_ =	swait.ge [sflag:s12], $0x1900  }
0xfb: {  	[sflag:s12] =	ssyncset.done $0x0  }
0xfc: {  	[sflag:s12] =	ssyncadd.s32 $0xFFFFE700  }
0xfd: {  	_ =	swait.ge [sflag:s15], $0x1900  }
0xfe: {  	s22 =	simm.s32 $0x0;
	[sflag:s15] =	ssyncset.done $0x0  }
0xff: {  	v3 =	vor.u32 s22, v1;
	[sflag:s15] =	ssyncadd.s32 $0xFFFFE700  }
0x100: {  	s25 =	smul.u32 $0xA0, s20;
	v4 =	vmul.u32 $0x50, v3;
	_ =	swait.ge [sflag:s16], $0x500  }
0x101: {  	v5 =	vshll.u32 v3, $0x4;
	[sflag:s16] =	ssyncset.done $0x0  }
0x102: {  	s23 =	sadd.s32 $0xC3F0, s25;
	v3 =	vadd.s32 $0x40, v4;
	[sflag:s16] =	ssyncadd.s32 $0xFFFFFB00  }
0x103: {  	[tilespmem:s2], [sflag:$0x1] =	stream.indirect.gather [hbm4b:s13+s6], $0x50, s23, s6, $0xb8;
	[tilespmem:$0x14D70] =	vst v63  }
0x104: {  	s22 =	sadd.s32 $0xEB00, s25  }
0x105: {  	[tilespmem:s7], [sflag:$0x2] =	stream.indirect.gather [hbm4b:s14+s6], $0x10, s22, s6, $0xb8;
	[tilespmem:$0x14D70] =	vst v63  }
0x106: {  	v4 =	vld.idx.msk [tilespmem:v5+s18+$0x0], $0xffff  }
0x107: {  	v5 =	vld.idx.msk [tilespmem:v3+s17+$0x0], $0xffff;
	_ =	sdelay $0x1  }
0x108: {  	s24 =	simm.s32 $0x10  }
0x109: {  	v6 =	vor.u32 s24, v1  }
0x10a: {  	v7 =	vmul.u32 $0x50, v6  }
0x10b: {  	v6 =	vshll.u32 v6, $0x4;
	v5 =	vadd.f32 v4, v5  }
0x10c: {  	v4 =	vadd.s32 $0x40, v7  }
0x10d: {  	v7 =	vmul.f32 $2.000000030e-01, v5  }
0x10e: {  	vm0 =	vgt.f32 v5, $0.0e+00  }
0x10f: {  	v5 =	vsel vm0, v5, v7  }
0x110: {  	v7 =	vmul.f32 $1.442695020e+00, v5;
	v5 =	vld.idx.msk [tilespmem:v6+s18+$0x0], $0xffff  }
0x111: {  	v6 =	vld.idx.msk [tilespmem:v4+s17+$0x0], $0xffff  }
0x112: {  	s25 =	simm.s32 $0x20;
	(erf) = vpow2.f32 v7  }
0x113: {  	s22 =	simm.s32 $0x30;
	v7 =	vor.u32 s25, v1  }
.LBB2_10:
0x114: {  	p1 =	sne.s32 s22, $0x40;
	v8 =	vmul.u32 $0x50, v7  }
0x115: {  	v7 =	vshll.u32 v7, $0x4  }
0x116: {  	v6 =	vadd.f32 v5, v6;
	v8 =	vadd.s32 $0x40, v8;
	_ =	sdelay $0x1  }
0x117: {  	v10 =	vmul.f32 $2.000000030e-01, v6  }
0x118: {  	vm0 =	vgt.f32 v6, $0.0e+00  }
.Ltmp8:
0x119: {  	v5 =	vld.idx.msk [tilespmem:v7+s18+$0x0], $0xffff;
	v7 =	vsel vm0, v6, v10;
	(pc) =	sbr.rel @p1 .LBB2_10-.Ltmp8, $4  }
0x11a: {  	v6 =	vld.idx.msk [tilespmem:v8+s17+$0x0], $0xffff;
	v7 =	vmul.f32 $1.442695020e+00, v7;
	v9 =	vpop (erf)  }
0x11b: {  	[tilespmem:v3+s17+$0x0] =	vst.idx.msk $0xffff, v9;
	v3 =	vmov v4;
	v4 =	vmov v8  }
0x11c: {  	(erf) = vpow2.f32 v7  }
0x11d: {  	v7 =	vor.u32 s22, v1;
	s22 =	sadd.s32 $0x10, s22  }
0x11e: {  	v8 =	vmul.u32 $0x50, v7  }
0x11f: {  	v7 =	vshll.u32 v7, $0x4  }
0x120: {  	v8 =	vadd.s32 $0x40, v8;
	_ =	sdelay $0x3  }
0x121: {  	v7 =	vld.idx.msk [tilespmem:v7+s18+$0x0], $0xffff  }
0x122: {  	v9 =	vld.idx.msk [tilespmem:v8+s17+$0x0], $0xffff;
	_ =	sdelay $0x3  }
0x123: {  	v5 =	vadd.f32 v5, v6  }
0x124: {  	v6 =	vadd.f32 v7, v9  }
0x125: {  	v7 =	vmul.f32 $2.000000030e-01, v5  }
0x126: {  	vm0 =	vgt.f32 v5, $0.0e+00;
	v9 =	vmul.f32 $2.000000030e-01, v6  }
0x127: {  	v5 =	vsel vm0, v5, v7;
	vm15 =	vgt.f32 v6, $0.0e+00  }
0x128: {  	v5 =	vmul.f32 $1.442695020e+00, v5;
	v6 =	vsel vm15, v6, v9  }
0x129: {  	v6 =	vmul.f32 $1.442695020e+00, v6  }
0x12a: {  	(erf) = vpow2.f32 v5  }
0x12b: {  	(erf) = vpow2.f32 v6;
	_ =	sdelay $0x6  }
0x12c: {  	v5 =	vpop (erf)  }
0x12d: {  	[tilespmem:v3+s17+$0x0] =	vst.idx.msk $0xffff, v5;
	v6 =	vpop (erf)  }
0x12e: {  	[tilespmem:v4+s17+$0x0] =	vst.idx.msk $0xffff, v6;
	v3 =	vpop (erf)  }
0x12f: {  	s22 =	simm.s32 $0x12B10;
	[tilespmem:v8+s17+$0x0] =	vst.idx.msk $0xffff, v3  }
0x130: {  	v3 =	vld [tilespmem:s22+$0x90]  }
0x131: {  	v4 =	vld [tilespmem:s22+$0xFFFFFFF0]  }
0x132: {  	v5 =	vld [tilespmem:s22+$0x80]  }
0x133: {  	v7 =	vld [tilespmem:s22+$0x40]  }
0x134: {  	v6 =	vld [tilespmem:s22+$0xFFFFFFA0]  }
0x135: {  	v8 =	vld [tilespmem:s22+$0xFFFFFF60]  }
0x136: {  	v9 =	vld [tilespmem:s22+$0xFFFFFF70]  }
0x137: {  	v10 =	vld [tilespmem:s22+$0xFFFFFF80]  }
0x138: {  	v11 =	vld [tilespmem:s22+$0xFFFFFF90];
	v3 =	vperm.xlane v3, v2  }
0x139: {  	v12 =	vld [tilespmem:s22+$0xFFFFFFB0];
	v6 =	vperm.xlane v6, v2  }
0x13a: {  	v13 =	vld [tilespmem:s22+$0xFFFFFFC0];
	v5 =	vmul.f32 v5, v3  }
0x13b: {  	v14 =	vld [tilespmem:s22+$0xFFFFFFD0];
	v8 =	vmul.f32 v8, v6  }
0x13c: {  	v16 =	vld [tilespmem:s22+$0x0];
	v15 =	vperm.xlane v4, v2;
	v4 =	vmul.f32 v10, v6;
	[tilespmem:s22+$0x80] =	vst v5  }
0x13d: {  	v5 =	vmul.f32 v9, v6;
	v9 =	vld [tilespmem:s22+$0xFFFFFFE0];
	[tilespmem:s22+$0xFFFFFF60] =	vst v8  }
0x13e: {  	v17 =	vld [tilespmem:s22+$0x10];
	v6 =	vmul.f32 v11, v6;
	[tilespmem:s22+$0xFFFFFF80] =	vst v4  }
0x13f: {  	v8 =	vmul.f32 v12, v15;
	[tilespmem:s22+$0xFFFFFF70] =	vst v5;
	v5 =	vld [tilespmem:s22+$0x20]  }
0x140: {  	v11 =	vmul.f32 v13, v15;
	[tilespmem:s22+$0xFFFFFF90] =	vst v6;
	v6 =	vld [tilespmem:s22+$0x30]  }
0x141: {  	v4 =	vperm.xlane v7, v2;
	v12 =	vmul.f32 v14, v15;
	v7 =	vld [tilespmem:s22+$0x50];
	[tilespmem:s22+$0xFFFFFFB0] =	vst v8  }
0x142: {  	[tilespmem:s22+$0xFFFFFFC0] =	vst v11;
	v8 =	vld [tilespmem:s22+$0x60];
	v10 =	vmul.f32 v9, v15  }
0x143: {  	s23 =	simm.s32 $0x0;
	s24 =	simm.s32 $0x12C50;
	v11 =	vmul.f32 v16, v4;
	[tilespmem:s22+$0xFFFFFFD0] =	vst v12;
	v12 =	vmul.f32 v17, v4;
	v9 =	vld [tilespmem:s22+$0x70]  }
.LBB2_12:
0x144: {  	v13 =	vld [tilespmem:s24+$0x90];
	s23 =	sadd.s32 $0x4, s23;
	[tilespmem:s22+$0xFFFFFFE0] =	vst v10;
	v5 =	vmul.f32 v5, v4  }
0x145: {  	v10 =	vld [tilespmem:s24+$0xFFFFFFF0];
	p1 =	slt.u32 s23, $0x4C;
	[tilespmem:s22+$0x0] =	vst v11;
	v4 =	vmul.f32 v6, v4  }
0x146: {  	v6 =	vld [tilespmem:s24+$0x80];
	[tilespmem:s22+$0x10] =	vst v12;
	v7 =	vmul.f32 v7, v3  }
0x147: {  	v11 =	vld [tilespmem:s24+$0x40];
	[tilespmem:s22+$0x20] =	vst v5;
	v5 =	vmul.f32 v8, v3  }
0x148: {  	v8 =	vld [tilespmem:s24+$0xFFFFFFA0];
	[tilespmem:s22+$0x30] =	vst v4;
	v4 =	vmul.f32 v9, v3  }
0x149: {  	v9 =	vld [tilespmem:s24+$0xFFFFFF60];
	v3 =	vperm.xlane v13, v2;
	[tilespmem:s22+$0x50] =	vst v7  }
0x14a: {  	v7 =	vld [tilespmem:s24+$0xFFFFFF70];
	v10 =	vperm.xlane v10, v2;
	[tilespmem:s22+$0x60] =	vst v5  }
0x14b: {  	v5 =	vld [tilespmem:s24+$0xFFFFFF80];
	v6 =	vmul.f32 v6, v3;
	[tilespmem:s22+$0x70] =	vst v4;
	s22 =	smov.u32 s24  }
0x14c: {  	v12 =	vld [tilespmem:s24+$0xFFFFFF90];
	v4 =	vperm.xlane v11, v2  }
0x14d: {  	v8 =	vperm.xlane v8, v2;
	v11 =	vld [tilespmem:s24+$0xFFFFFFB0];
	[tilespmem:s24+$0x80] =	vst v6  }
0x14e: {  	v6 =	vld [tilespmem:s24+$0xFFFFFFC0]  }
0x14f: {  	v9 =	vmul.f32 v9, v8;
	v7 =	vmul.f32 v7, v8;
	v13 =	vld [tilespmem:s24+$0xFFFFFFD0]  }
0x150: {  	v5 =	vmul.f32 v5, v8;
	v14 =	vld [tilespmem:s24+$0xFFFFFFE0]  }
0x151: {  	[tilespmem:s24+$0xFFFFFF60] =	vst v9;
	v8 =	vmul.f32 v12, v8;
	v9 =	vld [tilespmem:s24+$0x0]  }
0x152: {  	[tilespmem:s24+$0xFFFFFF70] =	vst v7;
	v7 =	vmul.f32 v11, v10;
	v12 =	vld [tilespmem:s24+$0x10]  }
.Ltmp9:
0x153: {  	[tilespmem:s24+$0xFFFFFF80] =	vst v5;
	v11 =	vmul.f32 v6, v10;
	v5 =	vld [tilespmem:s24+$0x20];
	(pc) =	sbr.rel @p1 .LBB2_12-.Ltmp9, $4  }
0x154: {  	[tilespmem:s24+$0xFFFFFF90] =	vst v8;
	v13 =	vmul.f32 v13, v10;
	v6 =	vld [tilespmem:s24+$0x30]  }
0x155: {  	[tilespmem:s24+$0xFFFFFFB0] =	vst v7;
	v10 =	vmul.f32 v14, v10;
	v7 =	vld [tilespmem:s24+$0x50]  }
0x156: {  	[tilespmem:s24+$0xFFFFFFC0] =	vst v11;
	v11 =	vmul.f32 v9, v4;
	v8 =	vld [tilespmem:s24+$0x60]  }
0x157: {  	s24 =	sadd.s32 $0x140, s24;
	[tilespmem:s22+$0xFFFFFFD0] =	vst v13;
	v12 =	vmul.f32 v12, v4;
	v9 =	vld [tilespmem:s22+$0x70]  }
0x158: {  	[tilespmem:s22+$0xFFFFFFE0] =	vst v10  }
0x159: {  	v5 =	vmul.f32 v5, v4;
	[tilespmem:s22+$0x0] =	vst v11  }
0x15a: {  	v61 =	vmul.f32 v6, v4;
	[tilespmem:s22+$0x10] =	vst v12  }
0x15b: {  	v62 =	vmul.f32 v7, v3;
	[tilespmem:s22+$0x20] =	vst v5  }
0x15c: {  	s21 =	smul.u32 $0x140, s21;
	v63 =	vmul.f32 v8, v3;
	[tilespmem:s22+$0x30] =	vst v61  }
0x15d: {  	v3 =	vmul.f32 v9, v3;
	[tilespmem:s22+$0x50] =	vst v62  }
0x15e: {  	s21 =	sshra.s32 s21, $0x2;
	[tilespmem:s22+$0x60] =	vst v63  }
.Ltmp10:
0x15f: {  	s21 =	sadd.s32 $0xEA60, s21;
	[tilespmem:s22+$0x70] =	vst v3;
	(pc) =	sbr.rel .LBB2_14-.Ltmp10, $4  }
0x160: {  	[spmem:s9] =	stream.indirect.scatter.add.f32 [tilespmem:s17], [sflag:$0x5], $0x50, s21, s6, $0xb8;
	[tilespmem:$0x14D70] =	vst v63  }
0x161: {  	_ =	swait.ge [sflag:s3], $0x1900  }
0x162: {  	[sflag:s3] =	ssyncset.done $0x0  }
0x163: {  	[sflag:s3] =	ssyncadd.s32 $0xFFFFE700  }
.LBB2_16:
0x164: {  	_ =	sfence.sel $0x180000  }
0x165: {  	[bflag:$0x0] =	sbarrier.arrive $0xFFFF  }
0x166: {  	_ =	strace $0x9000004A  }
0x167: {  	s0 =	stileid.u32;
	[bflag:$0x2] =	sbarrier.arrive $0xFFFF  }
0x168: {  	p0 =	sne.s32 s0, $0x0;
	s0 =	rddreg [dreg:$0x3]  }
0x169: {  	s0 =	sadd.s32 @!p0 $0x100000, s0  }
0x16a: {  	[sflag:s0] =	ssyncadd.tile.s32 @!p0 $0x1;
	_ =	shalt  }
.Lfunc_end2:
_tile_overlayer_lowered:
.L_overlay_start_2:
0x16b: {  	(tag) =	ssettag $0x2  }
0x16c: {  	s0 =	rddreg [dreg:$0x0];
	s2 =	stileid.u32  }
0x16d: {  	s1 =	rddreg [dreg:$0x1];
	p0 =	sne.s32 s2, $0x0  }
0x16e: {  	s3 =	rddreg [dreg:$0x2];
	[bflag:$0x3] =	sbarrier.arrive $0xFFFF;
	s2 =	simm.s32 @!p0 $0x1C05  }
0x16f: {  	[timem:s3], [sflag:s2] =	dma.local @!p0 [hbm:s0], s1  }
0x170: {  	s0 =	simm.s32 @!p0 $0x5  }
0x171: {  	_ =	swait.ge @!p0 [sflag:s0], s1  }
0x172: {  	s1 =	ssub.s32 @!p0 $0x0, s1;
	[sflag:s0] =	ssyncset.done @!p0 $0x0  }
0x173: {  	[sflag:s0] =	ssyncadd.s32 @!p0 s1  }
0x174: {  	[bflag:$0x3] =	sbarrier.arrive $0xFFFF  }
0x175: {  	_ =	shalt  }

// kernel: kernel.7.cloned.1.call-start
scs
__scs_entry_jumppad:
0x0: {  	(pc) =	sbr.rel $0x88, $3  }
0x1: {  	(tag) =	ssettag $0x0;
	lr =	simm.s32 $0x1  }
0x2: {  	[smem:$0x3F98] =	sst lr;
	_ =	strace $0xD0000000  }
0x3: {  	_ = 	snop  }
0x4: {  	_ = 	snop  }
0x5: {  	_ = 	snop  }
0x6: {  	_ = 	snop  }
0x7: {  	_ = 	snop  }
__scs_overlays_trampoline_lowered:
0x8: {  	[smem:$0x3FA7] =	sst s0  }
0x9: {  	[smem:$0x3FA8] =	sst s1  }
0xa: {  	[smem:$0x3FA9] =	sst s2  }
0xb: {  	[smem:$0x3FAA] =	sst s3  }
0xc: {  	[smem:$0x3FAB] =	sst s4  }
0xd: {  	[smem:$0x3FAC] =	sst s5  }
0xe: {  	[smem:$0x3FAD] =	sst s6  }
0xf: {  	[smem:$0x3FAE] =	sst s7  }
0x10: {  	[smem:$0x3FAF] =	sst s8  }
0x11: {  	[smem:$0x3FB0] =	sst s9;
	s0 =	simm.s32 @!p0 $0x0  }
0x12: {  	s1 =	sld [smem:$0x3F96];
	s0 =	simm.s32 @p0 $0x1  }
0x13: {  	[smem:$0x3FB1] =	sst s0;
	s0 =	simm.s32 @!p1 $0x0  }
0x14: {  	s2 =	sld [smem:$0x3F95];
	s0 =	simm.s32 @p1 $0x1  }
0x15: {  	[smem:$0x3FB2] =	sst s0;
	s0 =	simm.s32 @!p2 $0x0  }
0x16: {  	s3 =	sld [smem:$0x3FDB];
	s0 =	simm.s32 @p2 $0x1  }
0x17: {  	s4 =	simm.s32 $0x1BF5;
	[smem:$0x3FB4] =	sst s0  }
0x18: {  	s0 =	sld [smem:$0x3F97];
	_ =	swait.ge [sflag:s4], $0x0  }
0x19: {  	s7 =	sld [smem:$0x3F98]  }
0x1a: {  	s8 =	sadd.s32 $0xFFFFE003, lr  }
0x1b: {  	s9 =	sadd.s32 $0xFFFFFEF7, lr;
	s5 =	simm.s32 $0xFFFFFFFF;
	p2 =	slt.u32 s8, $0xFFFFF086  }
0x1c: {  	p1 =	slt.u32 s9, $0xF7A;
	s5 =	simm.s32 @!p2 $0x0  }
0x1d: {  	s5 =	simm.s32 @p1 $0x1;
	p0 =	seq.s32 s7, s2  }
0x1e: {  	s7 =	smul.u32 @!p0 $0xF7A, s2;
	p2 =	seq.s32 @!p0 s5, $0x0  }
0x1f: {  	s9 =	smul.u32 $0xF7A, s1;
	s8 =	simm.s32 @!p0 $0x1BF5;
	p2 =	por !p2, p0  }
0x20: {  	[sflag:s8] =	ssyncset.s32 @!p0 $0xFFFFF086;
	s6 =	sadd.s32 @!p0 s3, s7;
	s7 =	simm.s32 @!p0 $0x108  }
0x21: {  	s3 =	sadd.s32 s3, s9;
	s6 =	sadd.s32 @!p0 $0x88, s6;
	s7 =	simm.s32 @p2 $0x1082  }
0x22: {  	[simem:s7], [sflag:s8] =	dma.local @!p0 [hbm:s6], $0xF7A  }
0x23: {  	s9 =	sor.u32 $0xD0000000, s2;
	s6 =	simm.s32 $0x108;
	_ =	swait.ge @!p0 [sflag:s8], $0x0  }
0x24: {  	s3 =	sadd.s32 $0x88, s3;
	s6 =	simm.s32 @!p1 $0x1082;
	[sflag:s4] =	ssyncset.s32 $0xFFFFF086  }
0x25: {  	[simem:s6], [sflag:s4] =	dma.local [hbm:s3], $0xF7A  }
0x26: {  	[smem:$0x3F98] =	sst s1;
	(tag) =	ssettag s2;
	_ =	strace s9  }
0x27: {  	s1 =	sld [smem:$0x3FA8]  }
0x28: {  	s2 =	sld [smem:$0x3FA9]  }
0x29: {  	s4 =	sld [smem:$0x3FAB]  }
0x2a: {  	p0 =	seq.s32 s5, $0x0;
	s5 =	sld [smem:$0x3FAC]  }
0x2b: {  	s6 =	sld [smem:$0x3FAD]  }
0x2c: {  	s7 =	sld [smem:$0x3FAE]  }
0x2d: {  	s3 =	simm.s32 $0x108;
	s8 =	sld [smem:$0x3FAF]  }
0x2e: {  	s3 =	simm.s32 @!p0 $0x1082;
	s9 =	sld [smem:$0x3FB0]  }
0x2f: {  	lr =	sadd.s32 s0, s3;
	s0 =	sld [smem:$0x3FA7]  }
0x30: {  	s3 =	sld [smem:$0x3FAA]  }
0x31: {  	[smem:$0x3FB3] =	sst s10  }
0x32: {  	s10 =	sld [smem:$0x3FB1];
	_ =	sdelay $0x3  }
0x33: {  	p0 =	seq.s32 s10, $0x1;
	s10 =	sld [smem:$0x3FB3];
	_ =	sdelay $0x3  }
0x34: {  	[smem:$0x3FB3] =	sst s10  }
0x35: {  	s10 =	sld [smem:$0x3FB2];
	_ =	sdelay $0x3  }
0x36: {  	p1 =	seq.s32 s10, $0x1;
	s10 =	sld [smem:$0x3FB3];
	_ =	sdelay $0x3  }
0x37: {  	[smem:$0x3FB3] =	sst s10  }
0x38: {  	s10 =	sld [smem:$0x3FB4]  }
0x39: {  	_ = 	snop;
	(pc) =	sbr.ind lr, $3  }
0x3a: {  	_ = 	snop  }
0x3b: {  	_ = 	snop  }
0x3c: {  	p2 =	seq.s32 s10, $0x1;
	s10 =	sld [smem:$0x3FB3]  }
0x3d: {  	_ =	shalt  }
0x3e: {  	_ =	shalt  }
0x3f: {  	_ =	shalt  }
0x40: {  	_ =	shalt  }
0x41: {  	_ =	shalt  }
0x42: {  	_ =	shalt  }
0x43: {  	_ =	shalt  }
0x44: {  	_ =	shalt  }
0x45: {  	_ =	shalt  }
0x46: {  	_ =	shalt  }
0x47: {  	_ =	shalt  }
0x48: {  	_ =	shalt  }
0x49: {  	_ =	shalt  }
0x4a: {  	_ =	shalt  }
0x4b: {  	_ =	shalt  }
0x4c: {  	_ =	shalt  }
0x4d: {  	_ =	shalt  }
0x4e: {  	_ =	shalt  }
0x4f: {  	_ =	shalt  }
0x50: {  	_ =	shalt  }
0x51: {  	_ =	shalt  }
0x52: {  	_ =	shalt  }
0x53: {  	_ =	shalt  }
0x54: {  	_ =	shalt  }
0x55: {  	_ =	shalt  }
0x56: {  	_ =	shalt  }
0x57: {  	_ =	shalt  }
0x58: {  	_ =	shalt  }
0x59: {  	_ =	shalt  }
0x5a: {  	_ =	shalt  }
0x5b: {  	_ =	shalt  }
0x5c: {  	_ =	shalt  }
0x5d: {  	_ =	shalt  }
0x5e: {  	_ =	shalt  }
0x5f: {  	_ =	shalt  }
0x60: {  	_ =	shalt  }
0x61: {  	_ =	shalt  }
0x62: {  	_ =	shalt  }
0x63: {  	_ =	shalt  }
0x64: {  	_ =	shalt  }
0x65: {  	_ =	shalt  }
0x66: {  	_ =	shalt  }
0x67: {  	_ =	shalt  }
0x68: {  	_ =	shalt  }
0x69: {  	_ =	shalt  }
0x6a: {  	_ =	shalt  }
0x6b: {  	_ =	shalt  }
0x6c: {  	_ =	shalt  }
0x6d: {  	_ =	shalt  }
0x6e: {  	_ =	shalt  }
0x6f: {  	_ =	shalt  }
0x70: {  	_ =	shalt  }
0x71: {  	_ =	shalt  }
0x72: {  	_ =	shalt  }
0x73: {  	_ =	shalt  }
0x74: {  	_ =	shalt  }
0x75: {  	_ =	shalt  }
0x76: {  	_ =	shalt  }
0x77: {  	_ =	shalt  }
0x78: {  	_ =	shalt  }
0x79: {  	_ =	shalt  }
0x7a: {  	_ =	shalt  }
0x7b: {  	_ =	shalt  }
0x7c: {  	_ =	shalt  }
0x7d: {  	_ =	shalt  }
0x7e: {  	_ =	shalt  }
0x7f: {  	_ =	shalt  }
0x80: {  	_ =	shalt  }
0x81: {  	_ =	shalt  }
0x82: {  	_ =	shalt  }
0x83: {  	_ =	shalt  }
0x84: {  	_ =	shalt  }
0x85: {  	_ =	shalt  }
0x86: {  	_ =	shalt  }
0x87: {  	_ =	shalt  }
.Lfunc_end0:
.L_simem_size_0:
called_computation_lowered:
.L_overlay_start_0:
0x88: {  	s2 =	sld [smem:$0x3FD9]  }
0x89: {  	s3 =	sld [smem:$0x3FFE];
	_ =	sdelay $0x1  }
0x8a: {  	s1 =	srdreg.scid  }
0x8b: {  	s0 =	sand.u32 $0x1, s1  }
0x8c: {  	s17 =	sshll.u32 s0, $0xA;
	s2 =	sadd.s32 s3, s2  }
0x8d: {  	s2 =	sadd.s32 s2, s17  }
0x8e: {  	[smem:$0x3FBF] =	sst s2  }
0x8f: {  	_ = 	snop  }
0x90: {  	s2 =	sld [smem:$0x3FD0];
	(tm) =	ssettm $0x1  }
0x91: {  	s18 =	sld [smem:$0x3FFB];
	_ =	sdelay $0x3  }
0x92: {  	_ =	strace s18  }
0x93: {  	s3 =	sld [smem:$0x3FFC];
	_ =	sdelay $0x3  }
0x94: {  	_ =	strace s3  }
0x95: {  	s3 =	sld [smem:$0x3FFD];
	_ =	sdelay $0x3  }
0x96: {  	_ =	strace s3  }
0x97: {  	_ =	strace $0x8FFFFFFF  }
0x98: {  	s19 =	sld [smem:$0x3FDB];
	_ =	sdelay $0x1  }
0x99: {  	s4 =	simm.s32 $_scs_section_size  }
0x9a: {  	s5 =	simm.s32 $_size__tile_overlayer_lowered;
	s6 =	simm.s32 $_tile_overlayer_lowered  }
0x9b: {  	s22 =	simm.s32 $0x1BFF;
	s21 =	sshll.u32 s6, $0x1;
	s3 =	sadd.s32 s4, s19  }
0x9c: {  	s7 =	simm.s32 $0x0;
	s20 =	sshll.u32 s5, $0x1;
	s5 =	sadd.s32 s21, s3  }
0x9d: {  	[timem:s7], [sflag:s22] =	dma.local [hbm:s5], s20  }
0x9e: {  	_ =	swait.ge [sflag:s22], s20  }
0x9f: {  	s4 =	ssub.s32 $0x0, s20;
	[sflag:s22] =	ssyncset.done $0x0  }
0xa0: {  	[sflag:s22] =	ssyncadd.s32 s4;
	_ =	sdelay $0x1  }
0xa1: {  	s23 =	simm.s32 $0x1B8B  }
0xa2: {  	_ =	swait.ge [sflag:s23], $0x1  }
0xa3: {  	[sflag:s23] =	ssyncset.done $0x0  }
0xa4: {  	s25 =	simm.s32 $0x1B8E;
	s24 =	sld [smem:$0x3FFE];
	[sflag:s23] =	ssyncadd.s32 $0xFFFFFFFF  }
0xa5: {  	s26 =	simm.s32 $execute0_lowered;
	[smem:$0x3FD2] =	sst s25  }
0xa6: {  	s5 =	sshll.u32 s26, $0x1;
	_ =	strace $0x80000046;
	[dreg:$0x1] =	wrdreg $0xFFFFFFFF  }
0xa7: {  	s28 =	simm.s32 $_size_execute0_lowered;
	s3 =	sadd.s32 s3, s5;
	[dreg:$0x0] =	wrdreg $0x0  }
0xa8: {  	s5 =	sshll.u32 s28, $0x1;
	[dreg:$0x2] =	wrdreg s3  }
0xa9: {  	[dreg:$0x3] =	wrdreg s5  }
0xaa: {  	[dreg:$0x4] =	wrdreg $0xC0  }
0xab: {  	_ =	task [dreg:s7], $0x5FFFF  }
0xac: {  	[dreg:$0x1] =	wrdreg $0xFFFFFFFF  }
0xad: {  	[dreg:$0x0] =	wrdreg $0x60  }
0xae: {  	[dreg:$0x2] =	wrdreg s24  }
0xaf: {  	[dreg:$0x3] =	wrdreg s2  }
0xb0: {  	[dreg:$0x4] =	wrdreg $0x0  }
0xb1: {  	[dreg:$0x5] =	wrdreg $0x9  }
0xb2: {  	_ =	task.clear_ibuf [dreg:s7], $0x6FFFF;
	_ =	strace $0x90000046  }
0xb3: {  	s29 =	simm.s32 $0x9;
	_ =	strace $0x80000048  }
0xb4: {  	_ =	swait.ge [sflag:s29], $0x1  }
0xb5: {  	[sflag:s29] =	ssyncadd.s32 $0xFFFFFFFF  }
0xb6: {  	_ =	strace $0x90000048  }
0xb7: {  	_ =	sfence  }
0xb8: {  	s30 =	sld [smem:$0x0];
	_ =	sdelay $0x2  }
0xb9: {  	s31 =	sshll.u32 s1, $0xD;
	s1 =	sshrl.u32 s1, $0x2  }
0xba: {  	s3 =	sand.u32 $0x4000, s31;
	s1 =	sadd.s32 s1, s30  }
0xbb: {  	s0 =	sor.u32 s3, s0;
	s1 =	sshll.u32 s1, $0x11  }
0xbc: {  	s0 =	sor.u32 s1, s0  }
0xbd: {  	s0 =	sadd.s32 $0x8F2B, s0  }
0xbe: {  	[sflag:s0] =	ssyncadd.remote.s32 $0x1  }
0xbf: {  	_ =	sfence.sel $0xFFFF  }
0xc0: {  	[dreg:$0x0] =	wrdreg $0xFFFFFFFF;
	(pc) =	sbr.abs _section_cstart, $3  }
0xc1: {  	[dreg:$0x1] =	wrdreg $0xFFFFFFFF  }
0xc2: {  	_ =	task.clear_ibuf [dreg:s7], $0x2FFFF;
	_ =	strace $0x9FFFFFFF  }
0xc3: {  	(tm) =	ssettm $0x7FFFFFFF  }
tec
execute0_lowered:
.L_overlay_start_1:
0x0: {  	(tag) =	ssettag $0x1  }
0x1: {  	s0 =	srdreg.scid;
	s5 =	rddreg [dreg:$0x0]  }
0x2: {  	s24 =	stileid.u32;
	s1 =	simm.s32 $0x0;
	s0 =	sand.u32 $0x1, s0  }
0x3: {  	s10 =	sor.u32 $0x10, s24;
	s15 =	sor.u32 $0x40, s24;
	s9 =	smul.u32 $0x14C080, s0  }
0x4: {  	s2 =	sshll.u32 s0, $0x4;
	s3 =	ssub.s32 $0x2, s0;
	s0 =	smul.u32 $0x2A80, s24  }
0x5: {  	s11 =	sor.u32 $0x20, s24;
	s16 =	sor.u32 $0x50, s24;
	s19 =	smul.u32 $0x2A80, s15  }
0x6: {  	s12 =	sor.u32 $0x30, s24;
	s17 =	sor.u32 $0x60, s24;
	s21 =	smul.u32 $0x2A80, s16  }
0x7: {  	s18 =	sor.u32 $0x70, s24;
	s2 =	sor.u32 s24, s2;
	s24 =	smul.u32 $0xAA00, s24  }
0x8: {  	[smem:$0x7FF] =	sst s1;
	s7 =	sadd.s32 $0x39800, s5;
	s6 =	smul.u32 $0x4E2, s2  }
0x9: {  	s22 =	sshrl.u32 s3, $0x1;
	s23 =	sadd.s32 s9, s0;
	s2 =	smul.u32 $0x2A80, s10  }
0xa: {  	s8 =	ssub.s32 s3, s22;
	s3 =	smul.u32 $0x2A80, s11;
	s4 =	sshrl.u32 s23, $0x3  }
0xb: {  	p0 =	sgt.u32 s18, $0x7C;
	s22 =	smul.u32 $0x2A80, s17;
	s4 =	sadd.s32 s7, s4  }
0xc: {  	s13 =	sadd.s32 s9, s2;
	s14 =	sadd.s32 s9, s3;
	[dreg:$0x4] =	wrdreg s4  }
0xd: {  	s4 =	smul.u32 $0x2A80, s12;
	s13 =	sshrl.u32 s13, $0x3;
	s14 =	sshrl.u32 s14, $0x3  }
0xe: {  	s23 =	sadd.s32 s9, s19;
	s13 =	sadd.s32 s7, s13;
	s25 =	sadd.s32 s7, s14  }
0xf: {  	s14 =	sshrl.u32 s23, $0x3;
	s20 =	sadd.s32 s9, s4;
	[dreg:$0x5] =	wrdreg s13  }
0x10: {  	[dreg:$0x6] =	wrdreg s25;
	s25 =	sadd.s32 s9, s21;
	s26 =	sshrl.u32 s20, $0x3  }
0x11: {  	s20 =	sshrl.u32 s25, $0x3;
	s25 =	rddreg [dreg:$0x1];
	s13 =	sadd.s32 s7, s26  }
0x12: {  	s23 =	smul.u32 $0x2A80, s18;
	s26 =	sadd.s32 s7, s14;
	[dreg:$0x7] =	wrdreg s13  }
0x13: {  	s8 =	smax.u32 s8, $0x1;
	s14 =	sadd.s32 s7, s20;
	[dreg:$0x8] =	wrdreg s26  }
0x14: {  	s20 =	sadd.s32 s9, s22;
	s9 =	sadd.s32 s9, s23;
	[dreg:$0x9] =	wrdreg s14  }
0x15: {  	s13 =	sshrl.u32 s20, $0x3;
	s26 =	sshrl.u32 s9, $0x3;
	s9 =	rddreg [dreg:$0x2]  }
0x16: {  	s20 =	sadd.s32 s25, s6;
	s6 =	sadd.s32 s6, s5;
	s14 =	sadd.s32 $0x34800, s5  }
0x17: {  	s13 =	sadd.s32 s7, s13;
	s7 =	sadd.s32 s7, s26;
	s25 =	sadd.s32 $0x1000, s6  }
0x18: {  	s26 =	smul.u32 $0xAA00, s11;
	s11 =	sshrl.u32 s24, $0x2;
	s0 =	sadd.s32 s0, s9  }
0x19: {  	s2 =	sadd.s32 s2, s9;
	s3 =	sadd.s32 s3, s9;
	[dreg:$0xa] =	wrdreg s13  }
0x1a: {  	s4 =	sadd.s32 s4, s9;
	[dreg:$0xb] =	wrdreg s7;
	s7 =	smul.u32 $0xAA00, s10  }
0x1b: {  	s13 =	sadd.s32 $0xAE00, s5;
	s6 =	sadd.s32 s11, s9;
	s10 =	smul.u32 $0xAA00, s17  }
0x1c: {  	s11 =	smul.u32 $0xAA00, s18;
	_ =	strace $0x80000047;
	[dreg:$0xc] =	wrdreg s20  }
0x1d: {  	s0 =	sshrl.u32 s0, $0x3;
	s28 =	sshrl.u32 s3, $0x3;
	[dreg:$0xd] =	wrdreg s25  }
0x1e: {  	s29 =	sshrl.u32 s4, $0x3;
	[dreg:$0xe] =	wrdreg s8;
	s20 =	smul.u32 $0xAA00, s12  }
0x1f: {  	s3 =	simm.s32 $0x5;
	[dreg:$0xf] =	wrdreg s6;
	s25 =	smul.u32 $0xAA00, s15  }
0x20: {  	s5 =	sshrl.u32 s26, $0x2;
	s26 =	smul.u32 $0xAA00, s16;
	[dreg:$0x17] =	wrdreg s0  }
0x21: {  	s24 =	sshrl.u32 s7, $0x2;
	s5 =	sadd.s32 s5, s9;
	s16 =	sshrl.u32 s10, $0x2  }
0x22: {  	s17 =	sshrl.u32 s11, $0x2;
	s10 =	sadd.s32 s23, s9;
	s11 =	simm.s32 $0x2  }
0x23: {  	s6 =	sadd.s32 s24, s9;
	[dreg:$0x11] =	wrdreg s5;
	s8 =	sshrl.u32 s20, $0x2  }
0x24: {  	s7 =	sshrl.u32 s25, $0x2;
	s15 =	sshrl.u32 s26, $0x2;
	s18 =	sadd.s32 s17, s9  }
0x25: {  	s20 =	sadd.s32 s19, s9;
	s24 =	sadd.s32 s21, s9;
	s25 =	sadd.s32 s22, s9  }
0x26: {  	s26 =	sshrl.u32 s2, $0x3;
	s0 =	sshrl.u32 @!p0 s10, $0x3;
	s2 =	simm.s32 $0x19A28  }
0x27: {  	s10 =	simm.s32 $0x1;
	s17 =	simm.s32 $0x1C4A8;
	[dreg:$0x10] =	wrdreg s6  }
0x28: {  	s5 =	sadd.s32 s8, s9;
	s12 =	sadd.s32 s7, s9;
	[dreg:$0x16] =	wrdreg s18  }
.Ltmp0:
0x29: {  	s30 =	sshrl.u32 s20, $0x3;
	s31 =	sshrl.u32 s24, $0x3;
	(pc) =	sbr.rel .LBB2_1-.Ltmp0, $4  }
0x2a: {  	v1 =	vlaneseq.u32;
	v0 =	vimm.f32 $0.0e+00;
	vm0 =	vcmask $0x3F20;
	s8 =	sshrl.u32 s25, $0x3;
	s6 =	simm.s32 $0x50;
	[dreg:$0x12] =	wrdreg s5  }
0x2b: {  	v2 =	vimm.s32 $0x8;
	v3 =	vimm.s32 $0x9;
	v4 =	vimm.s32 $0xA;
	s7 =	simm.s32 $0x1EF28;
	[dreg:$0x13] =	wrdreg s12;
	s5 =	sadd.s32 s15, s9  }
0x2c: {  	v5 =	vimm.s32 $0xB;
	v6 =	vimm.s32 $0xC;
	v7 =	vimm.s32 $0xD;
	s12 =	simm.s32 $0x6;
	[dreg:$0x14] =	wrdreg s5;
	s5 =	sadd.s32 s16, s9  }
0x2d: {  	v8 =	vimm.s32 $0xE;
	v9 =	vimm.s32 $0xF;
	v1 =	vadd.s32 $0x78, v1;
	s15 =	simm.s32 $0x3;
	s16 =	simm.s32 $0x4;
	[dreg:$0x15] =	wrdreg s5  }
.LBB2_11:
0x2e: {  	s4 =	stileid.u32;
	[bflag:$0x0] =	sbarrier.arrive $0xFFFF  }
0x2f: {  	s4 =	sshll.u32 s4, $0x6;
	s5 =	rddreg [dreg:$0x4]  }
0x30: {  	s18 =	rddreg [dreg:$0x17];
	s4 =	sor.u32 $0x1C05, s4  }
0x31: {  	[hbm:s5], [sflag:s4] =	dma.local [spmem:s18], $0x550  }
0x32: {  	_ =	swait.ge [sflag:s3], $0x550  }
0x33: {  	[sflag:s3] =	ssyncset.done $0x0  }
0x34: {  	s19 =	rddreg [dreg:$0x5];
	[sflag:s3] =	ssyncadd.s32 $0xFFFFFAB0  }
0x35: {  	[hbm:s19], [sflag:s4] =	dma.local [spmem:s26], $0x550  }
0x36: {  	_ =	swait.ge [sflag:s3], $0x550  }
0x37: {  	[sflag:s3] =	ssyncset.done $0x0  }
0x38: {  	s20 =	rddreg [dreg:$0x6];
	[sflag:s3] =	ssyncadd.s32 $0xFFFFFAB0  }
0x39: {  	[hbm:s20], [sflag:s4] =	dma.local [spmem:s28], $0x550  }
0x3a: {  	_ =	swait.ge [sflag:s3], $0x550  }
0x3b: {  	[sflag:s3] =	ssyncset.done $0x0  }
0x3c: {  	s21 =	rddreg [dreg:$0x7];
	[sflag:s3] =	ssyncadd.s32 $0xFFFFFAB0  }
0x3d: {  	[hbm:s21], [sflag:s4] =	dma.local [spmem:s29], $0x550  }
0x3e: {  	_ =	swait.ge [sflag:s3], $0x550  }
0x3f: {  	[sflag:s3] =	ssyncset.done $0x0  }
0x40: {  	s22 =	rddreg [dreg:$0x8];
	[sflag:s3] =	ssyncadd.s32 $0xFFFFFAB0  }
0x41: {  	[hbm:s22], [sflag:s4] =	dma.local [spmem:s30], $0x550  }
0x42: {  	_ =	swait.ge [sflag:s3], $0x550  }
0x43: {  	[sflag:s3] =	ssyncset.done $0x0  }
0x44: {  	s23 =	rddreg [dreg:$0x9];
	[sflag:s3] =	ssyncadd.s32 $0xFFFFFAB0  }
0x45: {  	[hbm:s23], [sflag:s4] =	dma.local [spmem:s31], $0x550  }
0x46: {  	_ =	swait.ge [sflag:s3], $0x550  }
0x47: {  	[sflag:s3] =	ssyncset.done $0x0  }
0x48: {  	s24 =	rddreg [dreg:$0xa];
	[sflag:s3] =	ssyncadd.s32 $0xFFFFFAB0  }
0x49: {  	[hbm:s24], [sflag:s4] =	dma.local [spmem:s8], $0x550  }
0x4a: {  	_ =	swait.ge [sflag:s3], $0x550  }
0x4b: {  	[sflag:s3] =	ssyncset.done $0x0  }
0x4c: {  	s5 =	rddreg [dreg:$0xb];
	[sflag:s3] =	ssyncadd.s32 $0xFFFFFAB0  }
0x4d: {  	[hbm:s5], [sflag:s4] =	dma.local @!p0 [spmem:s0], $0x550  }
0x4e: {  	s4 =	simm.s32 @!p0 $0x5  }
0x4f: {  	_ =	swait.ge @!p0 [sflag:s4], $0x550  }
0x50: {  	s1 =	sadd.s32 $0x1, s1;
	s25 =	rddreg [dreg:$0xe]  }
0x51: {  	p1 =	sne.s32 s1, s25  }
.Ltmp1:
0x52: {  	_ = 	snop;
	(pc) =	sbr.rel @!p1 .LBB2_12-.Ltmp1, $3  }
0x53: {  	_ =	sdelay $0x1  }
0x54: {  	[sflag:s4] =	ssyncset.done @!p0 $0x0  }
0x55: {  	[sflag:s4] =	ssyncadd.s32 @!p0 $0xFFFFFAB0  }
.LBB2_1:
0x56: {  	s4 =	simm.s32 $0x0  }
0x57: {  	s5 =	simm.s32 $0x220;
	[tilespmem:s4+$0x19A98] =	vst v0  }
.LBB2_2:
0x58: {  	p1 =	sne.s32 s5, $0xA7E0;
	[tilespmem:s4+$0x19AA0] =	vst v0  }
0x59: {  	[tilespmem:s4+$0x19A28] =	vst v0  }
0x5a: {  	[tilespmem:s4+$0x19A38] =	vst v0  }
0x5b: {  	[tilespmem:s4+$0x19A48] =	vst v0  }
.Ltmp2:
0x5c: {  	[tilespmem:s4+$0x19A58] =	vst v0;
	(pc) =	sbr.rel @p1 .LBB2_2-.Ltmp2, $4  }
0x5d: {  	[tilespmem:s4+$0x19A68] =	vst v0  }
0x5e: {  	[tilespmem:s4+$0x19A78] =	vst v0  }
0x5f: {  	[tilespmem:s4+$0x19A88] =	vst v0;
	s4 =	sshra.s32 s5, $0x2  }
0x60: {  	s5 =	sadd.s32 $0x220, s5;
	[tilespmem:s4+$0x19A98] =	vst v0  }
0x61: {  	[tilespmem:s4+$0x19AA0] =	vst v0  }
0x62: {  	[tilespmem:s4+$0x19A28] =	vst v0  }
0x63: {  	[tilespmem:s4+$0x19A38] =	vst v0  }
0x64: {  	[tilespmem:s4+$0x19A48] =	vst v0  }
0x65: {  	[tilespmem:s4+$0x19A58] =	vst v0  }
0x66: {  	[tilespmem:s4+$0x19A68] =	vst v0  }
0x67: {  	[tilespmem:s4+$0x19A78] =	vst v0  }
0x68: {  	[tilespmem:s4+$0x19A88] =	vst v0  }
0x69: {  	s4 =	rddreg [dreg:$0xf]  }
0x6a: {  	[spmem:s4] =	stream.linear.scatter [tilespmem:s2], [sflag:$0x5], $0x2A80, $0x38;
	[tilespmem:$0x1F928] =	vst v63  }
0x6b: {  	_ =	swait.ge [sflag:s3], $0x2A80  }
0x6c: {  	[sflag:s3] =	ssyncset.done $0x0  }
0x6d: {  	s5 =	rddreg [dreg:$0x10];
	[sflag:s3] =	ssyncadd.s32 $0xFFFFD580  }
0x6e: {  	[spmem:s5] =	stream.linear.scatter [tilespmem:s2], [sflag:$0x5], $0x2A80, $0x38;
	[tilespmem:$0x1F928] =	vst v63  }
0x6f: {  	_ =	swait.ge [sflag:s3], $0x2A80  }
0x70: {  	[sflag:s3] =	ssyncset.done $0x0  }
0x71: {  	s18 =	rddreg [dreg:$0x11];
	[sflag:s3] =	ssyncadd.s32 $0xFFFFD580  }
0x72: {  	[spmem:s18] =	stream.linear.scatter [tilespmem:s2], [sflag:$0x5], $0x2A80, $0x38;
	[tilespmem:$0x1F928] =	vst v63  }
0x73: {  	_ =	swait.ge [sflag:s3], $0x2A80  }
0x74: {  	[sflag:s3] =	ssyncset.done $0x0  }
0x75: {  	s19 =	rddreg [dreg:$0x12];
	[sflag:s3] =	ssyncadd.s32 $0xFFFFD580  }
0x76: {  	[spmem:s19] =	stream.linear.scatter [tilespmem:s2], [sflag:$0x5], $0x2A80, $0x38;
	[tilespmem:$0x1F928] =	vst v63  }
0x77: {  	_ =	swait.ge [sflag:s3], $0x2A80  }
0x78: {  	[sflag:s3] =	ssyncset.done $0x0  }
0x79: {  	s20 =	rddreg [dreg:$0x13];
	[sflag:s3] =	ssyncadd.s32 $0xFFFFD580  }
0x7a: {  	[spmem:s20] =	stream.linear.scatter [tilespmem:s2], [sflag:$0x5], $0x2A80, $0x38;
	[tilespmem:$0x1F928] =	vst v63  }
0x7b: {  	_ =	swait.ge [sflag:s3], $0x2A80  }
0x7c: {  	[sflag:s3] =	ssyncset.done $0x0  }
0x7d: {  	s21 =	rddreg [dreg:$0x14];
	[sflag:s3] =	ssyncadd.s32 $0xFFFFD580  }
0x7e: {  	[spmem:s21] =	stream.linear.scatter [tilespmem:s2], [sflag:$0x5], $0x2A80, $0x38;
	[tilespmem:$0x1F928] =	vst v63  }
0x7f: {  	_ =	swait.ge [sflag:s3], $0x2A80  }
0x80: {  	[sflag:s3] =	ssyncset.done $0x0  }
0x81: {  	s22 =	rddreg [dreg:$0x15];
	[sflag:s3] =	ssyncadd.s32 $0xFFFFD580  }
0x82: {  	[spmem:s22] =	stream.linear.scatter [tilespmem:s2], [sflag:$0x5], $0x2A80, $0x38;
	[tilespmem:$0x1F928] =	vst v63  }
0x83: {  	_ =	swait.ge [sflag:s3], $0x2A80  }
0x84: {  	[sflag:s3] =	ssyncset.done $0x0  }
0x85: {  	s4 =	simm.s32 @!p0 $0x19A28;
	s5 =	rddreg [dreg:$0x16];
	[sflag:s3] =	ssyncadd.s32 $0xFFFFD580  }
0x86: {  	[spmem:s5] =	stream.linear.scatter @!p0 [tilespmem:s4], [sflag:$0x5], $0x2A80, $0x38;
	[tilespmem:$0x1F928] =	vst v63  }
0x87: {  	s4 =	simm.s32 @!p0 $0x5  }
0x88: {  	_ =	swait.ge @!p0 [sflag:s4], $0x2A80  }
0x89: {  	[sflag:s4] =	ssyncset.done @!p0 $0x0  }
0x8a: {  	[sflag:s4] =	ssyncadd.s32 @!p0 $0xFFFFD580  }
0x8b: {  	[bflag:$0x0] =	sbarrier.arrive $0xFFFF  }
0x8c: {  	s24 =	simm.s32 $0x14C08;
	s18 =	simm.s32 $0x0;
	s23 =	rddreg [dreg:$0xd]  }
0x8d: {  	[tilespmem:s24], [sflag:$0x5] =	stream.linear.gather [hbm4b:s23+s18], $0x2710, $0x38;
	[tilespmem:$0x1F928] =	vst v63  }
0x8e: {  	_ =	swait.ge [sflag:s3], $0x2710  }
0x8f: {  	[sflag:s3] =	ssyncset.done $0x0  }
0x90: {  	s19 =	simm.s32 $0x17318;
	s25 =	rddreg [dreg:$0xc];
	[sflag:s3] =	ssyncadd.s32 $0xFFFFD8F0  }
0x91: {  	[tilespmem:s19], [sflag:$0x5] =	stream.linear.gather [hbm4b:s25+s18], $0x2710, $0x38;
	[tilespmem:$0x1F928] =	vst v63  }
0x92: {  	_ =	swait.ge [sflag:s3], $0x2710  }
0x93: {  	[sflag:s3] =	ssyncset.done $0x0  }
.Ltmp3:
0x94: {  	[sflag:s3] =	ssyncadd.s32 $0xFFFFD8F0;
	(pc) =	sbr.rel .LBB2_4-.Ltmp3, $4  }
0x95: {  	[tilespmem:s2], [sflag:$0x1] =	stream.indirect.gather [hbm4b:s13+s6], $0x88, s24, s6, $0xb8;
	[tilespmem:$0x1F928] =	vst v63  }
0x96: {  	_ = 	snop  }
0x97: {  	[tilespmem:s7], [sflag:$0x2] =	stream.indirect.gather [hbm4b:s14+s6], $0x10, s19, s6, $0xb8;
	[tilespmem:$0x1F928] =	vst v63  }
0x98: {  	s19 =	simm.s32 $0x0  }
.LBB2_10:
0x99: {  	s19 =	sadd.s32 $0x1, s19  }
0x9a: {  	p1 =	sne.s32 s19, $0x3F  }
.Ltmp4:
0x9b: {  	_ = 	snop;
	(pc) =	sbr.rel @!p1 .LBB2_11-.Ltmp4, $1  }
0x9c: {  	_ =	sdelay $0x3  }
.LBB2_4:
0x9d: {  	_ =	swait.ge [sflag:s10], $0x2A80  }
0x9e: {  	s20 =	sshllo.u32 s19, $0x1;
	[sflag:s10] =	ssyncset.done $0x0  }
0x9f: {  	p1 =	sgt.u32 s20, $0x7C;
	[sflag:s10] =	ssyncadd.s32 $0xFFFFD580  }
0xa0: {  	s4 =	smul.u32 @!p1 $0x50, s20;
	_ =	swait.ge [sflag:s11], $0x500  }
0xa1: {  	s21 =	simm.s32 @!p1 $0x50;
	[sflag:s11] =	ssyncset.done $0x0  }
0xa2: {  	s22 =	simm.s32 @!p1 $0x1C4A8;
	s5 =	sadd.s32 @!p1 $0x14C08, s4;
	[sflag:s11] =	ssyncadd.s32 $0xFFFFFB00  }
0xa3: {  	[tilespmem:s22], [sflag:$0x3] =	stream.indirect.gather @!p1 [hbm4b:s13+s21], $0x88, s5, s21, $0xb8;
	[tilespmem:$0x1F928] =	vst v63  }
0xa4: {  	s4 =	sadd.s32 @!p1 $0x17318, s4;
	s5 =	simm.s32 @!p1 $0x1F428  }
0xa5: {  	[tilespmem:s5], [sflag:$0x4] =	stream.indirect.gather @!p1 [hbm4b:s14+s21], $0x10, s4, s21, $0xb8;
	[tilespmem:$0x1F928] =	vst v63  }
0xa6: {  	s21 =	simm.s32 $0x19B38  }
0xa7: {  	s24 =	simm.s32 $0x1EF48;
	v10 =	vld [tilespmem:s21+$0x100]  }
0xa8: {  	v11 =	vld [tilespmem:s24+$0x10];
	_ =	sdelay $0x3  }
0xa9: {  	v12 =	vld [tilespmem:s24+$0xFFFFFFE0]  }
0xaa: {  	v10 =	vadd.f32 v11, v10;
	v11 =	vld [tilespmem:s21+$0xFFFFFF68];
	_ =	sdelay $0x1  }
0xab: {  	v13 =	vmul.f32 $2.000000030e-01, v10  }
0xac: {  	v14 =	vld [tilespmem:s21+$0xFFFFFFF0];
	vm1 =	vgt.f32 v10, $0.0e+00  }
0xad: {  	v15 =	vld [tilespmem:s21+$0x78];
	v10 =	vsel vm1, v10, v13  }
0xae: {  	v13 =	vld [tilespmem:s24+$0xFFFFFFF0];
	v10 =	vmul.f32 $1.442695020e+00, v10;
	v11 =	vadd.f32 v12, v11  }
0xaf: {  	s25 =	simm.s32 $0x3;
	v12 =	vld [tilespmem:s24+$0x0]  }
0xb0: {  	v16 =	vmov s25;
	(erf) = vpow2.f32 v10;
	v10 =	vmul.f32 $2.000000030e-01, v11  }
0xb1: {  	v16 =	vmul.u32 $0x88, v16;
	vm1 =	vgt.f32 v11, $0.0e+00  }
0xb2: {  	v10 =	vsel vm1, v11, v10  }
0xb3: {  	v11 =	vbroadcast v16, $0x0;
	v16 =	vmov s18;
	v13 =	vadd.f32 v13, v14  }
0xb4: {  	s22 =	simm.s32 $0x1;
	v10 =	vmul.f32 $1.442695020e+00, v10;
	v14 =	vmul.u32 $0x88, v16;
	v12 =	vadd.f32 v12, v15  }
0xb5: {  	v15 =	vmov s22;
	v11 =	vadd.s32 v1, v11;
	v16 =	vmul.f32 $2.000000030e-01, v13  }
0xb6: {  	vm1 =	vgt.f32 v13, $0.0e+00;
	(erf) = vpow2.f32 v10;
	v17 =	vmul.f32 $2.000000030e-01, v12  }
0xb7: {  	s23 =	simm.s32 $0x2;
	s4 =	simm.s32 $0x19D58;
	v15 =	vmul.u32 $0x88, v15;
	v13 =	vsel vm1, v13, v16;
	vm1 =	vgt.f32 v12, $0.0e+00  }
0xb8: {  	v63 =	vld [tilespmem:s4+$0xFFFFFFF0];
	v10 =	vmov s23;
	v12 =	vsel vm1, v12, v17;
	v13 =	vmul.f32 $1.442695020e+00, v13  }
0xb9: {  	v62 =	vld [tilespmem:s4+$0x78];
	s24 =	simm.s32 $0x1EF88;
	v14 =	vbroadcast v14, $0x0;
	v10 =	vmul.u32 $0x88, v10;
	v12 =	vmul.f32 $1.442695020e+00, v12;
	v16 =	vpop (erf)  }
0xba: {  	v61 =	vld [tilespmem:s24+$0xFFFFFFF0];
	v15 =	vbroadcast v15, $0x0;
	(erf) = vpow2.f32 v13;
	[tilespmem:v11+s2+$0x0] =	vst.idx.msk vm0, v16  }
0xbb: {  	v20 =	vbroadcast v10, $0x0;
	v13 =	vadd.s32 v1, v14;
	(erf) = vpow2.f32 v12;
	v14 =	vld [tilespmem:s21+$0xF8]  }
0xbc: {  	v21 =	vperm.xlane v16, v2;
	v22 =	vperm.xlane v16, v3;
	v12 =	vld [tilespmem:s21+$0x88]  }
0xbd: {  	v24 =	vperm.xlane v16, v4;
	v25 =	vperm.xlane v16, v5;
	v23 =	vld [tilespmem:s21+$0x98]  }
0xbe: {  	v27 =	vperm.xlane v16, v6;
	v17 =	vperm.xlane v16, v9;
	v26 =	vld [tilespmem:s21+$0xA8]  }
0xbf: {  	v11 =	vperm.xlane v16, v7;
	v10 =	vperm.xlane v16, v8;
	v28 =	vld [tilespmem:s21+$0xB8];
	v18 =	vpop (erf)  }
0xc0: {  	[tilespmem:v13+s2+$0x0] =	vst.idx.msk vm0, v18;
	v13 =	vld [tilespmem:s21+$0xC8];
	v29 =	vperm.xlane v18, v2;
	v30 =	vperm.xlane v18, v3  }
0xc1: {  	v31 =	vperm.xlane v18, v4;
	v14 =	vmul.f32 v14, v17;
	v17 =	vld [tilespmem:s21+$0xFFFFFEF0]  }
0xc2: {  	v33 =	vperm.xlane v18, v5;
	v34 =	vperm.xlane v18, v6;
	v32 =	vld [tilespmem:s21+$0xFFFFFF00]  }
0xc3: {  	v36 =	vperm.xlane v18, v7;
	v37 =	vperm.xlane v18, v8;
	v35 =	vld [tilespmem:s21+$0xFFFFFF10]  }
0xc4: {  	v15 =	vadd.s32 v1, v15;
	v39 =	vperm.xlane v18, v9;
	v38 =	vld [tilespmem:s21+$0xFFFFFF20];
	v12 =	vmul.f32 v12, v21  }
0xc5: {  	v41 =	vld [tilespmem:s21+$0xFFFFFF30];
	v21 =	vmul.f32 v23, v22;
	v24 =	vmul.f32 v26, v24;
	v16 =	vpop (erf)  }
0xc6: {  	v44 =	vld [tilespmem:s21+$0xFFFFFF40];
	v25 =	vmul.f32 v28, v25;
	v40 =	vperm.xlane v16, v2  }
0xc7: {  	v47 =	vld [tilespmem:s21+$0xFFFFFF50];
	v42 =	vperm.xlane v16, v3;
	v43 =	vperm.xlane v16, v4  }
0xc8: {  	v50 =	vld [tilespmem:s21+$0xFFFFFF60];
	v45 =	vperm.xlane v16, v5;
	v46 =	vperm.xlane v16, v6  }
0xc9: {  	v22 =	vld [tilespmem:s24+$0x0];
	[tilespmem:v15+s2+$0x0] =	vst.idx.msk vm0, v16;
	v15 =	vpop (erf);
	v48 =	vperm.xlane v16, v7;
	v49 =	vperm.xlane v16, v8  }
0xca: {  	v26 =	vld [tilespmem:s4+$0xFFFFFF68];
	v51 =	vperm.xlane v16, v9;
	v52 =	vperm.xlane v15, v2  }
0xcb: {  	v53 =	vld [tilespmem:s21+$0xFFFFFF78];
	v54 =	vperm.xlane v15, v3;
	v55 =	vperm.xlane v15, v4  }
0xcc: {  	v20 =	vadd.s32 v1, v20;
	v56 =	vld [tilespmem:s21+$0xFFFFFF88];
	v57 =	vperm.xlane v15, v5;
	v19 =	vperm.xlane v15, v6  }
0xcd: {  	v18 =	vperm.xlane v15, v7;
	v30 =	vmul.f32 v32, v30;
	v32 =	vld [tilespmem:s4+$0x100]  }
0xce: {  	v16 =	vperm.xlane v15, v8;
	v31 =	vmul.f32 v35, v31;
	v35 =	vld [tilespmem:s24+$0x10]  }
0xcf: {  	s23 =	simm.s32 $0x5;
	v58 =	vld [tilespmem:s21+$0xFFFFFF98];
	v13 =	vmul.f32 v13, v27;
	v29 =	vmul.f32 v17, v29  }
0xd0: {  	[tilespmem:s21+$0xF8] =	vst v14;
	v14 =	vmov s23;
	v59 =	vld [tilespmem:s21+$0xFFFFFFA8];
	v17 =	vperm.xlane v15, v9;
	v33 =	vmul.f32 v38, v33  }
0xd1: {  	v14 =	vmul.u32 $0x88, v14;
	v60 =	vld [tilespmem:s21+$0xFFFFFFB8];
	[tilespmem:v20+s2+$0x0] =	vst.idx.msk vm0, v15;
	v34 =	vmul.f32 v41, v34;
	v36 =	vmul.f32 v44, v36  }
0xd2: {  	v37 =	vmul.f32 v47, v37;
	v38 =	vld [tilespmem:s24+$0xFFFFFFE0];
	v39 =	vmul.f32 v50, v39;
	s24 =	simm.s32 $0x6;
	v22 =	vadd.f32 v22, v62  }
0xd3: {  	v27 =	vld [tilespmem:s21+$0xFFFFFFC8];
	v28 =	vmov s24;
	[tilespmem:s21+$0xFFFFFEF0] =	vst v29;
	v29 =	vadd.f32 v61, v63;
	v23 =	vadd.f32 v35, v32  }
0xd4: {  	s25 =	simm.s32 $0x4;
	v20 =	vld [tilespmem:s21+$0xFFFFFFD8];
	v15 =	vmul.u32 $0x88, v28;
	[tilespmem:s21+$0xFFFFFF10] =	vst v31;
	v31 =	vmul.f32 $2.000000030e-01, v22;
	v40 =	vmul.f32 v53, v40  }
0xd5: {  	[tilespmem:s21+$0x98] =	vst v21;
	v53 =	vmov s25;
	v42 =	vmul.f32 v56, v42;
	v32 =	vmul.f32 $2.000000030e-01, v23  }
0xd6: {  	[tilespmem:s21+$0xA8] =	vst v24;
	v21 =	vld [tilespmem:s21+$0x40];
	v43 =	vmul.f32 v58, v43;
	v45 =	vmul.f32 v59, v45;
	vm1 =	vgt.f32 v23, $0.0e+00  }
0xd7: {  	v24 =	vld [tilespmem:s21+$0x50];
	v46 =	vmul.f32 v60, v46;
	[tilespmem:s21+$0xFFFFFF78] =	vst v40;
	v40 =	vbroadcast v14, $0x0;
	v14 =	vsel vm1, v23, v32  }
0xd8: {  	[tilespmem:s21+$0xFFFFFF00] =	vst v30;
	v30 =	vbroadcast v15, $0x0;
	v26 =	vadd.f32 v38, v26;
	v14 =	vmul.f32 $1.442695020e+00, v14  }
0xd9: {  	v28 =	vld [tilespmem:s21+$0xFFFFFFE8];
	s25 =	simm.s32 $0x7;
	v56 =	vmul.f32 v27, v48;
	v20 =	vmul.f32 v20, v49;
	v44 =	vmul.u32 $0x88, v53  }
0xda: {  	[tilespmem:s21+$0x88] =	vst v12;
	v12 =	vld [tilespmem:s21+$0x30];
	v15 =	vmov s25;
	v50 =	vmul.f32 $2.000000030e-01, v26;
	(erf) = vpow2.f32 v14  }
0xdb: {  	v61 =	vld [tilespmem:s21+$0x70];
	v19 =	vmul.f32 v21, v19;
	v15 =	vmul.u32 $0x88, v15;
	vm2 =	vgt.f32 v26, $0.0e+00  }
0xdc: {  	[tilespmem:s21+$0xB8] =	vst v25;
	v59 =	vld [tilespmem:s21+$0x60];
	v18 =	vmul.f32 v24, v18;
	v23 =	vmul.f32 $2.000000030e-01, v29;
	v26 =	vsel vm2, v26, v50  }
0xdd: {  	[tilespmem:s21+$0xC8] =	vst v13;
	v53 =	vld [tilespmem:s21+$0x10];
	v15 =	vbroadcast v15, $0x0;
	vm1 =	vgt.f32 v29, $0.0e+00;
	v26 =	vmul.f32 $1.442695020e+00, v26  }
0xde: {  	[tilespmem:s21+$0xFFFFFF20] =	vst v33;
	v63 =	vbroadcast v44, $0x0;
	v58 =	vmul.f32 v28, v51;
	v23 =	vsel vm1, v29, v23;
	v29 =	vld [tilespmem:s21+$0x20]  }
0xdf: {  	[tilespmem:s21+$0xFFFFFF30] =	vst v34;
	v27 =	vadd.s32 v1, v15;
	vm1 =	vgt.f32 v22, $0.0e+00;
	v14 =	vld [tilespmem:s21+$0x0];
	(erf) = vpow2.f32 v26  }
0xe0: {  	[tilespmem:s21+$0xFFFFFF40] =	vst v36;
	v49 =	vmul.f32 v61, v17;
	v22 =	vsel vm1, v22, v31;
	v23 =	vmul.f32 $1.442695020e+00, v23  }
0xe1: {  	s22 =	simm.s32 $0x19F78;
	[tilespmem:s21+$0xFFFFFF50] =	vst v37;
	v44 =	vmul.f32 v12, v57;
	v22 =	vmul.f32 $1.442695020e+00, v22  }
0xe2: {  	v47 =	vmul.f32 v59, v16;
	[tilespmem:s21+$0x70] =	vst v49;
	v49 =	vld [tilespmem:s22+$0x100];
	(erf) = vpow2.f32 v23  }
0xe3: {  	[tilespmem:s21+$0xFFFFFF60] =	vst v39;
	v35 =	vadd.s32 v1, v63;
	v15 =	vld [tilespmem:s21+$0xD8];
	(erf) = vpow2.f32 v22;
	v22 =	vmul.f32 v53, v54;
	v62 =	vpop (erf)  }
0xe4: {  	v29 =	vmul.f32 v29, v55;
	v60 =	vmul.f32 v14, v52;
	v14 =	vld [tilespmem:s21+$0xE8];
	[tilespmem:v27+s2+$0x0] =	vst.idx.msk vm0, v62  }
0xe5: {  	[tilespmem:s21+$0xFFFFFF88] =	vst v42;
	v28 =	vperm.xlane v62, v2;
	v27 =	vperm.xlane v62, v3;
	v63 =	vld [tilespmem:s4+$0xF8]  }
0xe6: {  	[tilespmem:s21+$0xFFFFFF98] =	vst v43;
	v25 =	vperm.xlane v62, v4;
	v26 =	vperm.xlane v62, v5;
	v31 =	vld [tilespmem:s4+$0x88]  }
0xe7: {  	[tilespmem:s21+$0xFFFFFFA8] =	vst v45;
	v23 =	vperm.xlane v62, v6;
	v13 =	vperm.xlane v62, v7;
	v32 =	vld [tilespmem:s4+$0x98]  }
0xe8: {  	[tilespmem:s21+$0xFFFFFFB8] =	vst v46;
	v12 =	vperm.xlane v62, v8;
	v21 =	vperm.xlane v62, v9;
	v24 =	vpop (erf);
	v33 =	vld [tilespmem:s4+$0xA8]  }
0xe9: {  	v34 =	vld [tilespmem:s4+$0xB8];
	[tilespmem:v35+s2+$0x0] =	vst.idx.msk vm0, v24;
	v17 =	vperm.xlane v24, v2;
	v51 =	vperm.xlane v24, v3  }
0xea: {  	[tilespmem:s21+$0xFFFFFFC8] =	vst v56;
	v52 =	vperm.xlane v24, v4;
	v55 =	vperm.xlane v24, v5;
	v50 =	vld [tilespmem:s4+$0xFFFFFEF0]  }
0xeb: {  	[tilespmem:s21+$0xFFFFFFD8] =	vst v20;
	v56 =	vperm.xlane v24, v6;
	v57 =	vperm.xlane v24, v7;
	v53 =	vld [tilespmem:s4+$0xFFFFFF00]  }
0xec: {  	v20 =	vadd.s32 v1, v40;
	[tilespmem:s21+$0xFFFFFFE8] =	vst v58;
	v58 =	vperm.xlane v24, v8;
	v54 =	vld [tilespmem:s4+$0xFFFFFF10];
	v16 =	vmul.f32 v63, v21;
	v21 =	vpop (erf)  }
0xed: {  	[tilespmem:s21+$0x40] =	vst v19;
	v37 =	vperm.xlane v24, v9;
	v59 =	vld [tilespmem:s4+$0xFFFFFF20];
	v42 =	vperm.xlane v21, v2  }
0xee: {  	[tilespmem:s21+$0x0] =	vst v60;
	v60 =	vld [tilespmem:s4+$0xFFFFFF30];
	v41 =	vperm.xlane v21, v3;
	v40 =	vperm.xlane v21, v4  }
0xef: {  	v45 =	vadd.s32 v1, v30;
	[tilespmem:s21+$0x50] =	vst v18;
	v61 =	vld [tilespmem:s4+$0xFFFFFF40];
	v38 =	vperm.xlane v21, v5;
	v39 =	vperm.xlane v21, v6  }
0xf0: {  	[tilespmem:s21+$0x20] =	vst v29;
	v43 =	vld [tilespmem:s4+$0xFFFFFF60];
	v36 =	vperm.xlane v21, v7;
	v30 =	vperm.xlane v21, v8  }
0xf1: {  	v63 =	vld [tilespmem:s4+$0xFFFFFF50];
	[tilespmem:v20+s2+$0x0] =	vst.idx.msk vm0, v21;
	v29 =	vperm.xlane v21, v9;
	v50 =	vmul.f32 v50, v17  }
0xf2: {  	[tilespmem:s21+$0x30] =	vst v44;
	v53 =	vmul.f32 v53, v51;
	v54 =	vmul.f32 v54, v52;
	v48 =	vld [tilespmem:s4+$0xFFFFFF78]  }
0xf3: {  	[tilespmem:s21+$0x10] =	vst v22;
	v62 =	vpop (erf);
	v55 =	vmul.f32 v59, v55;
	v52 =	vmul.f32 v60, v56;
	v46 =	vld [tilespmem:s4+$0xFFFFFF88]  }
0xf4: {  	v24 =	vperm.xlane v62, v2;
	v22 =	vperm.xlane v62, v3;
	[tilespmem:v45+s2+$0x0] =	vst.idx.msk vm0, v62;
	v45 =	vld [tilespmem:s4+$0xFFFFFF98]  }
0xf5: {  	[tilespmem:s21+$0x60] =	vst v47;
	v20 =	vperm.xlane v62, v4;
	v21 =	vperm.xlane v62, v5;
	v44 =	vld [tilespmem:s4+$0xFFFFFFA8]  }
0xf6: {  	[tilespmem:s4+$0xF8] =	vst v16;
	v19 =	vperm.xlane v62, v6;
	v18 =	vperm.xlane v62, v7;
	v47 =	vld [tilespmem:s4+$0xFFFFFFB8]  }
0xf7: {  	s23 =	simm.s32 $0x1EFC8;
	v35 =	vld [tilespmem:s4+$0xC8];
	v16 =	vperm.xlane v62, v8;
	v17 =	vperm.xlane v62, v9;
	[tilespmem:s4+$0xFFFFFEF0] =	vst v50  }
0xf8: {  	s5 =	simm.s32 $0x8;
	s24 =	simm.s32 $0xC;
	v51 =	vld [tilespmem:s23+$0x10];
	[tilespmem:s4+$0xFFFFFF00] =	vst v53;
	v53 =	vmul.f32 v61, v57;
	v50 =	vmul.f32 v63, v58  }
.LBB2_5:
0xf9: {  	p2 =	slt.u32 s24, $0x4C;
	v56 =	vld [tilespmem:s23+$0xFFFFFFE0];
	[tilespmem:s4+$0xFFFFFF10] =	vst v54;
	v37 =	vmul.f32 v43, v37;
	v42 =	vmul.f32 v48, v42  }
0xfa: {  	v43 =	vmov s5;
	v41 =	vmul.f32 v46, v41;
	v40 =	vmul.f32 v45, v40;
	v48 =	vld [tilespmem:s22+$0xFFFFFFF0];
	[tilespmem:s4+$0xFFFFFF20] =	vst v55  }
0xfb: {  	s25 =	sadd.s32 $0x1, s5;
	v43 =	vmul.u32 $0x88, v43;
	v38 =	vmul.f32 v44, v38;
	v45 =	vld [tilespmem:s23+$0xFFFFFFF0];
	[tilespmem:s4+$0xFFFFFF30] =	vst v52;
	v39 =	vmul.f32 v47, v39  }
0xfc: {  	v28 =	vmul.f32 v31, v28;
	v27 =	vmul.f32 v32, v27;
	v44 =	vmov s25;
	v46 =	vld [tilespmem:s22+$0x78];
	[tilespmem:s4+$0xFFFFFF40] =	vst v53  }
0xfd: {  	v25 =	vmul.f32 v33, v25;
	v26 =	vmul.f32 v34, v26;
	s25 =	sadd.s32 $0x2, s5;
	v31 =	vld [tilespmem:s23+$0x0];
	v32 =	vadd.f32 v51, v49;
	[tilespmem:s4+$0xFFFFFF50] =	vst v50  }
0xfe: {  	v23 =	vmul.f32 v35, v23;
	v35 =	vmul.f32 v15, v11;
	v11 =	vmovc v13;
	v34 =	vmov s25;
	v33 =	vld [tilespmem:s22+$0xFFFFFF68];
	[tilespmem:s4+$0xFFFFFF60] =	vst v37  }
0xff: {  	v13 =	vmul.u32 $0x88, v44;
	v15 =	vmul.f32 $2.000000030e-01, v32;
	[tilespmem:s4+$0xFFFFFF78] =	vst v42;
	v37 =	vld [tilespmem:s4+$0xFFFFFFC8];
	v42 =	vmul.f32 v14, v10;
	v10 =	vmovc v12  }
0x100: {  	v14 =	vmul.u32 $0x88, v34;
	vm1 =	vgt.f32 v32, $0.0e+00;
	v12 =	vadd.f32 v45, v48;
	[tilespmem:s4+$0xFFFFFF88] =	vst v41;
	v34 =	vld [tilespmem:s4+$0xFFFFFFD8]  }
0x101: {  	v13 =	vbroadcast v13, $0x0;
	v41 =	vbroadcast v43, $0x0;
	v15 =	vsel vm1, v32, v15;
	[tilespmem:s4+$0xFFFFFF98] =	vst v40;
	v32 =	vld [tilespmem:s4+$0xFFFFFFE8]  }
0x102: {  	v40 =	vmul.f32 $2.000000030e-01, v12;
	v31 =	vadd.f32 v31, v46;
	v15 =	vmul.f32 $1.442695020e+00, v15;
	[tilespmem:s4+$0xFFFFFFA8] =	vst v38;
	v38 =	vld [tilespmem:s4+$0x0]  }
0x103: {  	s25 =	sadd.s32 $0x3, s5;
	s5 =	smov.u32 s24;
	v43 =	vbroadcast v14, $0x0;
	vm1 =	vgt.f32 v12, $0.0e+00;
	v33 =	vadd.f32 v56, v33;
	[tilespmem:s4+$0xFFFFFFB8] =	vst v39;
	v39 =	vld [tilespmem:s4+$0x10]  }
0x104: {  	v44 =	vmov s25;
	v14 =	vmul.f32 $2.000000030e-01, v31;
	(erf) = vpow2.f32 v15;
	v45 =	vld [tilespmem:s4+$0x20];
	[tilespmem:s4+$0x88] =	vst v28  }
0x105: {  	v28 =	vmul.u32 $0x88, v44;
	vm2 =	vgt.f32 v33, $0.0e+00;
	v15 =	vmul.f32 $2.000000030e-01, v33;
	v44 =	vld [tilespmem:s4+$0x30];
	[tilespmem:s4+$0x98] =	vst v27  }
0x106: {  	v12 =	vsel vm1, v12, v40;
	vm1 =	vgt.f32 v31, $0.0e+00;
	v27 =	vmul.f32 v37, v36;
	v36 =	vld [tilespmem:s4+$0x40];
	[tilespmem:s4+$0xA8] =	vst v25  }
0x107: {  	v14 =	vsel vm1, v31, v14;
	v25 =	vbroadcast v28, $0x0;
	v15 =	vsel vm2, v33, v15;
	v37 =	vld [tilespmem:s4+$0x50];
	[tilespmem:s4+$0xB8] =	vst v26  }
0x108: {  	v12 =	vmul.f32 $1.442695020e+00, v12;
	v15 =	vmul.f32 $1.442695020e+00, v15;
	[tilespmem:s4+$0xFFFFFFC8] =	vst v27;
	v40 =	vld [tilespmem:s4+$0x60]  }
0x109: {  	v26 =	vmul.f32 $1.442695020e+00, v14;
	v14 =	vmul.f32 v34, v30;
	v25 =	vadd.s32 v1, v25;
	v30 =	vld [tilespmem:s4+$0x70];
	[tilespmem:s4+$0xC8] =	vst v23  }
0x10a: {  	v23 =	vmul.f32 v32, v29;
	(erf) = vpow2.f32 v15;
	v15 =	vld [tilespmem:s4+$0xD8];
	[tilespmem:s21+$0xD8] =	vst v35  }
0x10b: {  	(erf) = vpow2.f32 v12;
	[tilespmem:s4+$0xFFFFFFD8] =	vst v14;
	v12 =	vmul.f32 v38, v24;
	v14 =	vld [tilespmem:s4+$0xE8]  }
0x10c: {  	v22 =	vmul.f32 v39, v22;
	(erf) = vpow2.f32 v26;
	[tilespmem:s4+$0xFFFFFFE8] =	vst v23  }
0x10d: {  	v24 =	vpop (erf);
	[tilespmem:s4+$0x0] =	vst v12;
	v12 =	vmul.f32 v45, v20;
	v20 =	vmul.f32 v44, v21  }
0x10e: {  	[tilespmem:v25+s2+$0x0] =	vst.idx.msk vm0, v24;
	v28 =	vperm.xlane v24, v2;
	v27 =	vperm.xlane v24, v3  }
0x10f: {  	v21 =	vadd.s32 v1, v41;
	v25 =	vperm.xlane v24, v4;
	v26 =	vperm.xlane v24, v5;
	v29 =	vld [tilespmem:s22+$0xF8];
	[tilespmem:s4+$0x10] =	vst v22  }
0x110: {  	v23 =	vperm.xlane v24, v6;
	v22 =	vadd.s32 v1, v13;
	v13 =	vperm.xlane v24, v7;
	v31 =	vld [tilespmem:s22+$0x88];
	[tilespmem:s4+$0x20] =	vst v12  }
0x111: {  	v19 =	vmul.f32 v36, v19;
	v12 =	vperm.xlane v24, v8;
	v32 =	vld [tilespmem:s22+$0x98];
	[tilespmem:s4+$0x30] =	vst v20  }
0x112: {  	v18 =	vmul.f32 v37, v18;
	v24 =	vperm.xlane v24, v9;
	v20 =	vadd.s32 v1, v43;
	v33 =	vld [tilespmem:s22+$0xA8];
	[tilespmem:s21+$0xE8] =	vst v42;
	s21 =	smov.u32 s4;
	s4 =	smov.u32 s22  }
0x113: {  	v16 =	vmul.f32 v40, v16;
	v17 =	vmul.f32 v30, v17;
	v34 =	vld [tilespmem:s22+$0xB8];
	v36 =	vpop (erf);
	[tilespmem:s21+$0x40] =	vst v19  }
0x114: {  	[tilespmem:v21+s2+$0x0] =	vst.idx.msk vm0, v36;
	v44 =	vperm.xlane v36, v2;
	v35 =	vld [tilespmem:s22+$0xC8];
	v19 =	vmul.f32 v29, v24;
	v21 =	vpop (erf)  }
0x115: {  	v49 =	vperm.xlane v36, v3;
	v50 =	vperm.xlane v36, v4;
	v47 =	vld [tilespmem:s22+$0xFFFFFEF0];
	[tilespmem:v22+s2+$0x0] =	vst.idx.msk vm0, v21;
	v51 =	vpop (erf)  }
0x116: {  	v53 =	vperm.xlane v36, v5;
	v56 =	vperm.xlane v36, v6;
	v52 =	vld [tilespmem:s22+$0xFFFFFF00];
	[tilespmem:s22+$0xF8] =	vst v19  }
0x117: {  	v57 =	vperm.xlane v36, v7;
	v58 =	vperm.xlane v36, v8;
	v54 =	vld [tilespmem:s22+$0xFFFFFF10];
	[tilespmem:v20+s2+$0x0] =	vst.idx.msk vm0, v51  }
0x118: {  	v37 =	vperm.xlane v36, v9;
	v42 =	vperm.xlane v21, v2;
	v55 =	vld [tilespmem:s22+$0xFFFFFF20];
	[tilespmem:s21+$0x50] =	vst v18  }
0x119: {  	v41 =	vperm.xlane v21, v3;
	v40 =	vperm.xlane v21, v4;
	v59 =	vld [tilespmem:s22+$0xFFFFFF30];
	[tilespmem:s21+$0x60] =	vst v16  }
0x11a: {  	v38 =	vperm.xlane v21, v5;
	v39 =	vperm.xlane v21, v6;
	v60 =	vld [tilespmem:s22+$0xFFFFFF40];
	[tilespmem:s21+$0x70] =	vst v17  }
0x11b: {  	v36 =	vperm.xlane v21, v7;
	v30 =	vperm.xlane v21, v8;
	v61 =	vld [tilespmem:s22+$0xFFFFFF50]  }
0x11c: {  	v29 =	vperm.xlane v21, v9;
	v24 =	vperm.xlane v51, v2;
	v43 =	vld [tilespmem:s22+$0xFFFFFF60]  }
0x11d: {  	v22 =	vperm.xlane v51, v3;
	v20 =	vperm.xlane v51, v4;
	v48 =	vld [tilespmem:s22+$0xFFFFFF78]  }
0x11e: {  	v21 =	vperm.xlane v51, v5;
	v19 =	vperm.xlane v51, v6;
	v46 =	vld [tilespmem:s22+$0xFFFFFF88]  }
.Ltmp5:
0x11f: {  	v18 =	vperm.xlane v51, v7;
	v16 =	vperm.xlane v51, v8;
	v45 =	vld [tilespmem:s22+$0xFFFFFF98];
	(pc) =	sbr.rel @p2 .LBB2_5-.Ltmp5, $4  }
0x120: {  	v62 =	vmul.f32 v47, v44;
	v17 =	vperm.xlane v51, v9;
	v44 =	vld [tilespmem:s22+$0xFFFFFFA8]  }
0x121: {  	v63 =	vmul.f32 v52, v49;
	v54 =	vmul.f32 v54, v50;
	s22 =	sadd.s32 $0x220, s22;
	v47 =	vld [tilespmem:s4+$0xFFFFFFB8]  }
0x122: {  	s23 =	sadd.s32 $0x40, s23;
	v55 =	vmul.f32 v55, v53;
	v52 =	vmul.f32 v59, v56;
	v49 =	vld [tilespmem:s22+$0x100];
	[tilespmem:s4+$0xFFFFFEF0] =	vst v62  }
0x123: {  	s24 =	sadd.s32 $0x4, s24;
	v53 =	vmul.f32 v60, v57;
	v50 =	vmul.f32 v61, v58;
	v51 =	vld [tilespmem:s23+$0x10];
	[tilespmem:s4+$0xFFFFFF00] =	vst v63  }
0x124: {  	[tilespmem:s4+$0xFFFFFF10] =	vst v54  }
0x125: {  	[tilespmem:s4+$0xFFFFFF20] =	vst v55  }
0x126: {  	[tilespmem:s4+$0xFFFFFF30] =	vst v52  }
0x127: {  	v42 =	vmul.f32 v48, v42;
	[tilespmem:s4+$0xFFFFFF40] =	vst v53  }
0x128: {  	v56 =	vld [tilespmem:s23+$0xFFFFFFE0];
	v41 =	vmul.f32 v46, v41;
	[tilespmem:s4+$0xFFFFFF50] =	vst v50  }
0x129: {  	v48 =	vld [tilespmem:s22+$0xFFFFFFF0];
	v40 =	vmul.f32 v45, v40;
	[tilespmem:s4+$0xFFFFFF78] =	vst v42  }
0x12a: {  	v61 =	vld [tilespmem:s22+$0xFFFFFF68];
	v37 =	vmul.f32 v43, v37;
	[tilespmem:s4+$0xFFFFFF88] =	vst v41;
	v49 =	vadd.f32 v51, v49  }
0x12b: {  	v46 =	vld [tilespmem:s23+$0xFFFFFFF0];
	v28 =	vmul.f32 v31, v28;
	[tilespmem:s4+$0xFFFFFF98] =	vst v40  }
0x12c: {  	v55 =	vld [tilespmem:s22+$0x78];
	v27 =	vmul.f32 v32, v27;
	[tilespmem:s4+$0xFFFFFF60] =	vst v37;
	v62 =	vmul.f32 $2.000000030e-01, v49  }
0x12d: {  	v59 =	vld [tilespmem:s23+$0x0];
	v25 =	vmul.f32 v33, v25;
	[tilespmem:s4+$0x88] =	vst v28;
	vm1 =	vgt.f32 v49, $0.0e+00  }
0x12e: {  	v63 =	vmov s5;
	v31 =	vld [tilespmem:s4+$0xFFFFFFE8];
	v26 =	vmul.f32 v34, v26;
	[tilespmem:s4+$0x98] =	vst v27;
	v57 =	vsel vm1, v49, v62  }
0x12f: {  	v34 =	vld [tilespmem:s4+$0x0];
	v23 =	vmul.f32 v35, v23;
	[tilespmem:s4+$0xA8] =	vst v25;
	v60 =	vadd.f32 v56, v61;
	v41 =	vmul.f32 $1.442695020e+00, v57  }
0x130: {  	s24 =	sadd.s32 $0x3, s5;
	v54 =	vld [tilespmem:s4+$0x30];
	v11 =	vmul.f32 v15, v11;
	v10 =	vmul.f32 v14, v10;
	v58 =	vmul.u32 $0x88, v63;
	[tilespmem:s4+$0xB8] =	vst v26  }
0x131: {  	[tilespmem:s4+$0xC8] =	vst v23;
	v61 =	vmov s24;
	v62 =	vmul.f32 $2.000000030e-01, v60;
	(erf) = vpow2.f32 v41  }
0x132: {  	v38 =	vmul.f32 v44, v38;
	v42 =	vld [tilespmem:s4+$0xFFFFFFC8];
	[tilespmem:s21+$0xD8] =	vst v11;
	v37 =	vmul.u32 $0x88, v61;
	vm1 =	vgt.f32 v60, $0.0e+00  }
0x133: {  	v39 =	vmul.f32 v47, v39;
	v47 =	vld [tilespmem:s4+$0x10];
	[tilespmem:s21+$0xE8] =	vst v10;
	v29 =	vmul.f32 v31, v29;
	v40 =	vsel vm1, v60, v62  }
0x134: {  	[tilespmem:s4+$0xFFFFFFA8] =	vst v38;
	v63 =	vadd.f32 v46, v48;
	v41 =	vbroadcast v37, $0x0;
	v48 =	vmul.f32 $1.442695020e+00, v40  }
0x135: {  	[tilespmem:s4+$0xFFFFFFB8] =	vst v39;
	v51 =	vld [tilespmem:s4+$0x20];
	v46 =	vadd.f32 v59, v55;
	v24 =	vmul.f32 v34, v24;
	v21 =	vmul.f32 v54, v21  }
0x136: {  	s25 =	sadd.s32 $0x1, s5;
	v56 =	vld [tilespmem:s4+$0x40];
	v50 =	vmul.f32 $2.000000030e-01, v63;
	[tilespmem:s4+$0xFFFFFFE8] =	vst v29;
	v52 =	vadd.s32 v1, v41;
	(erf) = vpow2.f32 v48  }
0x137: {  	v59 =	vld [tilespmem:s4+$0x50];
	v61 =	vmov s25;
	v36 =	vmul.f32 v42, v36;
	v53 =	vmul.f32 $2.000000030e-01, v46;
	[tilespmem:s4+$0x0] =	vst v24  }
0x138: {  	s24 =	sadd.s32 $0x2, s5;
	v22 =	vmul.f32 v47, v22;
	[tilespmem:s4+$0x30] =	vst v21;
	v49 =	vld [tilespmem:s4+$0xFFFFFFD8];
	v57 =	vbroadcast v58, $0x0;
	vm1 =	vgt.f32 v63, $0.0e+00  }
0x139: {  	[tilespmem:s4+$0xFFFFFFC8] =	vst v36;
	v36 =	vmov s24;
	v60 =	vld [tilespmem:s4+$0x60];
	v55 =	vsel vm1, v63, v50;
	vm1 =	vgt.f32 v46, $0.0e+00  }
0x13a: {  	v20 =	vmul.f32 v51, v20;
	[tilespmem:s4+$0x10] =	vst v22;
	v58 =	vsel vm1, v46, v53;
	v15 =	vmul.f32 $1.442695020e+00, v55;
	v11 =	vpop (erf)  }
0x13b: {  	v62 =	vld [tilespmem:s4+$0x70];
	v19 =	vmul.f32 v56, v19;
	v33 =	vadd.s32 v1, v57;
	v28 =	vmul.f32 $1.442695020e+00, v58;
	[tilespmem:v52+s2+$0x0] =	vst.idx.msk vm0, v11  }
0x13c: {  	v18 =	vmul.f32 v59, v18;
	v37 =	vmul.u32 $0x88, v36;
	[tilespmem:s4+$0x20] =	vst v20;
	(erf) = vpow2.f32 v15;
	v34 =	vld [tilespmem:s22+$0xF8]  }
0x13d: {  	v63 =	vmul.u32 $0x88, v61;
	[tilespmem:s4+$0x40] =	vst v19;
	v30 =	vmul.f32 v49, v30;
	(erf) = vpow2.f32 v28;
	v28 =	vld [tilespmem:s22+$0x88]  }
0x13e: {  	[tilespmem:s4+$0x50] =	vst v18;
	v29 =	vbroadcast v37, $0x0;
	v16 =	vmul.f32 v60, v16;
	v22 =	vld [tilespmem:s22+$0xA8]  }
0x13f: {  	[tilespmem:s4+$0xFFFFFFD8] =	vst v30;
	v15 =	vbroadcast v63, $0x0;
	v41 =	vperm.xlane v11, v9;
	v39 =	vpop (erf)  }
0x140: {  	v17 =	vmul.f32 v62, v17;
	v35 =	vperm.xlane v11, v2;
	[tilespmem:v33+s2+$0x0] =	vst.idx.msk vm0, v39  }
0x141: {  	[tilespmem:s4+$0x60] =	vst v16;
	v38 =	vperm.xlane v11, v4;
	v15 =	vadd.s32 v1, v15;
	v42 =	vld [tilespmem:s22+$0xFFFFFEF0];
	v43 =	vmul.f32 v34, v41  }
0x142: {  	v40 =	vadd.s32 v1, v29;
	[tilespmem:s4+$0x70] =	vst v17;
	v10 =	vld [tilespmem:s22+$0xFFFFFF00];
	v17 =	vmul.f32 v28, v35  }
0x143: {  	v44 =	vld [tilespmem:s22+$0xFFFFFF10];
	v22 =	vmul.f32 v22, v38;
	[tilespmem:s22+$0xF8] =	vst v43  }
0x144: {  	v47 =	vperm.xlane v39, v2;
	v46 =	vld [tilespmem:s22+$0xFFFFFF30];
	[tilespmem:s22+$0x88] =	vst v17  }
0x145: {  	v49 =	vperm.xlane v39, v3;
	v45 =	vld [tilespmem:s22+$0xFFFFFF20];
	v25 =	vpop (erf);
	[tilespmem:s22+$0xA8] =	vst v22  }
0x146: {  	v14 =	vld [tilespmem:s22+$0xC8];
	v51 =	vperm.xlane v39, v4;
	v23 =	vmul.f32 v42, v47;
	[tilespmem:v15+s2+$0x0] =	vst.idx.msk vm0, v25;
	v29 =	vpop (erf)  }
0x147: {  	v55 =	vperm.xlane v39, v6;
	v50 =	vld [tilespmem:s22+$0xFFFFFF50];
	v10 =	vmul.f32 v10, v49;
	[tilespmem:v40+s2+$0x0] =	vst.idx.msk vm0, v29  }
0x148: {  	v53 =	vperm.xlane v39, v5;
	v41 =	vld [tilespmem:s4+$0xE8];
	v27 =	vmul.f32 v44, v51;
	[tilespmem:s22+$0xFFFFFEF0] =	vst v23  }
0x149: {  	v48 =	vld [tilespmem:s22+$0xFFFFFF40];
	v19 =	vmul.f32 v46, v55;
	v43 =	vperm.xlane v11, v6;
	[tilespmem:s22+$0xFFFFFF00] =	vst v10  }
0x14a: {  	v20 =	vld [tilespmem:s22+$0xB8];
	v61 =	vperm.xlane v39, v8;
	v15 =	vmul.f32 v45, v53;
	[tilespmem:s22+$0xFFFFFF10] =	vst v27  }
0x14b: {  	v30 =	vperm.xlane v39, v9;
	v52 =	vld [tilespmem:s22+$0xFFFFFF78];
	[tilespmem:s22+$0xFFFFFF30] =	vst v19;
	v14 =	vmul.f32 v14, v43  }
0x14c: {  	v56 =	vld [tilespmem:s22+$0xFFFFFF88];
	v10 =	vperm.xlane v39, v7;
	[tilespmem:s22+$0xFFFFFF20] =	vst v15;
	v15 =	vmul.f32 v50, v61  }
0x14d: {  	v58 =	vld [tilespmem:s22+$0xFFFFFF98];
	v40 =	vperm.xlane v11, v5;
	v12 =	vmul.f32 v41, v12;
	[tilespmem:s22+$0xC8] =	vst v14  }
0x14e: {  	v57 =	vperm.xlane v25, v2;
	v60 =	vld [tilespmem:s22+$0xFFFFFFA8];
	v10 =	vmul.f32 v48, v10;
	[tilespmem:s22+$0xFFFFFF50] =	vst v15  }
0x14f: {  	v59 =	vperm.xlane v25, v3;
	v62 =	vld [tilespmem:s22+$0xFFFFFFB8];
	v20 =	vmul.f32 v20, v40;
	[tilespmem:s4+$0xE8] =	vst v12  }
0x150: {  	v63 =	vperm.xlane v25, v4;
	v39 =	vld [tilespmem:s4+$0xD8];
	[tilespmem:s22+$0xFFFFFF40] =	vst v10;
	v16 =	vmul.f32 v52, v57  }
0x151: {  	v32 =	vperm.xlane v25, v5;
	v34 =	vld [tilespmem:s22+$0xFFFFFFD8];
	[tilespmem:s22+$0xB8] =	vst v20;
	v27 =	vmul.f32 v56, v59  }
0x152: {  	v33 =	vperm.xlane v25, v6;
	v45 =	vld [tilespmem:s22+$0x10];
	v19 =	vmul.f32 v58, v63;
	[tilespmem:s22+$0xFFFFFF78] =	vst v16  }
0x153: {  	v10 =	vld [tilespmem:s22+$0xFFFFFFC8];
	v18 =	vmul.f32 v60, v32;
	[tilespmem:s22+$0xFFFFFF88] =	vst v27  }
0x154: {  	v54 =	vld [tilespmem:s22+$0xFFFFFF60];
	v46 =	vperm.xlane v25, v8;
	v21 =	vmul.f32 v62, v33;
	[tilespmem:s22+$0xFFFFFF98] =	vst v19  }
0x155: {  	v24 =	vld [tilespmem:s22+$0x98];
	v51 =	vperm.xlane v29, v3;
	v13 =	vmul.f32 v39, v13;
	[tilespmem:s22+$0xFFFFFFA8] =	vst v18  }
0x156: {  	v42 =	vperm.xlane v25, v7;
	v49 =	vld [tilespmem:s22+$0x30];
	v15 =	vmul.f32 v34, v46;
	[tilespmem:s22+$0xFFFFFFB8] =	vst v21  }
0x157: {  	v36 =	vperm.xlane v11, v3;
	v44 =	vld [tilespmem:s22+$0x0];
	v14 =	vmul.f32 v45, v51;
	[tilespmem:s4+$0xD8] =	vst v13  }
0x158: {  	v53 =	vperm.xlane v29, v4;
	v50 =	vld [tilespmem:s22+$0x40];
	[tilespmem:s22+$0xFFFFFFD8] =	vst v15;
	v10 =	vmul.f32 v10, v42  }
0x159: {  	v55 =	vperm.xlane v29, v5;
	v47 =	vld [tilespmem:s22+$0x20];
	v16 =	vmul.f32 v54, v30;
	[tilespmem:s22+$0x10] =	vst v14  }
0x15a: {  	v37 =	vld [tilespmem:s22+$0xFFFFFFE8];
	v19 =	vmul.f32 v24, v36;
	[tilespmem:s22+$0xFFFFFFC8] =	vst v10;
	v10 =	vperm.xlane v29, v2  }
0x15b: {  	v52 =	vld [tilespmem:s22+$0x50];
	v57 =	vperm.xlane v29, v6;
	v15 =	vmul.f32 v49, v55;
	[tilespmem:s22+$0xFFFFFF60] =	vst v16  }
0x15c: {  	v61 =	vperm.xlane v29, v9;
	v56 =	vld [tilespmem:s22+$0x70];
	[tilespmem:s22+$0x98] =	vst v19;
	v10 =	vmul.f32 v44, v10  }
0x15d: {  	v48 =	vperm.xlane v25, v9;
	v54 =	vld [tilespmem:s22+$0x60];
	v13 =	vmul.f32 v50, v57;
	[tilespmem:s22+$0x30] =	vst v15  }
0x15e: {  	v58 =	vperm.xlane v29, v7;
	v60 =	vld [tilespmem:s22+$0xE8];
	[tilespmem:s22+$0x0] =	vst v10;
	v10 =	vmul.f32 v47, v53  }
0x15f: {  	v59 =	vld [tilespmem:s22+$0xD8];
	v62 =	vperm.xlane v11, v7;
	v16 =	vmul.f32 v37, v48;
	[tilespmem:s22+$0x40] =	vst v13  }
0x160: {  	v14 =	vmul.f32 v52, v58;
	[tilespmem:s22+$0x20] =	vst v10;
	v10 =	vperm.xlane v29, v8  }
0x161: {  	v11 =	vperm.xlane v11, v8;
	v63 =	vmul.f32 v56, v61;
	[tilespmem:s22+$0xFFFFFFE8] =	vst v16  }
0x162: {  	[tilespmem:s22+$0x50] =	vst v14;
	v10 =	vmul.f32 v54, v10  }
0x163: {  	s25 =	smul.u32 $0x280, s19;
	v11 =	vmul.f32 v60, v11;
	[tilespmem:s22+$0x70] =	vst v63  }
0x164: {  	[tilespmem:s22+$0x60] =	vst v10;
	v10 =	vmul.f32 v59, v62  }
0x165: {  	s4 =	sshra.s32 s25, $0x2;
	[tilespmem:s22+$0xE8] =	vst v11  }
.Ltmp6:
0x166: {  	s4 =	sadd.s32 $0x17318, s4;
	[tilespmem:s22+$0xD8] =	vst v10;
	(pc) =	sbr.rel @p1 .LBB2_10-.Ltmp6, $4  }
0x167: {  	[spmem:s9] =	stream.indirect.scatter.add.f32 [tilespmem:s2], [sflag:$0x6], $0x88, s4, s6, $0xb8;
	[tilespmem:$0x1F928] =	vst v63  }
0x168: {  	_ =	swait.ge [sflag:s12], $0x2A80  }
0x169: {  	[sflag:s12] =	ssyncset.done $0x0  }
0x16a: {  	[sflag:s12] =	ssyncadd.s32 $0xFFFFD580  }
0x16b: {  	_ =	swait.ge [sflag:s15], $0x2A80  }
0x16c: {  	[sflag:s15] =	ssyncset.done $0x0  }
0x16d: {  	[sflag:s15] =	ssyncadd.s32 $0xFFFFD580  }
0x16e: {  	s4 =	smul.u32 $0xA0, s19;
	_ =	swait.ge [sflag:s16], $0x500  }
0x16f: {  	[sflag:s16] =	ssyncset.done $0x0  }
0x170: {  	s5 =	sadd.s32 $0x14CA8, s4;
	[sflag:s16] =	ssyncadd.s32 $0xFFFFFB00  }
0x171: {  	[tilespmem:s2], [sflag:$0x1] =	stream.indirect.gather [hbm4b:s13+s6], $0x88, s5, s6, $0xb8;
	[tilespmem:$0x1F928] =	vst v63  }
0x172: {  	s21 =	simm.s32 $0x1C5B8;
	s4 =	sadd.s32 $0x173B8, s4  }
0x173: {  	[tilespmem:s7], [sflag:$0x2] =	stream.indirect.gather [hbm4b:s14+s6], $0x10, s4, s6, $0xb8;
	[tilespmem:$0x1F928] =	vst v63  }
0x174: {  	s24 =	simm.s32 $0x1F448;
	v10 =	vld [tilespmem:s21+$0x100]  }
0x175: {  	v11 =	vld [tilespmem:s24+$0x10];
	_ =	sdelay $0x3  }
0x176: {  	v12 =	vld [tilespmem:s24+$0xFFFFFFE0]  }
0x177: {  	v10 =	vadd.f32 v11, v10;
	v11 =	vld [tilespmem:s21+$0xFFFFFF68];
	_ =	sdelay $0x1  }
0x178: {  	v13 =	vmul.f32 $2.000000030e-01, v10  }
0x179: {  	vm1 =	vgt.f32 v10, $0.0e+00  }
0x17a: {  	v14 =	vld [tilespmem:s21+$0xFFFFFFF0];
	v10 =	vsel vm1, v10, v13  }
0x17b: {  	v13 =	vld [tilespmem:s24+$0xFFFFFFF0];
	v10 =	vmul.f32 $1.442695020e+00, v10;
	v11 =	vadd.f32 v12, v11  }
0x17c: {  	s25 =	simm.s32 $0x3;
	v15 =	vld [tilespmem:s21+$0x78]  }
0x17d: {  	v16 =	vmov s25;
	v12 =	vld [tilespmem:s24+$0x0];
	(erf) = vpow2.f32 v10;
	v10 =	vmul.f32 $2.000000030e-01, v11  }
0x17e: {  	v16 =	vmul.u32 $0x88, v16;
	vm1 =	vgt.f32 v11, $0.0e+00  }
0x17f: {  	s22 =	simm.s32 $0x0;
	v10 =	vsel vm1, v11, v10  }
0x180: {  	v11 =	vbroadcast v16, $0x0;
	v16 =	vmov s22;
	v13 =	vadd.f32 v13, v14  }
0x181: {  	v10 =	vmul.f32 $1.442695020e+00, v10;
	v14 =	vmul.u32 $0x88, v16  }
0x182: {  	s23 =	simm.s32 $0x1;
	v12 =	vadd.f32 v12, v15;
	v11 =	vadd.s32 v1, v11;
	v16 =	vmul.f32 $2.000000030e-01, v13  }
0x183: {  	s24 =	simm.s32 $0x2;
	v15 =	vmov s23;
	vm1 =	vgt.f32 v13, $0.0e+00;
	(erf) = vpow2.f32 v10  }
0x184: {  	s4 =	simm.s32 $0x1C7D8;
	v15 =	vmul.u32 $0x88, v15;
	v10 =	vmov s24;
	v17 =	vmul.f32 $2.000000030e-01, v12  }
0x185: {  	s25 =	simm.s32 $0x1F488;
	v63 =	vld [tilespmem:s4+$0xFFFFFFF0];
	v14 =	vbroadcast v14, $0x0;
	v13 =	vsel vm1, v13, v16;
	vm1 =	vgt.f32 v12, $0.0e+00  }
0x186: {  	v61 =	vld [tilespmem:s25+$0xFFFFFFF0];
	v10 =	vmul.u32 $0x88, v10;
	v12 =	vsel vm1, v12, v17;
	v13 =	vmul.f32 $1.442695020e+00, v13;
	v16 =	vpop (erf)  }
0x187: {  	v62 =	vld [tilespmem:s4+$0x78];
	v15 =	vbroadcast v15, $0x0;
	v12 =	vmul.f32 $1.442695020e+00, v12;
	[tilespmem:v11+s17+$0x0] =	vst.idx.msk vm0, v16  }
0x188: {  	v20 =	vbroadcast v10, $0x0;
	(erf) = vpow2.f32 v13;
	v13 =	vadd.s32 v1, v14;
	v14 =	vld [tilespmem:s21+$0xF8]  }
0x189: {  	(erf) = vpow2.f32 v12;
	v21 =	vperm.xlane v16, v2;
	v12 =	vld [tilespmem:s21+$0x88]  }
0x18a: {  	v22 =	vperm.xlane v16, v3;
	v24 =	vperm.xlane v16, v4;
	v23 =	vld [tilespmem:s21+$0x98]  }
0x18b: {  	v25 =	vperm.xlane v16, v5;
	v27 =	vperm.xlane v16, v6;
	v26 =	vld [tilespmem:s21+$0xA8]  }
0x18c: {  	v17 =	vperm.xlane v16, v9;
	v11 =	vperm.xlane v16, v7;
	v28 =	vld [tilespmem:s21+$0xB8];
	v18 =	vpop (erf)  }
0x18d: {  	v10 =	vperm.xlane v16, v8;
	[tilespmem:v13+s17+$0x0] =	vst.idx.msk vm0, v18;
	v13 =	vld [tilespmem:s21+$0xC8];
	v29 =	vperm.xlane v18, v2  }
0x18e: {  	v30 =	vperm.xlane v18, v3;
	v14 =	vmul.f32 v14, v17;
	v17 =	vld [tilespmem:s21+$0xFFFFFEF0]  }
0x18f: {  	v31 =	vperm.xlane v18, v4;
	v33 =	vperm.xlane v18, v5;
	v32 =	vld [tilespmem:s21+$0xFFFFFF00]  }
0x190: {  	v34 =	vperm.xlane v18, v6;
	v36 =	vperm.xlane v18, v7;
	v35 =	vld [tilespmem:s21+$0xFFFFFF10]  }
0x191: {  	v37 =	vperm.xlane v18, v8;
	v39 =	vperm.xlane v18, v9;
	v38 =	vld [tilespmem:s21+$0xFFFFFF20]  }
0x192: {  	v15 =	vadd.s32 v1, v15;
	v41 =	vld [tilespmem:s21+$0xFFFFFF30];
	v12 =	vmul.f32 v12, v21;
	v21 =	vmul.f32 v23, v22  }
0x193: {  	v44 =	vld [tilespmem:s21+$0xFFFFFF40];
	v24 =	vmul.f32 v26, v24;
	v25 =	vmul.f32 v28, v25;
	v16 =	vpop (erf)  }
0x194: {  	v47 =	vld [tilespmem:s21+$0xFFFFFF50];
	v40 =	vperm.xlane v16, v2;
	v42 =	vperm.xlane v16, v3  }
0x195: {  	v50 =	vld [tilespmem:s21+$0xFFFFFF60];
	v43 =	vperm.xlane v16, v4;
	v45 =	vperm.xlane v16, v5  }
0x196: {  	v22 =	vld [tilespmem:s25+$0x0];
	v46 =	vperm.xlane v16, v6;
	v48 =	vperm.xlane v16, v7  }
0x197: {  	v26 =	vld [tilespmem:s4+$0xFFFFFF68];
	[tilespmem:v15+s17+$0x0] =	vst.idx.msk vm0, v16;
	v15 =	vpop (erf);
	v49 =	vperm.xlane v16, v8;
	v51 =	vperm.xlane v16, v9  }
0x198: {  	v52 =	vperm.xlane v15, v2;
	v53 =	vld [tilespmem:s21+$0xFFFFFF78];
	v54 =	vperm.xlane v15, v3  }
0x199: {  	v20 =	vadd.s32 v1, v20;
	v55 =	vperm.xlane v15, v4;
	v56 =	vld [tilespmem:s21+$0xFFFFFF88];
	v57 =	vperm.xlane v15, v5  }
0x19a: {  	v19 =	vperm.xlane v15, v6;
	v30 =	vmul.f32 v32, v30;
	v32 =	vld [tilespmem:s4+$0x100]  }
0x19b: {  	s24 =	simm.s32 $0x6;
	v18 =	vperm.xlane v15, v7;
	v31 =	vmul.f32 v35, v31;
	v35 =	vld [tilespmem:s25+$0x10]  }
0x19c: {  	s23 =	simm.s32 $0x5;
	v28 =	vmov s24;
	v58 =	vld [tilespmem:s21+$0xFFFFFF98];
	v16 =	vperm.xlane v15, v8;
	v13 =	vmul.f32 v13, v27  }
0x19d: {  	[tilespmem:s21+$0xF8] =	vst v14;
	v14 =	vmov s23;
	v59 =	vld [tilespmem:s21+$0xFFFFFFA8];
	v29 =	vmul.f32 v17, v29;
	v17 =	vperm.xlane v15, v9  }
0x19e: {  	v14 =	vmul.u32 $0x88, v14;
	v60 =	vld [tilespmem:s21+$0xFFFFFFB8];
	[tilespmem:v20+s17+$0x0] =	vst.idx.msk vm0, v15;
	v33 =	vmul.f32 v38, v33;
	v34 =	vmul.f32 v41, v34  }
0x19f: {  	v27 =	vld [tilespmem:s21+$0xFFFFFFC8];
	v36 =	vmul.f32 v44, v36;
	v15 =	vmul.u32 $0x88, v28;
	v22 =	vadd.f32 v22, v62;
	[tilespmem:s21+$0xFFFFFEF0] =	vst v29  }
0x1a0: {  	v37 =	vmul.f32 v47, v37;
	v38 =	vld [tilespmem:s25+$0xFFFFFFE0];
	v39 =	vmul.f32 v50, v39;
	[tilespmem:s21+$0xFFFFFF00] =	vst v30;
	v23 =	vadd.f32 v35, v32  }
0x1a1: {  	v20 =	vld [tilespmem:s21+$0xFFFFFFD8];
	s25 =	simm.s32 $0x7;
	v29 =	vadd.f32 v61, v63;
	v30 =	vbroadcast v15, $0x0;
	[tilespmem:s21+$0xFFFFFF10] =	vst v31;
	v31 =	vmul.f32 $2.000000030e-01, v22  }
0x1a2: {  	v15 =	vmov s25;
	v40 =	vmul.f32 v53, v40;
	v32 =	vmul.f32 $2.000000030e-01, v23  }
0x1a3: {  	v42 =	vmul.f32 v56, v42;
	v43 =	vmul.f32 v58, v43;
	vm1 =	vgt.f32 v23, $0.0e+00  }
0x1a4: {  	v28 =	vld [tilespmem:s21+$0xFFFFFFE8];
	v45 =	vmul.f32 v59, v45;
	[tilespmem:s21+$0xFFFFFF78] =	vst v40;
	v40 =	vbroadcast v14, $0x0;
	v14 =	vsel vm1, v23, v32  }
0x1a5: {  	[tilespmem:s21+$0x98] =	vst v21;
	v21 =	vld [tilespmem:s21+$0x40];
	v46 =	vmul.f32 v60, v46;
	v26 =	vadd.f32 v38, v26;
	v14 =	vmul.f32 $1.442695020e+00, v14  }
0x1a6: {  	s22 =	simm.s32 $0x4;
	[tilespmem:s21+$0xA8] =	vst v24;
	v24 =	vld [tilespmem:s21+$0x50];
	v15 =	vmul.u32 $0x88, v15;
	v56 =	vmul.f32 v27, v48;
	v20 =	vmul.f32 v20, v49  }
0x1a7: {  	[tilespmem:s21+$0x88] =	vst v12;
	v12 =	vld [tilespmem:s21+$0x30];
	v53 =	vmov s22;
	v50 =	vmul.f32 $2.000000030e-01, v26;
	(erf) = vpow2.f32 v14  }
0x1a8: {  	v61 =	vld [tilespmem:s21+$0x70];
	v44 =	vmul.u32 $0x88, v53;
	v15 =	vbroadcast v15, $0x0;
	vm2 =	vgt.f32 v26, $0.0e+00  }
0x1a9: {  	[tilespmem:s21+$0xB8] =	vst v25;
	v59 =	vld [tilespmem:s21+$0x60];
	v58 =	vmul.f32 v28, v51;
	v23 =	vmul.f32 $2.000000030e-01, v29;
	v26 =	vsel vm2, v26, v50  }
0x1aa: {  	[tilespmem:s21+$0xC8] =	vst v13;
	v53 =	vld [tilespmem:s21+$0x10];
	v19 =	vmul.f32 v21, v19;
	vm1 =	vgt.f32 v29, $0.0e+00;
	v26 =	vmul.f32 $1.442695020e+00, v26  }
0x1ab: {  	[tilespmem:s21+$0xFFFFFF20] =	vst v33;
	v18 =	vmul.f32 v24, v18;
	v63 =	vbroadcast v44, $0x0;
	v23 =	vsel vm1, v29, v23;
	v29 =	vld [tilespmem:s21+$0x20]  }
0x1ac: {  	[tilespmem:s21+$0xFFFFFF30] =	vst v34;
	v27 =	vadd.s32 v1, v15;
	vm1 =	vgt.f32 v22, $0.0e+00;
	v14 =	vld [tilespmem:s21+$0x0];
	(erf) = vpow2.f32 v26  }
0x1ad: {  	[tilespmem:s21+$0xFFFFFF40] =	vst v36;
	v44 =	vmul.f32 v12, v57;
	v22 =	vsel vm1, v22, v31;
	v23 =	vmul.f32 $1.442695020e+00, v23  }
0x1ae: {  	[tilespmem:s21+$0xFFFFFF50] =	vst v37;
	v49 =	vmul.f32 v61, v17;
	v22 =	vmul.f32 $1.442695020e+00, v22  }
0x1af: {  	[tilespmem:s21+$0xFFFFFF60] =	vst v39;
	s22 =	simm.s32 $0x1C9F8;
	v15 =	vld [tilespmem:s21+$0xD8];
	v47 =	vmul.f32 v59, v16;
	(erf) = vpow2.f32 v23  }
0x1b0: {  	v35 =	vadd.s32 v1, v63;
	[tilespmem:s21+$0x70] =	vst v49;
	v49 =	vld [tilespmem:s22+$0x100];
	(erf) = vpow2.f32 v22;
	v22 =	vmul.f32 v53, v54;
	v62 =	vpop (erf)  }
0x1b1: {  	v29 =	vmul.f32 v29, v55;
	v60 =	vmul.f32 v14, v52;
	v14 =	vld [tilespmem:s21+$0xE8];
	[tilespmem:v27+s17+$0x0] =	vst.idx.msk vm0, v62  }
0x1b2: {  	[tilespmem:s21+$0xFFFFFF88] =	vst v42;
	v28 =	vperm.xlane v62, v2;
	v27 =	vperm.xlane v62, v3;
	v63 =	vld [tilespmem:s4+$0xF8]  }
0x1b3: {  	[tilespmem:s21+$0xFFFFFF98] =	vst v43;
	v25 =	vperm.xlane v62, v4;
	v26 =	vperm.xlane v62, v5;
	v31 =	vld [tilespmem:s4+$0x88]  }
0x1b4: {  	[tilespmem:s21+$0xFFFFFFA8] =	vst v45;
	v23 =	vperm.xlane v62, v6;
	v13 =	vperm.xlane v62, v7;
	v32 =	vld [tilespmem:s4+$0x98]  }
0x1b5: {  	[tilespmem:s21+$0xFFFFFFB8] =	vst v46;
	v12 =	vperm.xlane v62, v8;
	v21 =	vperm.xlane v62, v9;
	v24 =	vpop (erf);
	v33 =	vld [tilespmem:s4+$0xA8]  }
0x1b6: {  	v34 =	vld [tilespmem:s4+$0xB8];
	[tilespmem:v35+s17+$0x0] =	vst.idx.msk vm0, v24;
	v17 =	vperm.xlane v24, v2;
	v51 =	vperm.xlane v24, v3  }
0x1b7: {  	[tilespmem:s21+$0xFFFFFFC8] =	vst v56;
	v52 =	vperm.xlane v24, v4;
	v55 =	vperm.xlane v24, v5;
	v50 =	vld [tilespmem:s4+$0xFFFFFEF0]  }
0x1b8: {  	[tilespmem:s21+$0xFFFFFFD8] =	vst v20;
	v56 =	vperm.xlane v24, v6;
	v57 =	vperm.xlane v24, v7;
	v53 =	vld [tilespmem:s4+$0xFFFFFF00]  }
0x1b9: {  	[tilespmem:s21+$0xFFFFFFE8] =	vst v58;
	v20 =	vadd.s32 v1, v40;
	v58 =	vperm.xlane v24, v8;
	v54 =	vld [tilespmem:s4+$0xFFFFFF10];
	v16 =	vmul.f32 v63, v21;
	v21 =	vpop (erf)  }
0x1ba: {  	[tilespmem:s21+$0x40] =	vst v19;
	v37 =	vperm.xlane v24, v9;
	v59 =	vld [tilespmem:s4+$0xFFFFFF20];
	v42 =	vperm.xlane v21, v2  }
0x1bb: {  	[tilespmem:s21+$0x0] =	vst v60;
	v60 =	vld [tilespmem:s4+$0xFFFFFF30];
	v41 =	vperm.xlane v21, v3;
	v40 =	vperm.xlane v21, v4  }
0x1bc: {  	v45 =	vadd.s32 v1, v30;
	[tilespmem:s21+$0x50] =	vst v18;
	v61 =	vld [tilespmem:s4+$0xFFFFFF40];
	v38 =	vperm.xlane v21, v5;
	v39 =	vperm.xlane v21, v6  }
0x1bd: {  	[tilespmem:s21+$0x20] =	vst v29;
	v43 =	vld [tilespmem:s4+$0xFFFFFF60];
	v36 =	vperm.xlane v21, v7;
	v30 =	vperm.xlane v21, v8  }
0x1be: {  	v63 =	vld [tilespmem:s4+$0xFFFFFF50];
	[tilespmem:v20+s17+$0x0] =	vst.idx.msk vm0, v21;
	v29 =	vperm.xlane v21, v9;
	v50 =	vmul.f32 v50, v17  }
0x1bf: {  	[tilespmem:s21+$0x30] =	vst v44;
	v53 =	vmul.f32 v53, v51;
	v54 =	vmul.f32 v54, v52;
	v48 =	vld [tilespmem:s4+$0xFFFFFF78]  }
0x1c0: {  	[tilespmem:s21+$0x10] =	vst v22;
	v62 =	vpop (erf);
	v55 =	vmul.f32 v59, v55;
	v52 =	vmul.f32 v60, v56;
	v46 =	vld [tilespmem:s4+$0xFFFFFF88]  }
0x1c1: {  	v24 =	vperm.xlane v62, v2;
	v22 =	vperm.xlane v62, v3;
	[tilespmem:v45+s17+$0x0] =	vst.idx.msk vm0, v62;
	v45 =	vld [tilespmem:s4+$0xFFFFFF98]  }
0x1c2: {  	[tilespmem:s21+$0x60] =	vst v47;
	v20 =	vperm.xlane v62, v4;
	v21 =	vperm.xlane v62, v5;
	v44 =	vld [tilespmem:s4+$0xFFFFFFA8]  }
0x1c3: {  	[tilespmem:s4+$0xF8] =	vst v16;
	v19 =	vperm.xlane v62, v6;
	v18 =	vperm.xlane v62, v7;
	v47 =	vld [tilespmem:s4+$0xFFFFFFB8]  }
0x1c4: {  	s23 =	simm.s32 $0x1F4C8;
	v35 =	vld [tilespmem:s4+$0xC8];
	v16 =	vperm.xlane v62, v8;
	v17 =	vperm.xlane v62, v9;
	[tilespmem:s4+$0xFFFFFEF0] =	vst v50  }
0x1c5: {  	s5 =	simm.s32 $0x8;
	s24 =	simm.s32 $0xC;
	v51 =	vld [tilespmem:s23+$0x10];
	[tilespmem:s4+$0xFFFFFF00] =	vst v53;
	v53 =	vmul.f32 v61, v57;
	v50 =	vmul.f32 v63, v58  }
.LBB2_8:
0x1c6: {  	p1 =	slt.u32 s24, $0x4C;
	v56 =	vld [tilespmem:s23+$0xFFFFFFE0];
	[tilespmem:s4+$0xFFFFFF10] =	vst v54;
	v37 =	vmul.f32 v43, v37;
	v42 =	vmul.f32 v48, v42  }
0x1c7: {  	v43 =	vmov s5;
	v41 =	vmul.f32 v46, v41;
	v40 =	vmul.f32 v45, v40;
	v48 =	vld [tilespmem:s22+$0xFFFFFFF0];
	[tilespmem:s4+$0xFFFFFF20] =	vst v55  }
0x1c8: {  	s25 =	sadd.s32 $0x1, s5;
	v43 =	vmul.u32 $0x88, v43;
	v38 =	vmul.f32 v44, v38;
	v45 =	vld [tilespmem:s23+$0xFFFFFFF0];
	[tilespmem:s4+$0xFFFFFF30] =	vst v52;
	v39 =	vmul.f32 v47, v39  }
0x1c9: {  	v28 =	vmul.f32 v31, v28;
	v27 =	vmul.f32 v32, v27;
	v44 =	vmov s25;
	v46 =	vld [tilespmem:s22+$0x78];
	[tilespmem:s4+$0xFFFFFF40] =	vst v53  }
0x1ca: {  	v25 =	vmul.f32 v33, v25;
	v26 =	vmul.f32 v34, v26;
	s25 =	sadd.s32 $0x2, s5;
	v31 =	vld [tilespmem:s23+$0x0];
	v32 =	vadd.f32 v51, v49;
	[tilespmem:s4+$0xFFFFFF50] =	vst v50  }
0x1cb: {  	v23 =	vmul.f32 v35, v23;
	v35 =	vmul.f32 v15, v11;
	v11 =	vmovc v13;
	v34 =	vmov s25;
	v33 =	vld [tilespmem:s22+$0xFFFFFF68];
	[tilespmem:s4+$0xFFFFFF60] =	vst v37  }
0x1cc: {  	v13 =	vmul.u32 $0x88, v44;
	v15 =	vmul.f32 $2.000000030e-01, v32;
	[tilespmem:s4+$0xFFFFFF78] =	vst v42;
	v37 =	vld [tilespmem:s4+$0xFFFFFFC8];
	v42 =	vmul.f32 v14, v10;
	v10 =	vmovc v12  }
0x1cd: {  	v14 =	vmul.u32 $0x88, v34;
	vm1 =	vgt.f32 v32, $0.0e+00;
	v12 =	vadd.f32 v45, v48;
	[tilespmem:s4+$0xFFFFFF88] =	vst v41;
	v34 =	vld [tilespmem:s4+$0xFFFFFFD8]  }
0x1ce: {  	v13 =	vbroadcast v13, $0x0;
	v41 =	vbroadcast v43, $0x0;
	v15 =	vsel vm1, v32, v15;
	[tilespmem:s4+$0xFFFFFF98] =	vst v40;
	v32 =	vld [tilespmem:s4+$0xFFFFFFE8]  }
0x1cf: {  	v40 =	vmul.f32 $2.000000030e-01, v12;
	v31 =	vadd.f32 v31, v46;
	v15 =	vmul.f32 $1.442695020e+00, v15;
	[tilespmem:s4+$0xFFFFFFA8] =	vst v38;
	v38 =	vld [tilespmem:s4+$0x0]  }
0x1d0: {  	s25 =	sadd.s32 $0x3, s5;
	s5 =	smov.u32 s24;
	v43 =	vbroadcast v14, $0x0;
	vm1 =	vgt.f32 v12, $0.0e+00;
	v33 =	vadd.f32 v56, v33;
	[tilespmem:s4+$0xFFFFFFB8] =	vst v39;
	v39 =	vld [tilespmem:s4+$0x10]  }
0x1d1: {  	v44 =	vmov s25;
	v14 =	vmul.f32 $2.000000030e-01, v31;
	(erf) = vpow2.f32 v15;
	v45 =	vld [tilespmem:s4+$0x20];
	[tilespmem:s4+$0x88] =	vst v28  }
0x1d2: {  	v28 =	vmul.u32 $0x88, v44;
	vm2 =	vgt.f32 v33, $0.0e+00;
	v15 =	vmul.f32 $2.000000030e-01, v33;
	v44 =	vld [tilespmem:s4+$0x30];
	[tilespmem:s4+$0x98] =	vst v27  }
0x1d3: {  	v12 =	vsel vm1, v12, v40;
	vm1 =	vgt.f32 v31, $0.0e+00;
	v27 =	vmul.f32 v37, v36;
	v36 =	vld [tilespmem:s4+$0x40];
	[tilespmem:s4+$0xA8] =	vst v25  }
0x1d4: {  	v14 =	vsel vm1, v31, v14;
	v25 =	vbroadcast v28, $0x0;
	v15 =	vsel vm2, v33, v15;
	v37 =	vld [tilespmem:s4+$0x50];
	[tilespmem:s4+$0xB8] =	vst v26  }
0x1d5: {  	v12 =	vmul.f32 $1.442695020e+00, v12;
	v15 =	vmul.f32 $1.442695020e+00, v15;
	[tilespmem:s4+$0xFFFFFFC8] =	vst v27;
	v40 =	vld [tilespmem:s4+$0x60]  }
0x1d6: {  	v26 =	vmul.f32 $1.442695020e+00, v14;
	v14 =	vmul.f32 v34, v30;
	v25 =	vadd.s32 v1, v25;
	v30 =	vld [tilespmem:s4+$0x70];
	[tilespmem:s4+$0xC8] =	vst v23  }
0x1d7: {  	v23 =	vmul.f32 v32, v29;
	(erf) = vpow2.f32 v15;
	v15 =	vld [tilespmem:s4+$0xD8];
	[tilespmem:s21+$0xD8] =	vst v35  }
0x1d8: {  	(erf) = vpow2.f32 v12;
	[tilespmem:s4+$0xFFFFFFD8] =	vst v14;
	v12 =	vmul.f32 v38, v24;
	v14 =	vld [tilespmem:s4+$0xE8]  }
0x1d9: {  	v22 =	vmul.f32 v39, v22;
	(erf) = vpow2.f32 v26;
	[tilespmem:s4+$0xFFFFFFE8] =	vst v23  }
0x1da: {  	v24 =	vpop (erf);
	[tilespmem:s4+$0x0] =	vst v12;
	v12 =	vmul.f32 v45, v20;
	v20 =	vmul.f32 v44, v21  }
0x1db: {  	[tilespmem:v25+s17+$0x0] =	vst.idx.msk vm0, v24;
	v28 =	vperm.xlane v24, v2;
	v27 =	vperm.xlane v24, v3  }
0x1dc: {  	v21 =	vadd.s32 v1, v41;
	v25 =	vperm.xlane v24, v4;
	v26 =	vperm.xlane v24, v5;
	v29 =	vld [tilespmem:s22+$0xF8];
	[tilespmem:s4+$0x10] =	vst v22  }
0x1dd: {  	v23 =	vperm.xlane v24, v6;
	v22 =	vadd.s32 v1, v13;
	v13 =	vperm.xlane v24, v7;
	v31 =	vld [tilespmem:s22+$0x88];
	[tilespmem:s4+$0x20] =	vst v12  }
0x1de: {  	v19 =	vmul.f32 v36, v19;
	v12 =	vperm.xlane v24, v8;
	v32 =	vld [tilespmem:s22+$0x98];
	[tilespmem:s4+$0x30] =	vst v20  }
0x1df: {  	v18 =	vmul.f32 v37, v18;
	v24 =	vperm.xlane v24, v9;
	v20 =	vadd.s32 v1, v43;
	v33 =	vld [tilespmem:s22+$0xA8];
	[tilespmem:s21+$0xE8] =	vst v42;
	s21 =	smov.u32 s4;
	s4 =	smov.u32 s22  }
0x1e0: {  	v16 =	vmul.f32 v40, v16;
	v17 =	vmul.f32 v30, v17;
	v34 =	vld [tilespmem:s22+$0xB8];
	v36 =	vpop (erf);
	[tilespmem:s21+$0x40] =	vst v19  }
0x1e1: {  	[tilespmem:v21+s17+$0x0] =	vst.idx.msk vm0, v36;
	v44 =	vperm.xlane v36, v2;
	v35 =	vld [tilespmem:s22+$0xC8];
	v19 =	vmul.f32 v29, v24;
	v21 =	vpop (erf)  }
0x1e2: {  	v49 =	vperm.xlane v36, v3;
	v50 =	vperm.xlane v36, v4;
	v47 =	vld [tilespmem:s22+$0xFFFFFEF0];
	[tilespmem:v22+s17+$0x0] =	vst.idx.msk vm0, v21;
	v51 =	vpop (erf)  }
0x1e3: {  	v53 =	vperm.xlane v36, v5;
	v56 =	vperm.xlane v36, v6;
	v52 =	vld [tilespmem:s22+$0xFFFFFF00];
	[tilespmem:s22+$0xF8] =	vst v19  }
0x1e4: {  	v57 =	vperm.xlane v36, v7;
	v58 =	vperm.xlane v36, v8;
	v54 =	vld [tilespmem:s22+$0xFFFFFF10];
	[tilespmem:v20+s17+$0x0] =	vst.idx.msk vm0, v51  }
0x1e5: {  	v37 =	vperm.xlane v36, v9;
	v42 =	vperm.xlane v21, v2;
	v55 =	vld [tilespmem:s22+$0xFFFFFF20];
	[tilespmem:s21+$0x50] =	vst v18  }
0x1e6: {  	v41 =	vperm.xlane v21, v3;
	v40 =	vperm.xlane v21, v4;
	v59 =	vld [tilespmem:s22+$0xFFFFFF30];
	[tilespmem:s21+$0x60] =	vst v16  }
0x1e7: {  	v38 =	vperm.xlane v21, v5;
	v39 =	vperm.xlane v21, v6;
	v60 =	vld [tilespmem:s22+$0xFFFFFF40];
	[tilespmem:s21+$0x70] =	vst v17  }
0x1e8: {  	v36 =	vperm.xlane v21, v7;
	v30 =	vperm.xlane v21, v8;
	v61 =	vld [tilespmem:s22+$0xFFFFFF50]  }
0x1e9: {  	v29 =	vperm.xlane v21, v9;
	v24 =	vperm.xlane v51, v2;
	v43 =	vld [tilespmem:s22+$0xFFFFFF60]  }
0x1ea: {  	v22 =	vperm.xlane v51, v3;
	v20 =	vperm.xlane v51, v4;
	v48 =	vld [tilespmem:s22+$0xFFFFFF78]  }
0x1eb: {  	v21 =	vperm.xlane v51, v5;
	v19 =	vperm.xlane v51, v6;
	v46 =	vld [tilespmem:s22+$0xFFFFFF88]  }
.Ltmp7:
0x1ec: {  	v18 =	vperm.xlane v51, v7;
	v16 =	vperm.xlane v51, v8;
	v45 =	vld [tilespmem:s22+$0xFFFFFF98];
	(pc) =	sbr.rel @p1 .LBB2_8-.Ltmp7, $4  }
0x1ed: {  	v62 =	vmul.f32 v47, v44;
	v17 =	vperm.xlane v51, v9;
	v44 =	vld [tilespmem:s22+$0xFFFFFFA8]  }
0x1ee: {  	v63 =	vmul.f32 v52, v49;
	v54 =	vmul.f32 v54, v50;
	s22 =	sadd.s32 $0x220, s22;
	v47 =	vld [tilespmem:s4+$0xFFFFFFB8]  }
0x1ef: {  	s23 =	sadd.s32 $0x40, s23;
	v55 =	vmul.f32 v55, v53;
	v52 =	vmul.f32 v59, v56;
	v49 =	vld [tilespmem:s22+$0x100];
	[tilespmem:s4+$0xFFFFFEF0] =	vst v62  }
0x1f0: {  	s24 =	sadd.s32 $0x4, s24;
	v53 =	vmul.f32 v60, v57;
	v50 =	vmul.f32 v61, v58;
	v51 =	vld [tilespmem:s23+$0x10];
	[tilespmem:s4+$0xFFFFFF00] =	vst v63  }
0x1f1: {  	[tilespmem:s4+$0xFFFFFF10] =	vst v54  }
0x1f2: {  	[tilespmem:s4+$0xFFFFFF20] =	vst v55  }
0x1f3: {  	[tilespmem:s4+$0xFFFFFF30] =	vst v52  }
0x1f4: {  	v42 =	vmul.f32 v48, v42;
	[tilespmem:s4+$0xFFFFFF40] =	vst v53  }
0x1f5: {  	v56 =	vld [tilespmem:s23+$0xFFFFFFE0];
	v41 =	vmul.f32 v46, v41;
	[tilespmem:s4+$0xFFFFFF50] =	vst v50  }
0x1f6: {  	v48 =	vld [tilespmem:s22+$0xFFFFFFF0];
	v40 =	vmul.f32 v45, v40;
	[tilespmem:s4+$0xFFFFFF78] =	vst v42  }
0x1f7: {  	v61 =	vld [tilespmem:s22+$0xFFFFFF68];
	v37 =	vmul.f32 v43, v37;
	[tilespmem:s4+$0xFFFFFF88] =	vst v41;
	v49 =	vadd.f32 v51, v49  }
0x1f8: {  	v46 =	vld [tilespmem:s23+$0xFFFFFFF0];
	v28 =	vmul.f32 v31, v28;
	[tilespmem:s4+$0xFFFFFF98] =	vst v40  }
0x1f9: {  	v55 =	vld [tilespmem:s22+$0x78];
	v27 =	vmul.f32 v32, v27;
	[tilespmem:s4+$0xFFFFFF60] =	vst v37;
	v62 =	vmul.f32 $2.000000030e-01, v49  }
0x1fa: {  	v59 =	vld [tilespmem:s23+$0x0];
	v25 =	vmul.f32 v33, v25;
	[tilespmem:s4+$0x88] =	vst v28;
	vm1 =	vgt.f32 v49, $0.0e+00  }
0x1fb: {  	v63 =	vmov s5;
	v31 =	vld [tilespmem:s4+$0xFFFFFFE8];
	v26 =	vmul.f32 v34, v26;
	[tilespmem:s4+$0x98] =	vst v27;
	v57 =	vsel vm1, v49, v62  }
0x1fc: {  	v34 =	vld [tilespmem:s4+$0x0];
	v23 =	vmul.f32 v35, v23;
	[tilespmem:s4+$0xA8] =	vst v25;
	v60 =	vadd.f32 v56, v61;
	v41 =	vmul.f32 $1.442695020e+00, v57  }
0x1fd: {  	s24 =	sadd.s32 $0x3, s5;
	v54 =	vld [tilespmem:s4+$0x30];
	v11 =	vmul.f32 v15, v11;
	v10 =	vmul.f32 v14, v10;
	v58 =	vmul.u32 $0x88, v63;
	[tilespmem:s4+$0xB8] =	vst v26  }
0x1fe: {  	[tilespmem:s4+$0xC8] =	vst v23;
	v61 =	vmov s24;
	v62 =	vmul.f32 $2.000000030e-01, v60;
	(erf) = vpow2.f32 v41  }
0x1ff: {  	v38 =	vmul.f32 v44, v38;
	v42 =	vld [tilespmem:s4+$0xFFFFFFC8];
	[tilespmem:s21+$0xD8] =	vst v11;
	v37 =	vmul.u32 $0x88, v61;
	vm1 =	vgt.f32 v60, $0.0e+00  }
0x200: {  	v39 =	vmul.f32 v47, v39;
	v47 =	vld [tilespmem:s4+$0x10];
	[tilespmem:s21+$0xE8] =	vst v10;
	v29 =	vmul.f32 v31, v29;
	v40 =	vsel vm1, v60, v62  }
0x201: {  	[tilespmem:s4+$0xFFFFFFA8] =	vst v38;
	v63 =	vadd.f32 v46, v48;
	v41 =	vbroadcast v37, $0x0;
	v48 =	vmul.f32 $1.442695020e+00, v40  }
0x202: {  	[tilespmem:s4+$0xFFFFFFB8] =	vst v39;
	v51 =	vld [tilespmem:s4+$0x20];
	v46 =	vadd.f32 v59, v55;
	v24 =	vmul.f32 v34, v24;
	v21 =	vmul.f32 v54, v21  }
0x203: {  	s25 =	sadd.s32 $0x1, s5;
	v56 =	vld [tilespmem:s4+$0x40];
	v50 =	vmul.f32 $2.000000030e-01, v63;
	[tilespmem:s4+$0xFFFFFFE8] =	vst v29;
	v52 =	vadd.s32 v1, v41;
	(erf) = vpow2.f32 v48  }
0x204: {  	v59 =	vld [tilespmem:s4+$0x50];
	v61 =	vmov s25;
	v36 =	vmul.f32 v42, v36;
	v53 =	vmul.f32 $2.000000030e-01, v46;
	[tilespmem:s4+$0x0] =	vst v24  }
0x205: {  	s24 =	sadd.s32 $0x2, s5;
	v22 =	vmul.f32 v47, v22;
	[tilespmem:s4+$0x30] =	vst v21;
	v49 =	vld [tilespmem:s4+$0xFFFFFFD8];
	v57 =	vbroadcast v58, $0x0;
	vm1 =	vgt.f32 v63, $0.0e+00  }
0x206: {  	[tilespmem:s4+$0xFFFFFFC8] =	vst v36;
	v36 =	vmov s24;
	v60 =	vld [tilespmem:s4+$0x60];
	v55 =	vsel vm1, v63, v50;
	vm1 =	vgt.f32 v46, $0.0e+00  }
0x207: {  	v20 =	vmul.f32 v51, v20;
	[tilespmem:s4+$0x10] =	vst v22;
	v58 =	vsel vm1, v46, v53;
	v15 =	vmul.f32 $1.442695020e+00, v55;
	v11 =	vpop (erf)  }
0x208: {  	v62 =	vld [tilespmem:s4+$0x70];
	v19 =	vmul.f32 v56, v19;
	v33 =	vadd.s32 v1, v57;
	v28 =	vmul.f32 $1.442695020e+00, v58;
	[tilespmem:v52+s17+$0x0] =	vst.idx.msk vm0, v11  }
0x209: {  	v18 =	vmul.f32 v59, v18;
	v37 =	vmul.u32 $0x88, v36;
	[tilespmem:s4+$0x20] =	vst v20;
	(erf) = vpow2.f32 v15;
	v34 =	vld [tilespmem:s22+$0xF8]  }
0x20a: {  	v63 =	vmul.u32 $0x88, v61;
	[tilespmem:s4+$0x40] =	vst v19;
	v30 =	vmul.f32 v49, v30;
	(erf) = vpow2.f32 v28;
	v28 =	vld [tilespmem:s22+$0x88]  }
0x20b: {  	[tilespmem:s4+$0x50] =	vst v18;
	v29 =	vbroadcast v37, $0x0;
	v16 =	vmul.f32 v60, v16;
	v22 =	vld [tilespmem:s22+$0xA8]  }
0x20c: {  	[tilespmem:s4+$0xFFFFFFD8] =	vst v30;
	v15 =	vbroadcast v63, $0x0;
	v41 =	vperm.xlane v11, v9;
	v39 =	vpop (erf)  }
0x20d: {  	v17 =	vmul.f32 v62, v17;
	v35 =	vperm.xlane v11, v2;
	[tilespmem:v33+s17+$0x0] =	vst.idx.msk vm0, v39  }
0x20e: {  	[tilespmem:s4+$0x60] =	vst v16;
	v38 =	vperm.xlane v11, v4;
	v15 =	vadd.s32 v1, v15;
	v42 =	vld [tilespmem:s22+$0xFFFFFEF0];
	v43 =	vmul.f32 v34, v41  }
0x20f: {  	v40 =	vadd.s32 v1, v29;
	[tilespmem:s4+$0x70] =	vst v17;
	v10 =	vld [tilespmem:s22+$0xFFFFFF00];
	v17 =	vmul.f32 v28, v35  }
0x210: {  	v44 =	vld [tilespmem:s22+$0xFFFFFF10];
	v22 =	vmul.f32 v22, v38;
	[tilespmem:s22+$0xF8] =	vst v43  }
0x211: {  	v47 =	vperm.xlane v39, v2;
	v46 =	vld [tilespmem:s22+$0xFFFFFF30];
	[tilespmem:s22+$0x88] =	vst v17  }
0x212: {  	v49 =	vperm.xlane v39, v3;
	v45 =	vld [tilespmem:s22+$0xFFFFFF20];
	v25 =	vpop (erf);
	[tilespmem:s22+$0xA8] =	vst v22  }
0x213: {  	v14 =	vld [tilespmem:s22+$0xC8];
	v51 =	vperm.xlane v39, v4;
	v23 =	vmul.f32 v42, v47;
	[tilespmem:v15+s17+$0x0] =	vst.idx.msk vm0, v25;
	v29 =	vpop (erf)  }
0x214: {  	v55 =	vperm.xlane v39, v6;
	v50 =	vld [tilespmem:s22+$0xFFFFFF50];
	v10 =	vmul.f32 v10, v49;
	[tilespmem:v40+s17+$0x0] =	vst.idx.msk vm0, v29  }
0x215: {  	v53 =	vperm.xlane v39, v5;
	v41 =	vld [tilespmem:s4+$0xE8];
	v27 =	vmul.f32 v44, v51;
	[tilespmem:s22+$0xFFFFFEF0] =	vst v23  }
0x216: {  	v48 =	vld [tilespmem:s22+$0xFFFFFF40];
	v19 =	vmul.f32 v46, v55;
	v43 =	vperm.xlane v11, v6;
	[tilespmem:s22+$0xFFFFFF00] =	vst v10  }
0x217: {  	v20 =	vld [tilespmem:s22+$0xB8];
	v61 =	vperm.xlane v39, v8;
	v15 =	vmul.f32 v45, v53;
	[tilespmem:s22+$0xFFFFFF10] =	vst v27  }
0x218: {  	v30 =	vperm.xlane v39, v9;
	v52 =	vld [tilespmem:s22+$0xFFFFFF78];
	[tilespmem:s22+$0xFFFFFF30] =	vst v19;
	v14 =	vmul.f32 v14, v43  }
0x219: {  	v56 =	vld [tilespmem:s22+$0xFFFFFF88];
	v10 =	vperm.xlane v39, v7;
	[tilespmem:s22+$0xFFFFFF20] =	vst v15;
	v15 =	vmul.f32 v50, v61  }
0x21a: {  	v58 =	vld [tilespmem:s22+$0xFFFFFF98];
	v40 =	vperm.xlane v11, v5;
	v12 =	vmul.f32 v41, v12;
	[tilespmem:s22+$0xC8] =	vst v14  }
0x21b: {  	v57 =	vperm.xlane v25, v2;
	v60 =	vld [tilespmem:s22+$0xFFFFFFA8];
	v10 =	vmul.f32 v48, v10;
	[tilespmem:s22+$0xFFFFFF50] =	vst v15  }
0x21c: {  	v59 =	vperm.xlane v25, v3;
	v62 =	vld [tilespmem:s22+$0xFFFFFFB8];
	v20 =	vmul.f32 v20, v40;
	[tilespmem:s4+$0xE8] =	vst v12  }
0x21d: {  	v63 =	vperm.xlane v25, v4;
	v39 =	vld [tilespmem:s4+$0xD8];
	[tilespmem:s22+$0xFFFFFF40] =	vst v10;
	v16 =	vmul.f32 v52, v57  }
0x21e: {  	v32 =	vperm.xlane v25, v5;
	v34 =	vld [tilespmem:s22+$0xFFFFFFD8];
	[tilespmem:s22+$0xB8] =	vst v20;
	v27 =	vmul.f32 v56, v59  }
0x21f: {  	v33 =	vperm.xlane v25, v6;
	v45 =	vld [tilespmem:s22+$0x10];
	v19 =	vmul.f32 v58, v63;
	[tilespmem:s22+$0xFFFFFF78] =	vst v16  }
0x220: {  	v10 =	vld [tilespmem:s22+$0xFFFFFFC8];
	v18 =	vmul.f32 v60, v32;
	[tilespmem:s22+$0xFFFFFF88] =	vst v27  }
0x221: {  	v54 =	vld [tilespmem:s22+$0xFFFFFF60];
	v46 =	vperm.xlane v25, v8;
	v21 =	vmul.f32 v62, v33;
	[tilespmem:s22+$0xFFFFFF98] =	vst v19  }
0x222: {  	v24 =	vld [tilespmem:s22+$0x98];
	v51 =	vperm.xlane v29, v3;
	v13 =	vmul.f32 v39, v13;
	[tilespmem:s22+$0xFFFFFFA8] =	vst v18  }
0x223: {  	v42 =	vperm.xlane v25, v7;
	v49 =	vld [tilespmem:s22+$0x30];
	v15 =	vmul.f32 v34, v46;
	[tilespmem:s22+$0xFFFFFFB8] =	vst v21  }
0x224: {  	v36 =	vperm.xlane v11, v3;
	v44 =	vld [tilespmem:s22+$0x0];
	v14 =	vmul.f32 v45, v51;
	[tilespmem:s4+$0xD8] =	vst v13  }
0x225: {  	v53 =	vperm.xlane v29, v4;
	v50 =	vld [tilespmem:s22+$0x40];
	[tilespmem:s22+$0xFFFFFFD8] =	vst v15;
	v10 =	vmul.f32 v10, v42  }
0x226: {  	v55 =	vperm.xlane v29, v5;
	v47 =	vld [tilespmem:s22+$0x20];
	v16 =	vmul.f32 v54, v30;
	[tilespmem:s22+$0x10] =	vst v14  }
0x227: {  	v37 =	vld [tilespmem:s22+$0xFFFFFFE8];
	v19 =	vmul.f32 v24, v36;
	[tilespmem:s22+$0xFFFFFFC8] =	vst v10;
	v10 =	vperm.xlane v29, v2  }
0x228: {  	v52 =	vld [tilespmem:s22+$0x50];
	v57 =	vperm.xlane v29, v6;
	v15 =	vmul.f32 v49, v55;
	[tilespmem:s22+$0xFFFFFF60] =	vst v16  }
0x229: {  	v61 =	vperm.xlane v29, v9;
	v56 =	vld [tilespmem:s22+$0x70];
	[tilespmem:s22+$0x98] =	vst v19;
	v10 =	vmul.f32 v44, v10  }
0x22a: {  	v48 =	vperm.xlane v25, v9;
	v54 =	vld [tilespmem:s22+$0x60];
	v13 =	vmul.f32 v50, v57;
	[tilespmem:s22+$0x30] =	vst v15  }
0x22b: {  	v58 =	vperm.xlane v29, v7;
	v60 =	vld [tilespmem:s22+$0xE8];
	[tilespmem:s22+$0x0] =	vst v10;
	v10 =	vmul.f32 v47, v53  }
0x22c: {  	v59 =	vld [tilespmem:s22+$0xD8];
	v62 =	vperm.xlane v11, v7;
	v16 =	vmul.f32 v37, v48;
	[tilespmem:s22+$0x40] =	vst v13  }
0x22d: {  	v14 =	vmul.f32 v52, v58;
	[tilespmem:s22+$0x20] =	vst v10;
	v10 =	vperm.xlane v29, v8  }
0x22e: {  	v11 =	vperm.xlane v11, v8;
	v63 =	vmul.f32 v56, v61;
	[tilespmem:s22+$0xFFFFFFE8] =	vst v16  }
0x22f: {  	[tilespmem:s22+$0x50] =	vst v14;
	v10 =	vmul.f32 v54, v10  }
0x230: {  	s25 =	smul.u32 $0x140, s20;
	v11 =	vmul.f32 v60, v11;
	[tilespmem:s22+$0x70] =	vst v63  }
0x231: {  	[tilespmem:s22+$0x60] =	vst v10;
	v10 =	vmul.f32 v59, v62  }
0x232: {  	s4 =	sshra.s32 s25, $0x2;
	[tilespmem:s22+$0xE8] =	vst v11  }
.Ltmp8:
0x233: {  	s4 =	sadd.s32 $0x17318, s4;
	[tilespmem:s22+$0xD8] =	vst v10;
	(pc) =	sbr.rel .LBB2_10-.Ltmp8, $4  }
0x234: {  	[spmem:s9] =	stream.indirect.scatter.add.f32 [tilespmem:s17], [sflag:$0x5], $0x88, s4, s6, $0xb8;
	[tilespmem:$0x1F928] =	vst v63  }
0x235: {  	_ =	swait.ge [sflag:s3], $0x2A80  }
0x236: {  	[sflag:s3] =	ssyncset.done $0x0  }
0x237: {  	[sflag:s3] =	ssyncadd.s32 $0xFFFFD580  }
.LBB2_12:
0x238: {  	_ =	sfence.sel $0x180000  }
0x239: {  	[bflag:$0x0] =	sbarrier.arrive $0xFFFF  }
0x23a: {  	_ =	strace $0x90000047  }
0x23b: {  	s0 =	stileid.u32;
	[bflag:$0x2] =	sbarrier.arrive $0xFFFF  }
0x23c: {  	p0 =	sne.s32 s0, $0x0;
	s0 =	rddreg [dreg:$0x3]  }
0x23d: {  	s0 =	sadd.s32 @!p0 $0x100000, s0  }
0x23e: {  	[sflag:s0] =	ssyncadd.tile.s32 @!p0 $0x1;
	_ =	shalt  }
.Lfunc_end2:
_tile_overlayer_lowered:
.L_overlay_start_2:
0x23f: {  	(tag) =	ssettag $0x2  }
0x240: {  	s0 =	rddreg [dreg:$0x0];
	s2 =	stileid.u32  }
0x241: {  	s1 =	rddreg [dreg:$0x1];
	p0 =	sne.s32 s2, $0x0  }
0x242: {  	s3 =	rddreg [dreg:$0x2];
	[bflag:$0x3] =	sbarrier.arrive $0xFFFF;
	s2 =	simm.s32 @!p0 $0x1C05  }
0x243: {  	[timem:s3], [sflag:s2] =	dma.local @!p0 [hbm:s0], s1  }
0x244: {  	s0 =	simm.s32 @!p0 $0x5  }
0x245: {  	_ =	swait.ge @!p0 [sflag:s0], s1  }
0x246: {  	s1 =	ssub.s32 @!p0 $0x0, s1;
	[sflag:s0] =	ssyncset.done @!p0 $0x0  }
0x247: {  	[sflag:s0] =	ssyncadd.s32 @!p0 s1  }
0x248: {  	[bflag:$0x3] =	sbarrier.arrive $0xFFFF  }
0x249: {  	_ =	shalt  }

</sc_bundles>
